<compile_context>
chip_gen: v7x
topology: tpu7x:2x2x1
jax: 0.10.2.dev20260603
libtpu: 0.0.44.dev20260713+nightly
codegen_flags: <defaults>
</compile_context>

<pallas_src>
import functools

import jax
import jax.numpy as jnp
from jax import lax
from jax.experimental import pallas as pl
from jax.experimental.pallas import tpu as pltpu
from jax.experimental.pallas import tpu_sc as plsc

B, N, D_IN, D, H, K, PH = 4, 512, 3, 64, 4, 16, 64
PPAD = 16
TW = 4 * D
GROUPS = 2
NB_G = B // GROUPS
R_G = NB_G * N * K
_HI = jax.lax.Precision.HIGHEST
_MLP = jax.lax.Precision.DEFAULT

_NC, _NS = 2, 16
_NW = _NC * _NS
_RPW = R_G // _NW
_CH = 128
_NCHUNK = _RPW // _CH
_QB = NB_G * N


def _stage_a_body(xp_ref, posp_ref, post_ref, wqkv_ref, wp1_ref,
                  tab_ref, idx_ref):
    b = pl.program_id(0)
    xp = xp_ref[0]
    P = posp_ref[0]
    PT = post_ref[0]
    qkv = jnp.dot(xp, wqkv_ref[...],
                  preferred_element_type=jnp.float32, precision=_HI)
    tab_ref[0, :, :3 * D] = qkv
    tab_ref[0, :, 3 * D:] = jnp.dot(
        P, wp1_ref[...], preferred_element_type=jnp.float32, precision=_HI)

    t0 = P[:, 0:1] - PT[0:1, :]
    t1 = P[:, 1:2] - PT[1:2, :]
    t2 = P[:, 2:3] - PT[2:3, :]
    nd = jnp.sqrt(t0 * t0 + t1 * t1 + t2 * t2)

    jj = lax.broadcasted_iota(jnp.int32, (N, N), 1).astype(jnp.float32)

    off = jnp.int32(N) * b
    for t in range(K):
        m = jnp.min(nd, axis=1, keepdims=True)
        cand = jnp.where(nd <= m, jj, jnp.float32(N))
        amin = jnp.min(cand, axis=1, keepdims=True)
        idx_ref[0, :, pl.ds(t, 1)] = amin.astype(jnp.int32) + off
        nd = jnp.where(jj == amin, jnp.float32(3e38), nd)


def _stage_a(xp, posp, post, wqkv_p, wp1_p):
    return pl.pallas_call(
        _stage_a_body,
        grid=(NB_G,),
        in_specs=[
            pl.BlockSpec((1, N, PPAD), lambda b: (b, 0, 0)),
            pl.BlockSpec((1, N, PPAD), lambda b: (b, 0, 0)),
            pl.BlockSpec((1, PPAD, N), lambda b: (b, 0, 0)),
            pl.BlockSpec((PPAD, 3 * D), lambda b: (0, 0)),
            pl.BlockSpec((PPAD, PH), lambda b: (0, 0)),
        ],
        out_specs=[
            pl.BlockSpec((1, N, TW), lambda b: (b, 0, 0)),
            pl.BlockSpec((1, N, K), lambda b: (b, 0, 0)),
        ],
        out_shape=[
            jax.ShapeDtypeStruct((NB_G, N, TW), jnp.float32),
            jax.ShapeDtypeStruct((NB_G, N, K), jnp.int32),
        ],
    )(xp, posp, post, wqkv_p, wp1_p)


@functools.cache
def _make_stage_b():
    mesh = plsc.VectorSubcoreMesh(core_axis_name="c", subcore_axis_name="s",
                                  num_cores=_NC, num_subcores=_NS)
    _NB = 3

    @functools.partial(
        pl.kernel,
        out_type=jax.ShapeDtypeStruct((R_G, TW), jnp.float32),
        mesh=mesh,
        scratch_types=[
            pltpu.VMEM((_RPW,), jnp.int32),
            pltpu.VMEM((_CH, TW), jnp.float32),
            pltpu.VMEM((_CH, TW), jnp.float32),
            pltpu.VMEM((_CH, TW), jnp.float32),
            pltpu.SemaphoreType.DMA,
            pltpu.SemaphoreType.DMA,
            pltpu.SemaphoreType.DMA,
            pltpu.SemaphoreType.DMA,
            pltpu.SemaphoreType.DMA,
            pltpu.SemaphoreType.DMA,
        ],
    )
    def _stage_b(tab_hbm, idx_hbm, out_hbm, idx_v, row_v0, row_v1,
                 row_v2, gsem0, gsem1, gsem2, ssem0, ssem1, ssem2):
        wid = lax.axis_index("s") * _NC + lax.axis_index("c")
        base0 = wid * _RPW
        pltpu.sync_copy(idx_hbm.at[pl.ds(base0, _RPW)], idx_v)
        rows = (row_v0, row_v1, row_v2)
        gsems = (gsem0, gsem1, gsem2)
        ssems = (ssem0, ssem1, ssem2)
        gd = [None] * _NCHUNK
        sd = [None] * _NCHUNK
        for c in range(min(_NB, _NCHUNK)):
            gd[c] = pltpu.async_copy(
                tab_hbm.at[idx_v.at[pl.ds(c * _CH, _CH)]],
                rows[c % _NB], gsems[c % _NB])
        for c in range(_NCHUNK):
            gd[c].wait()
            sd[c] = pltpu.async_copy(
                rows[c % _NB], out_hbm.at[pl.ds(base0 + c * _CH, _CH)],
                ssems[c % _NB])
            if c + _NB < _NCHUNK:
                sd[c].wait()
                gd[c + _NB] = pltpu.async_copy(
                    tab_hbm.at[idx_v.at[pl.ds((c + _NB) * _CH, _CH)]],
                    rows[c % _NB], gsems[c % _NB])
        for c in range(max(_NCHUNK - _NB, 0), _NCHUNK):
            sd[c].wait()

    return _stage_b


def _stage_c_body(tq_ref, gath_ref, wp2_ref, bp2_ref, wa1_ref, ba1_ref,
                  wa2_ref, ba2_ref, bp1_ref, out_ref):
    tq = tq_ref[...]
    q = tq[:, :D]
    a1q = tq[:, 3 * D:]
    gf = gath_ref[...].reshape(K * _QB, TW)
    kk = gf[:, D:2 * D]
    vv0 = gf[:, 2 * D:3 * D]
    a1j = gf[:, 3 * D:]

    qb = jnp.broadcast_to(q[None], (K, _QB, D)).reshape(K * _QB, D)
    a1qb = jnp.broadcast_to(a1q[None], (K, _QB, D)).reshape(K * _QB, D)

    pre = jnp.maximum(a1qb - a1j + bp1_ref[...], 0.0)
    pe = jnp.dot(pre, wp2_ref[...],
                 preferred_element_type=jnp.float32, precision=_MLP) \
        + bp2_ref[...]
    h = jnp.maximum(
        jnp.dot(qb - kk + pe, wa1_ref[...],
                preferred_element_type=jnp.float32, precision=_MLP)
        + ba1_ref[...], 0.0)
    sim = jnp.dot(h, wa2_ref[...],
                  preferred_element_type=jnp.float32, precision=_MLP) \
        + ba2_ref[...]
    vv = vv0 + pe

    sim3 = sim.reshape(K, _QB, D)
    vv3 = vv.reshape(K, _QB, D)
    m = sim3[0]
    num = vv3[0]
    den = jnp.ones_like(m)
    for k in range(1, K):
        s = sim3[k]
        m2 = jnp.maximum(m, s)
        a = jnp.exp(m - m2)
        e = jnp.exp(s - m2)
        num = num * a + e * vv3[k]
        den = den * a + e
        m = m2
    out_ref[...] = num / den


def _stage_c(tab_flat, gath, wp2, bp2, wa1, ba1, wa2, ba2, bp1):
    return pl.pallas_call(
        _stage_c_body,
        grid=(1,),
        in_specs=[
            pl.BlockSpec((_QB, TW), lambda i: (i, 0)),
            pl.BlockSpec((K, _QB, TW), lambda i: (0, i, 0)),
            pl.BlockSpec((PH, D), lambda i: (0, 0)),
            pl.BlockSpec((1, D), lambda i: (0, 0)),
            pl.BlockSpec((D, D * H), lambda i: (0, 0)),
            pl.BlockSpec((1, D * H), lambda i: (0, 0)),
            pl.BlockSpec((D * H, D), lambda i: (0, 0)),
            pl.BlockSpec((1, D), lambda i: (0, 0)),
            pl.BlockSpec((1, PH), lambda i: (0, 0)),
        ],
        out_specs=pl.BlockSpec((_QB, D), lambda i: (i, 0)),
        out_shape=jax.ShapeDtypeStruct((_QB, D), jnp.float32),
    )(tab_flat, gath, wp2, bp2, wa1, ba1, wa2, ba2, bp1)


def kernel(x, pos, Wqkv, Wp1, bp1, Wp2, bp2, Wa1, ba1, Wa2, ba2):
    xp = jnp.pad(x, ((0, 0), (0, 0), (0, PPAD - D_IN)))
    posp = jnp.pad(pos, ((0, 0), (0, 0), (0, PPAD - D_IN)))
    post = jnp.transpose(posp, (0, 2, 1))
    wqkv_p = jnp.pad(Wqkv, ((0, PPAD - D_IN), (0, 0)))
    wp1_p = jnp.pad(Wp1, ((0, PPAD - D_IN), (0, 0)))
    bp1r = bp1.reshape(1, PH)
    bp2r = bp2.reshape(1, D)
    ba1r = ba1.reshape(1, D * H)
    ba2r = ba2.reshape(1, D)

    stage_b = _make_stage_b()
    outs = []
    for g in range(GROUPS):
        lo, hi = g * NB_G, (g + 1) * NB_G
        tab, idx = _stage_a(xp[lo:hi], posp[lo:hi], post[lo:hi],
                            wqkv_p, wp1_p)
        idx_t = jnp.transpose(idx, (2, 0, 1)).reshape(R_G)
        tab_flat = tab.reshape(NB_G * N, TW)
        gath = stage_b(tab_flat, idx_t)
        outs.append(_stage_c(
            tab_flat, gath.reshape(K, NB_G * N, TW),
            Wp2, bp2r, Wa1, ba1r, Wa2, ba2r, bp1r))
    return jnp.concatenate(outs, axis=0).reshape(B, N, D)

# --- scband reference (transcript-rebuilt; emitter-appended) ---
"""Pipeline reference for scband-point-transformer-layer-55009941127307 (READ-ONLY COPY).

The authoritative reference and input builder live on the scoring server;
editing this copy changes nothing except your own understanding.
"""

import jax, jax.numpy as jnp
import numpy as np

B, N, D_IN, D, H, K, PH = 4, 512, 3, 64, 4, 16, 64

def setup_inputs(seed: int = 0) -> dict:
    key = jax.random.key(seed)
    ks = jax.random.split(key, 8)
    def lin(k, fin, fout):
        return jax.random.normal(k, (fin, fout), dtype=jnp.float32) / np.sqrt(fin)
    return {
        "x": jax.random.normal(ks[0], (B, N, D_IN), dtype=jnp.float32),
        "pos": jax.random.normal(ks[1], (B, N, D_IN), dtype=jnp.float32),
        "Wqkv": lin(ks[2], D_IN, 3 * D),
        "Wp1": lin(ks[3], 3, PH), "bp1": jnp.zeros((PH,), jnp.float32),
        "Wp2": lin(ks[4], PH, D), "bp2": jnp.zeros((D,), jnp.float32),
        "Wa1": lin(ks[5], D, D * H), "ba1": jnp.zeros((D * H,), jnp.float32),
        "Wa2": lin(ks[6], D * H, D), "ba2": jnp.zeros((D,), jnp.float32),
    }

def reference(x, pos, Wqkv, Wp1, bp1, Wp2, bp2, Wa1, ba1, Wa2, ba2):
    qkv = x @ Wqkv
    q, k, v = jnp.split(qkv, 3, axis=-1)
    rel_pos = pos[:, :, None, :] - pos[:, None, :, :]              # [B,N,N,3]
    rel_pos_emb = jax.nn.relu(rel_pos @ Wp1 + bp1) @ Wp2 + bp2     # [B,N,N,D]
    qk_rel = q[:, :, None, :] - k[:, None, :, :]                   # [B,N,N,D]
    v_exp = jnp.broadcast_to(v[:, None, :, :], (B, N, N, D))       # [B,N,N,D]
    rel_dist = jnp.linalg.norm(rel_pos, axis=-1)                   # [B,N,N]
    _, idx = jax.lax.top_k(-rel_dist, K)                           # smallest-K dists, [B,N,K]
    idx_b = jnp.broadcast_to(idx[..., None], (B, N, K, D))
    v_sel = jnp.take_along_axis(v_exp, idx_b, axis=2)
    qk_sel = jnp.take_along_axis(qk_rel, idx_b, axis=2)
    pe_sel = jnp.take_along_axis(rel_pos_emb, idx_b, axis=2)
    v_sel = v_sel + pe_sel
    sim = jax.nn.relu((qk_sel + pe_sel) @ Wa1 + ba1) @ Wa2 + ba2   # [B,N,K,D]
    attn = jax.nn.softmax(sim, axis=-2)
    agg = jnp.sum(attn * v_sel, axis=2)                            # [B,N,D]
    return agg

if __name__ == "__main__":
    import jax
    _d = setup_inputs()
    print(jax.jit(kernel)(*tuple(_d.values())))

</pallas_src>

<mosaic_0001>
#map = affine_map<(d0, d1) -> (0, 0)>
#map1 = affine_map<(d0, d1) -> (0)>
module attributes {stable_mosaic.version = 14 : i64} {
  func.func @_stage_b(%arg0: i32, %arg1: i32, %arg2: memref<1024x256xf32, #tpu.memory_space<hbm>>, %arg3: memref<16384xi32, #tpu.memory_space<hbm>>, %arg4: memref<16384x256xf32, #tpu.memory_space<hbm>>, %arg5: memref<512xi32, #tpu.memory_space<vmem>>, %arg6: memref<128x256xf32, #tpu.memory_space<vmem>>, %arg7: memref<128x256xf32, #tpu.memory_space<vmem>>, %arg8: memref<128x256xf32, #tpu.memory_space<vmem>>, %arg9: memref<!tpu.dma_semaphore, #tpu.memory_space<semaphore_mem>>, %arg10: memref<!tpu.dma_semaphore, #tpu.memory_space<semaphore_mem>>, %arg11: memref<!tpu.dma_semaphore, #tpu.memory_space<semaphore_mem>>, %arg12: memref<!tpu.dma_semaphore, #tpu.memory_space<semaphore_mem>>, %arg13: memref<!tpu.dma_semaphore, #tpu.memory_space<semaphore_mem>>, %arg14: memref<!tpu.dma_semaphore, #tpu.memory_space<semaphore_mem>>) attributes {dimension_semantics = [#tpu.dimension_semantics<core_parallel>, #tpu.dimension_semantics<subcore_parallel>], iteration_bounds = array<i64: 2, 16>, scalar_prefetch = 0 : i64, scratch_operands = 10 : i64, tpu.core_type = #tpu.core_type<sc_vector_subcore>, window_params = [{transform_indices = #map}, {transform_indices = #map1}, {transform_indices = #map}]} {
    %mul3A = arith.constant 2 : i32
    %mul3A_0 = arith.muli %arg1, %mul3A : i32
    %add3A = arith.addi %mul3A_0, %arg0 : i32
    %mul3A_1 = arith.constant 512 : i32
    %mul3A_2 = arith.muli %add3A, %mul3A_1 : i32
    "tpu.region"() ({
      %run_scoped3A = tpu.sem_alloc : memref<!tpu.dma_semaphore, #tpu.memory_space<semaphore_mem>>
      %dma_start3A_81 = tpu.memref_slice %arg3[%mul3A_2] : memref<16384xi32, #tpu.memory_space<hbm>> -> memref<512xi32, #tpu.memory_space<hbm>>
      %dma_start3A_82 = tpu.memref_slice %arg3[%mul3A_2] : memref<16384xi32, #tpu.memory_space<hbm>> -> memref<512xi32, #tpu.memory_space<hbm>>
      tpu.enqueue_dma source(%dma_start3A_82 : memref<512xi32, #tpu.memory_space<hbm>>) target(%arg5 : memref<512xi32, #tpu.memory_space<vmem>>) target_semaphore(%run_scoped3A : memref<!tpu.dma_semaphore, #tpu.memory_space<semaphore_mem>>)
      %dma_wait3A_83 = tpu.memref_slice %arg3[%mul3A_2] : memref<16384xi32, #tpu.memory_space<hbm>> -> memref<512xi32, #tpu.memory_space<hbm>>
      %dma_wait3A_84 = tpu.memref_slice %arg3[%mul3A_2] : memref<16384xi32, #tpu.memory_space<hbm>> -> memref<512xi32, #tpu.memory_space<hbm>>
      tpu.wait_dma2 semaphore(%run_scoped3A : memref<!tpu.dma_semaphore, #tpu.memory_space<semaphore_mem>>) src(%dma_wait3A_84 : memref<512xi32, #tpu.memory_space<hbm>>) dst(%arg5 : memref<512xi32, #tpu.memory_space<vmem>>)
      tpu.yield
    }) : () -> ()
    %dma_start3A = arith.constant 0 : i32
    %dma_start3A_3 = tpu.memref_slice %arg5[%dma_start3A] : memref<512xi32, #tpu.memory_space<vmem>> -> memref<128xi32, #tpu.memory_space<vmem>>
    %dma_start3A_4 = arith.constant 0 : i32
    %dma_start3A_5 = arith.constant 0 : i32
    %dma_start3A_6 = tpu.memref_slice %arg2[%dma_start3A_4, %dma_start3A_5] : memref<1024x256xf32, #tpu.memory_space<hbm>> -> memref<1024x256xf32, #tpu.memory_space<hbm>>
    tpu.enqueue_indirect_dma source(%dma_start3A_6 : memref<1024x256xf32, #tpu.memory_space<hbm>>) target(%arg6 : memref<128x256xf32, #tpu.memory_space<vmem>>) offsets(%dma_start3A_3 : memref<128xi32, #tpu.memory_space<vmem>>) semaphore(%arg9 : memref<!tpu.dma_semaphore, #tpu.memory_space<semaphore_mem>>)
    %dma_start3A_7 = arith.constant 128 : i32
    %dma_start3A_8 = tpu.memref_slice %arg5[%dma_start3A_7] : memref<512xi32, #tpu.memory_space<vmem>> -> memref<128xi32, #tpu.memory_space<vmem>>
    %dma_start3A_9 = arith.constant 0 : i32
    %dma_start3A_10 = arith.constant 0 : i32
    %dma_start3A_11 = tpu.memref_slice %arg2[%dma_start3A_9, %dma_start3A_10] : memref<1024x256xf32, #tpu.memory_space<hbm>> -> memref<1024x256xf32, #tpu.memory_space<hbm>>
    tpu.enqueue_indirect_dma source(%dma_start3A_11 : memref<1024x256xf32, #tpu.memory_space<hbm>>) target(%arg7 : memref<128x256xf32, #tpu.memory_space<vmem>>) offsets(%dma_start3A_8 : memref<128xi32, #tpu.memory_space<vmem>>) semaphore(%arg10 : memref<!tpu.dma_semaphore, #tpu.memory_space<semaphore_mem>>)
    %dma_start3A_12 = arith.constant 256 : i32
    %dma_start3A_13 = tpu.memref_slice %arg5[%dma_start3A_12] : memref<512xi32, #tpu.memory_space<vmem>> -> memref<128xi32, #tpu.memory_space<vmem>>
    %dma_start3A_14 = arith.constant 0 : i32
    %dma_start3A_15 = arith.constant 0 : i32
    %dma_start3A_16 = tpu.memref_slice %arg2[%dma_start3A_14, %dma_start3A_15] : memref<1024x256xf32, #tpu.memory_space<hbm>> -> memref<1024x256xf32, #tpu.memory_space<hbm>>
    tpu.enqueue_indirect_dma source(%dma_start3A_16 : memref<1024x256xf32, #tpu.memory_space<hbm>>) target(%arg8 : memref<128x256xf32, #tpu.memory_space<vmem>>) offsets(%dma_start3A_13 : memref<128xi32, #tpu.memory_space<vmem>>) semaphore(%arg11 : memref<!tpu.dma_semaphore, #tpu.memory_space<semaphore_mem>>)
    %dma_wait3A = arith.constant 0 : i32
    %dma_wait3A_17 = tpu.memref_slice %arg5[%dma_wait3A] : memref<512xi32, #tpu.memory_space<vmem>> -> memref<128xi32, #tpu.memory_space<vmem>>
    %dma_wait3A_18 = arith.constant 0 : i32
    %dma_wait3A_19 = arith.constant 0 : i32
    %dma_wait3A_20 = tpu.memref_slice %arg2[%dma_wait3A_18, %dma_wait3A_19] : memref<1024x256xf32, #tpu.memory_space<hbm>> -> memref<1024x256xf32, #tpu.memory_space<hbm>>
    tpu.wait_indirect_dma semaphore(%arg9 : memref<!tpu.dma_semaphore, #tpu.memory_space<semaphore_mem>>) src(%dma_wait3A_20 : memref<1024x256xf32, #tpu.memory_space<hbm>>) dst(%arg6 : memref<128x256xf32, #tpu.memory_space<vmem>>)
    %add3A_21 = arith.constant 0 : i32
    %add3A_22 = arith.addi %mul3A_2, %add3A_21 : i32
    %dma_start3A_23 = arith.constant 0 : i32
    %dma_start3A_24 = tpu.memref_slice %arg4[%add3A_22, %dma_start3A_23] : memref<16384x256xf32, #tpu.memory_space<hbm>> -> memref<128x256xf32, #tpu.memory_space<hbm>>
    %dma_start3A_25 = arith.constant 0 : i32
    %dma_start3A_26 = tpu.memref_slice %arg4[%add3A_22, %dma_start3A_25] : memref<16384x256xf32, #tpu.memory_space<hbm>> -> memref<128x256xf32, #tpu.memory_space<hbm>>
    tpu.enqueue_dma source(%arg6 : memref<128x256xf32, #tpu.memory_space<vmem>>) target(%dma_start3A_26 : memref<128x256xf32, #tpu.memory_space<hbm>>) target_semaphore(%arg12 : memref<!tpu.dma_semaphore, #tpu.memory_space<semaphore_mem>>)
    %dma_wait3A_27 = arith.constant 0 : i32
    %dma_wait3A_28 = tpu.memref_slice %arg4[%add3A_22, %dma_wait3A_27] : memref<16384x256xf32, #tpu.memory_space<hbm>> -> memref<128x256xf32, #tpu.memory_space<hbm>>
    %dma_wait3A_29 = arith.constant 0 : i32
    %dma_wait3A_30 = tpu.memref_slice %arg4[%add3A_22, %dma_wait3A_29] : memref<16384x256xf32, #tpu.memory_space<hbm>> -> memref<128x256xf32, #tpu.memory_space<hbm>>
    tpu.wait_dma2 semaphore(%arg12 : memref<!tpu.dma_semaphore, #tpu.memory_space<semaphore_mem>>) src(%arg6 : memref<128x256xf32, #tpu.memory_space<vmem>>) dst(%dma_wait3A_30 : memref<128x256xf32, #tpu.memory_space<hbm>>)
    %dma_start3A_31 = arith.constant 384 : i32
    %dma_start3A_32 = tpu.memref_slice %arg5[%dma_start3A_31] : memref<512xi32, #tpu.memory_space<vmem>> -> memref<128xi32, #tpu.memory_space<vmem>>
    %dma_start3A_33 = arith.constant 0 : i32
    %dma_start3A_34 = arith.constant 0 : i32
    %dma_start3A_35 = tpu.memref_slice %arg2[%dma_start3A_33, %dma_start3A_34] : memref<1024x256xf32, #tpu.memory_space<hbm>> -> memref<1024x256xf32, #tpu.memory_space<hbm>>
    tpu.enqueue_indirect_dma source(%dma_start3A_35 : memref<1024x256xf32, #tpu.memory_space<hbm>>) target(%arg6 : memref<128x256xf32, #tpu.memory_space<vmem>>) offsets(%dma_start3A_32 : memref<128xi32, #tpu.memory_space<vmem>>) semaphore(%arg9 : memref<!tpu.dma_semaphore, #tpu.memory_space<semaphore_mem>>)
    %dma_wait3A_36 = arith.constant 128 : i32
    %dma_wait3A_37 = tpu.memref_slice %arg5[%dma_wait3A_36] : memref<512xi32, #tpu.memory_space<vmem>> -> memref<128xi32, #tpu.memory_space<vmem>>
    %dma_wait3A_38 = arith.constant 0 : i32
    %dma_wait3A_39 = arith.constant 0 : i32
    %dma_wait3A_40 = tpu.memref_slice %arg2[%dma_wait3A_38, %dma_wait3A_39] : memref<1024x256xf32, #tpu.memory_space<hbm>> -> memref<1024x256xf32, #tpu.memory_space<hbm>>
    tpu.wait_indirect_dma semaphore(%arg10 : memref<!tpu.dma_semaphore, #tpu.memory_space<semaphore_mem>>) src(%dma_wait3A_40 : memref<1024x256xf32, #tpu.memory_space<hbm>>) dst(%arg7 : memref<128x256xf32, #tpu.memory_space<vmem>>)
    %add3A_41 = arith.constant 128 : i32
    %add3A_42 = arith.addi %mul3A_2, %add3A_41 : i32
    %dma_start3A_43 = arith.constant 0 : i32
    %dma_start3A_44 = tpu.memref_slice %arg4[%add3A_42, %dma_start3A_43] : memref<16384x256xf32, #tpu.memory_space<hbm>> -> memref<128x256xf32, #tpu.memory_space<hbm>>
    %dma_start3A_45 = arith.constant 0 : i32
    %dma_start3A_46 = tpu.memref_slice %arg4[%add3A_42, %dma_start3A_45] : memref<16384x256xf32, #tpu.memory_space<hbm>> -> memref<128x256xf32, #tpu.memory_space<hbm>>
    tpu.enqueue_dma source(%arg7 : memref<128x256xf32, #tpu.memory_space<vmem>>) target(%dma_start3A_46 : memref<128x256xf32, #tpu.memory_space<hbm>>) target_semaphore(%arg13 : memref<!tpu.dma_semaphore, #tpu.memory_space<semaphore_mem>>)
    %dma_wait3A_47 = arith.constant 256 : i32
    %dma_wait3A_48 = tpu.memref_slice %arg5[%dma_wait3A_47] : memref<512xi32, #tpu.memory_space<vmem>> -> memref<128xi32, #tpu.memory_space<vmem>>
    %dma_wait3A_49 = arith.constant 0 : i32
    %dma_wait3A_50 = arith.constant 0 : i32
    %dma_wait3A_51 = tpu.memref_slice %arg2[%dma_wait3A_49, %dma_wait3A_50] : memref<1024x256xf32, #tpu.memory_space<hbm>> -> memref<1024x256xf32, #tpu.memory_space<hbm>>
    tpu.wait_indirect_dma semaphore(%arg11 : memref<!tpu.dma_semaphore, #tpu.memory_space<semaphore_mem>>) src(%dma_wait3A_51 : memref<1024x256xf32, #tpu.memory_space<hbm>>) dst(%arg8 : memref<128x256xf32, #tpu.memory_space<vmem>>)
    %add3A_52 = arith.constant 256 : i32
    %add3A_53 = arith.addi %mul3A_2, %add3A_52 : i32
    %dma_start3A_54 = arith.constant 0 : i32
    %dma_start3A_55 = tpu.memref_slice %arg4[%add3A_53, %dma_start3A_54] : memref<16384x256xf32, #tpu.memory_space<hbm>> -> memref<128x256xf32, #tpu.memory_space<hbm>>
    %dma_start3A_56 = arith.constant 0 : i32
    %dma_start3A_57 = tpu.memref_slice %arg4[%add3A_53, %dma_start3A_56] : memref<16384x256xf32, #tpu.memory_space<hbm>> -> memref<128x256xf32, #tpu.memory_space<hbm>>
    tpu.enqueue_dma source(%arg8 : memref<128x256xf32, #tpu.memory_space<vmem>>) target(%dma_start3A_57 : memref<128x256xf32, #tpu.memory_space<hbm>>) target_semaphore(%arg14 : memref<!tpu.dma_semaphore, #tpu.memory_space<semaphore_mem>>)
    %dma_wait3A_58 = arith.constant 384 : i32
    %dma_wait3A_59 = tpu.memref_slice %arg5[%dma_wait3A_58] : memref<512xi32, #tpu.memory_space<vmem>> -> memref<128xi32, #tpu.memory_space<vmem>>
    %dma_wait3A_60 = arith.constant 0 : i32
    %dma_wait3A_61 = arith.constant 0 : i32
    %dma_wait3A_62 = tpu.memref_slice %arg2[%dma_wait3A_60, %dma_wait3A_61] : memref<1024x256xf32, #tpu.memory_space<hbm>> -> memref<1024x256xf32, #tpu.memory_space<hbm>>
    tpu.wait_indirect_dma semaphore(%arg9 : memref<!tpu.dma_semaphore, #tpu.memory_space<semaphore_mem>>) src(%dma_wait3A_62 : memref<1024x256xf32, #tpu.memory_space<hbm>>) dst(%arg6 : memref<128x256xf32, #tpu.memory_space<vmem>>)
    %add3A_63 = arith.constant 384 : i32
    %add3A_64 = arith.addi %mul3A_2, %add3A_63 : i32
    %dma_start3A_65 = arith.constant 0 : i32
    %dma_start3A_66 = tpu.memref_slice %arg4[%add3A_64, %dma_start3A_65] : memref<16384x256xf32, #tpu.memory_space<hbm>> -> memref<128x256xf32, #tpu.memory_space<hbm>>
    %dma_start3A_67 = arith.constant 0 : i32
    %dma_start3A_68 = tpu.memref_slice %arg4[%add3A_64, %dma_start3A_67] : memref<16384x256xf32, #tpu.memory_space<hbm>> -> memref<128x256xf32, #tpu.memory_space<hbm>>
    tpu.enqueue_dma source(%arg6 : memref<128x256xf32, #tpu.memory_space<vmem>>) target(%dma_start3A_68 : memref<128x256xf32, #tpu.memory_space<hbm>>) target_semaphore(%arg12 : memref<!tpu.dma_semaphore, #tpu.memory_space<semaphore_mem>>)
    %dma_wait3A_69 = arith.constant 0 : i32
    %dma_wait3A_70 = tpu.memref_slice %arg4[%add3A_42, %dma_wait3A_69] : memref<16384x256xf32, #tpu.memory_space<hbm>> -> memref<128x256xf32, #tpu.memory_space<hbm>>
    %dma_wait3A_71 = arith.constant 0 : i32
    %dma_wait3A_72 = tpu.memref_slice %arg4[%add3A_42, %dma_wait3A_71] : memref<16384x256xf32, #tpu.memory_space<hbm>> -> memref<128x256xf32, #tpu.memory_space<hbm>>
    tpu.wait_dma2 semaphore(%arg13 : memref<!tpu.dma_semaphore, #tpu.memory_space<semaphore_mem>>) src(%arg7 : memref<128x256xf32, #tpu.memory_space<vmem>>) dst(%dma_wait3A_72 : memref<128x256xf32, #tpu.memory_space<hbm>>)
    %dma_wait3A_73 = arith.constant 0 : i32
    %dma_wait3A_74 = tpu.memref_slice %arg4[%add3A_53, %dma_wait3A_73] : memref<16384x256xf32, #tpu.memory_space<hbm>> -> memref<128x256xf32, #tpu.memory_space<hbm>>
    %dma_wait3A_75 = arith.constant 0 : i32
    %dma_wait3A_76 = tpu.memref_slice %arg4[%add3A_53, %dma_wait3A_75] : memref<16384x256xf32, #tpu.memory_space<hbm>> -> memref<128x256xf32, #tpu.memory_space<hbm>>
    tpu.wait_dma2 semaphore(%arg14 : memref<!tpu.dma_semaphore, #tpu.memory_space<semaphore_mem>>) src(%arg8 : memref<128x256xf32, #tpu.memory_space<vmem>>) dst(%dma_wait3A_76 : memref<128x256xf32, #tpu.memory_space<hbm>>)
    %dma_wait3A_77 = arith.constant 0 : i32
    %dma_wait3A_78 = tpu.memref_slice %arg4[%add3A_64, %dma_wait3A_77] : memref<16384x256xf32, #tpu.memory_space<hbm>> -> memref<128x256xf32, #tpu.memory_space<hbm>>
    %dma_wait3A_79 = arith.constant 0 : i32
    %dma_wait3A_80 = tpu.memref_slice %arg4[%add3A_64, %dma_wait3A_79] : memref<16384x256xf32, #tpu.memory_space<hbm>> -> memref<128x256xf32, #tpu.memory_space<hbm>>
    tpu.wait_dma2 semaphore(%arg12 : memref<!tpu.dma_semaphore, #tpu.memory_space<semaphore_mem>>) src(%arg6 : memref<128x256xf32, #tpu.memory_space<vmem>>) dst(%dma_wait3A_80 : memref<128x256xf32, #tpu.memory_space<hbm>>)
    return
  }
}

#map = affine_map<(d0, d1) -> (0, 0)>
#map1 = affine_map<(d0, d1) -> (0)>
module attributes {stable_mosaic.version = 14 : i64} {
  func.func @_stage_b(%arg0: i32, %arg1: i32, %arg2: memref<1024x256xf32, #tpu.memory_space<hbm>>, %arg3: memref<16384xi32, #tpu.memory_space<hbm>>, %arg4: memref<16384x256xf32, #tpu.memory_space<hbm>>, %arg5: memref<512xi32, #tpu.memory_space<vmem>>, %arg6: memref<128x256xf32, #tpu.memory_space<vmem>>, %arg7: memref<128x256xf32, #tpu.memory_space<vmem>>, %arg8: memref<128x256xf32, #tpu.memory_space<vmem>>, %arg9: memref<!tpu.dma_semaphore, #tpu.memory_space<semaphore_mem>>, %arg10: memref<!tpu.dma_semaphore, #tpu.memory_space<semaphore_mem>>, %arg11: memref<!tpu.dma_semaphore, #tpu.memory_space<semaphore_mem>>, %arg12: memref<!tpu.dma_semaphore, #tpu.memory_space<semaphore_mem>>, %arg13: memref<!tpu.dma_semaphore, #tpu.memory_space<semaphore_mem>>, %arg14: memref<!tpu.dma_semaphore, #tpu.memory_space<semaphore_mem>>) attributes {dimension_semantics = [#tpu.dimension_semantics<core_parallel>, #tpu.dimension_semantics<subcore_parallel>], iteration_bounds = array<i64: 2, 16>, scalar_prefetch = 0 : i64, scratch_operands = 10 : i64, tpu.core_type = #tpu.core_type<sc_vector_subcore>, window_params = [{transform_indices = #map}, {transform_indices = #map1}, {transform_indices = #map}]} {
    %mul3A = arith.constant 2 : i32
    %mul3A_0 = arith.muli %arg1, %mul3A : i32
    %add3A = arith.addi %mul3A_0, %arg0 : i32
    %mul3A_1 = arith.constant 512 : i32
    %mul3A_2 = arith.muli %add3A, %mul3A_1 : i32
    "tpu.region"() ({
      %run_scoped3A = tpu.sem_alloc : memref<!tpu.dma_semaphore, #tpu.memory_space<semaphore_mem>>
      %dma_start3A_81 = tpu.memref_slice %arg3[%mul3A_2] : memref<16384xi32, #tpu.memory_space<hbm>> -> memref<512xi32, #tpu.memory_space<hbm>>
      %dma_start3A_82 = tpu.memref_slice %arg3[%mul3A_2] : memref<16384xi32, #tpu.memory_space<hbm>> -> memref<512xi32, #tpu.memory_space<hbm>>
      tpu.enqueue_dma source(%dma_start3A_82 : memref<512xi32, #tpu.memory_space<hbm>>) target(%arg5 : memref<512xi32, #tpu.memory_space<vmem>>) target_semaphore(%run_scoped3A : memref<!tpu.dma_semaphore, #tpu.memory_space<semaphore_mem>>)
      %dma_wait3A_83 = tpu.memref_slice %arg3[%mul3A_2] : memref<16384xi32, #tpu.memory_space<hbm>> -> memref<512xi32, #tpu.memory_space<hbm>>
      %dma_wait3A_84 = tpu.memref_slice %arg3[%mul3A_2] : memref<16384xi32, #tpu.memory_space<hbm>> -> memref<512xi32, #tpu.memory_space<hbm>>
      tpu.wait_dma2 semaphore(%run_scoped3A : memref<!tpu.dma_semaphore, #tpu.memory_space<semaphore_mem>>) src(%dma_wait3A_84 : memref<512xi32, #tpu.memory_space<hbm>>) dst(%arg5 : memref<512xi32, #tpu.memory_space<vmem>>)
      tpu.yield
    }) : () -> ()
    %dma_start3A = arith.constant 0 : i32
    %dma_start3A_3 = tpu.memref_slice %arg5[%dma_start3A] : memref<512xi32, #tpu.memory_space<vmem>> -> memref<128xi32, #tpu.memory_space<vmem>>
    %dma_start3A_4 = arith.constant 0 : i32
    %dma_start3A_5 = arith.constant 0 : i32
    %dma_start3A_6 = tpu.memref_slice %arg2[%dma_start3A_4, %dma_start3A_5] : memref<1024x256xf32, #tpu.memory_space<hbm>> -> memref<1024x256xf32, #tpu.memory_space<hbm>>
    tpu.enqueue_indirect_dma source(%dma_start3A_6 : memref<1024x256xf32, #tpu.memory_space<hbm>>) target(%arg6 : memref<128x256xf32, #tpu.memory_space<vmem>>) offsets(%dma_start3A_3 : memref<128xi32, #tpu.memory_space<vmem>>) semaphore(%arg9 : memref<!tpu.dma_semaphore, #tpu.memory_space<semaphore_mem>>)
    %dma_start3A_7 = arith.constant 128 : i32
    %dma_start3A_8 = tpu.memref_slice %arg5[%dma_start3A_7] : memref<512xi32, #tpu.memory_space<vmem>> -> memref<128xi32, #tpu.memory_space<vmem>>
    %dma_start3A_9 = arith.constant 0 : i32
    %dma_start3A_10 = arith.constant 0 : i32
    %dma_start3A_11 = tpu.memref_slice %arg2[%dma_start3A_9, %dma_start3A_10] : memref<1024x256xf32, #tpu.memory_space<hbm>> -> memref<1024x256xf32, #tpu.memory_space<hbm>>
    tpu.enqueue_indirect_dma source(%dma_start3A_11 : memref<1024x256xf32, #tpu.memory_space<hbm>>) target(%arg7 : memref<128x256xf32, #tpu.memory_space<vmem>>) offsets(%dma_start3A_8 : memref<128xi32, #tpu.memory_space<vmem>>) semaphore(%arg10 : memref<!tpu.dma_semaphore, #tpu.memory_space<semaphore_mem>>)
    %dma_start3A_12 = arith.constant 256 : i32
    %dma_start3A_13 = tpu.memref_slice %arg5[%dma_start3A_12] : memref<512xi32, #tpu.memory_space<vmem>> -> memref<128xi32, #tpu.memory_space<vmem>>
    %dma_start3A_14 = arith.constant 0 : i32
    %dma_start3A_15 = arith.constant 0 : i32
    %dma_start3A_16 = tpu.memref_slice %arg2[%dma_start3A_14, %dma_start3A_15] : memref<1024x256xf32, #tpu.memory_space<hbm>> -> memref<1024x256xf32, #tpu.memory_space<hbm>>
    tpu.enqueue_indirect_dma source(%dma_start3A_16 : memref<1024x256xf32, #tpu.memory_space<hbm>>) target(%arg8 : memref<128x256xf32, #tpu.memory_space<vmem>>) offsets(%dma_start3A_13 : memref<128xi32, #tpu.memory_space<vmem>>) semaphore(%arg11 : memref<!tpu.dma_semaphore, #tpu.memory_space<semaphore_mem>>)
    %dma_wait3A = arith.constant 0 : i32
    %dma_wait3A_17 = tpu.memref_slice %arg5[%dma_wait3A] : memref<512xi32, #tpu.memory_space<vmem>> -> memref<128xi32, #tpu.memory_space<vmem>>
    %dma_wait3A_18 = arith.constant 0 : i32
    %dma_wait3A_19 = arith.constant 0 : i32
    %dma_wait3A_20 = tpu.memref_slice %arg2[%dma_wait3A_18, %dma_wait3A_19] : memref<1024x256xf32, #tpu.memory_space<hbm>> -> memref<1024x256xf32, #tpu.memory_space<hbm>>
    tpu.wait_indirect_dma semaphore(%arg9 : memref<!tpu.dma_semaphore, #tpu.memory_space<semaphore_mem>>) src(%dma_wait3A_20 : memref<1024x256xf32, #tpu.memory_space<hbm>>) dst(%arg6 : memref<128x256xf32, #tpu.memory_space<vmem>>)
    %add3A_21 = arith.constant 0 : i32
    %add3A_22 = arith.addi %mul3A_2, %add3A_21 : i32
    %dma_start3A_23 = arith.constant 0 : i32
    %dma_start3A_24 = tpu.memref_slice %arg4[%add3A_22, %dma_start3A_23] : memref<16384x256xf32, #tpu.memory_space<hbm>> -> memref<128x256xf32, #tpu.memory_space<hbm>>
    %dma_start3A_25 = arith.constant 0 : i32
    %dma_start3A_26 = tpu.memref_slice %arg4[%add3A_22, %dma_start3A_25] : memref<16384x256xf32, #tpu.memory_space<hbm>> -> memref<128x256xf32, #tpu.memory_space<hbm>>
    tpu.enqueue_dma source(%arg6 : memref<128x256xf32, #tpu.memory_space<vmem>>) target(%dma_start3A_26 : memref<128x256xf32, #tpu.memory_space<hbm>>) target_semaphore(%arg12 : memref<!tpu.dma_semaphore, #tpu.memory_space<semaphore_mem>>)
    %dma_wait3A_27 = arith.constant 0 : i32
    %dma_wait3A_28 = tpu.memref_slice %arg4[%add3A_22, %dma_wait3A_27] : memref<16384x256xf32, #tpu.memory_space<hbm>> -> memref<128x256xf32, #tpu.memory_space<hbm>>
    %dma_wait3A_29 = arith.constant 0 : i32
    %dma_wait3A_30 = tpu.memref_slice %arg4[%add3A_22, %dma_wait3A_29] : memref<16384x256xf32, #tpu.memory_space<hbm>> -> memref<128x256xf32, #tpu.memory_space<hbm>>
    tpu.wait_dma2 semaphore(%arg12 : memref<!tpu.dma_semaphore, #tpu.memory_space<semaphore_mem>>) src(%arg6 : memref<128x256xf32, #tpu.memory_space<vmem>>) dst(%dma_wait3A_30 : memref<128x256xf32, #tpu.memory_space<hbm>>)
    %dma_start3A_31 = arith.constant 384 : i32
    %dma_start3A_32 = tpu.memref_slice %arg5[%dma_start3A_31] : memref<512xi32, #tpu.memory_space<vmem>> -> memref<128xi32, #tpu.memory_space<vmem>>
    %dma_start3A_33 = arith.constant 0 : i32
    %dma_start3A_34 = arith.constant 0 : i32
    %dma_start3A_35 = tpu.memref_slice %arg2[%dma_start3A_33, %dma_start3A_34] : memref<1024x256xf32, #tpu.memory_space<hbm>> -> memref<1024x256xf32, #tpu.memory_space<hbm>>
    tpu.enqueue_indirect_dma source(%dma_start3A_35 : memref<1024x256xf32, #tpu.memory_space<hbm>>) target(%arg6 : memref<128x256xf32, #tpu.memory_space<vmem>>) offsets(%dma_start3A_32 : memref<128xi32, #tpu.memory_space<vmem>>) semaphore(%arg9 : memref<!tpu.dma_semaphore, #tpu.memory_space<semaphore_mem>>)
    %dma_wait3A_36 = arith.constant 128 : i32
    %dma_wait3A_37 = tpu.memref_slice %arg5[%dma_wait3A_36] : memref<512xi32, #tpu.memory_space<vmem>> -> memref<128xi32, #tpu.memory_space<vmem>>
    %dma_wait3A_38 = arith.constant 0 : i32
    %dma_wait3A_39 = arith.constant 0 : i32
    %dma_wait3A_40 = tpu.memref_slice %arg2[%dma_wait3A_38, %dma_wait3A_39] : memref<1024x256xf32, #tpu.memory_space<hbm>> -> memref<1024x256xf32, #tpu.memory_space<hbm>>
    tpu.wait_indirect_dma semaphore(%arg10 : memref<!tpu.dma_semaphore, #tpu.memory_space<semaphore_mem>>) src(%dma_wait3A_40 : memref<1024x256xf32, #tpu.memory_space<hbm>>) dst(%arg7 : memref<128x256xf32, #tpu.memory_space<vmem>>)
    %add3A_41 = arith.constant 128 : i32
    %add3A_42 = arith.addi %mul3A_2, %add3A_41 : i32
    %dma_start3A_43 = arith.constant 0 : i32
    %dma_start3A_44 = tpu.memref_slice %arg4[%add3A_42, %dma_start3A_43] : memref<16384x256xf32, #tpu.memory_space<hbm>> -> memref<128x256xf32, #tpu.memory_space<hbm>>
    %dma_start3A_45 = arith.constant 0 : i32
    %dma_start3A_46 = tpu.memref_slice %arg4[%add3A_42, %dma_start3A_45] : memref<16384x256xf32, #tpu.memory_space<hbm>> -> memref<128x256xf32, #tpu.memory_space<hbm>>
    tpu.enqueue_dma source(%arg7 : memref<128x256xf32, #tpu.memory_space<vmem>>) target(%dma_start3A_46 : memref<128x256xf32, #tpu.memory_space<hbm>>) target_semaphore(%arg13 : memref<!tpu.dma_semaphore, #tpu.memory_space<semaphore_mem>>)
    %dma_wait3A_47 = arith.constant 256 : i32
    %dma_wait3A_48 = tpu.memref_slice %arg5[%dma_wait3A_47] : memref<512xi32, #tpu.memory_space<vmem>> -> memref<128xi32, #tpu.memory_space<vmem>>
    %dma_wait3A_49 = arith.constant 0 : i32
    %dma_wait3A_50 = arith.constant 0 : i32
    %dma_wait3A_51 = tpu.memref_slice %arg2[%dma_wait3A_49, %dma_wait3A_50] : memref<1024x256xf32, #tpu.memory_space<hbm>> -> memref<1024x256xf32, #tpu.memory_space<hbm>>
    tpu.wait_indirect_dma semaphore(%arg11 : memref<!tpu.dma_semaphore, #tpu.memory_space<semaphore_mem>>) src(%dma_wait3A_51 : memref<1024x256xf32, #tpu.memory_space<hbm>>) dst(%arg8 : memref<128x256xf32, #tpu.memory_space<vmem>>)
    %add3A_52 = arith.constant 256 : i32
    %add3A_53 = arith.addi %mul3A_2, %add3A_52 : i32
    %dma_start3A_54 = arith.constant 0 : i32
    %dma_start3A_55 = tpu.memref_slice %arg4[%add3A_53, %dma_start3A_54] : memref<16384x256xf32, #tpu.memory_space<hbm>> -> memref<128x256xf32, #tpu.memory_space<hbm>>
    %dma_start3A_56 = arith.constant 0 : i32
    %dma_start3A_57 = tpu.memref_slice %arg4[%add3A_53, %dma_start3A_56] : memref<16384x256xf32, #tpu.memory_space<hbm>> -> memref<128x256xf32, #tpu.memory_space<hbm>>
    tpu.enqueue_dma source(%arg8 : memref<128x256xf32, #tpu.memory_space<vmem>>) target(%dma_start3A_57 : memref<128x256xf32, #tpu.memory_space<hbm>>) target_semaphore(%arg14 : memref<!tpu.dma_semaphore, #tpu.memory_space<semaphore_mem>>)
    %dma_wait3A_58 = arith.constant 384 : i32
    %dma_wait3A_59 = tpu.memref_slice %arg5[%dma_wait3A_58] : memref<512xi32, #tpu.memory_space<vmem>> -> memref<128xi32, #tpu.memory_space<vmem>>
    %dma_wait3A_60 = arith.constant 0 : i32
    %dma_wait3A_61 = arith.constant 0 : i32
    %dma_wait3A_62 = tpu.memref_slice %arg2[%dma_wait3A_60, %dma_wait3A_61] : memref<1024x256xf32, #tpu.memory_space<hbm>> -> memref<1024x256xf32, #tpu.memory_space<hbm>>
    tpu.wait_indirect_dma semaphore(%arg9 : memref<!tpu.dma_semaphore, #tpu.memory_space<semaphore_mem>>) src(%dma_wait3A_62 : memref<1024x256xf32, #tpu.memory_space<hbm>>) dst(%arg6 : memref<128x256xf32, #tpu.memory_space<vmem>>)
    %add3A_63 = arith.constant 384 : i32
    %add3A_64 = arith.addi %mul3A_2, %add3A_63 : i32
    %dma_start3A_65 = arith.constant 0 : i32
    %dma_start3A_66 = tpu.memref_slice %arg4[%add3A_64, %dma_start3A_65] : memref<16384x256xf32, #tpu.memory_space<hbm>> -> memref<128x256xf32, #tpu.memory_space<hbm>>
    %dma_start3A_67 = arith.constant 0 : i32
    %dma_start3A_68 = tpu.memref_slice %arg4[%add3A_64, %dma_start3A_67] : memref<16384x256xf32, #tpu.memory_space<hbm>> -> memref<128x256xf32, #tpu.memory_space<hbm>>
    tpu.enqueue_dma source(%arg6 : memref<128x256xf32, #tpu.memory_space<vmem>>) target(%dma_start3A_68 : memref<128x256xf32, #tpu.memory_space<hbm>>) target_semaphore(%arg12 : memref<!tpu.dma_semaphore, #tpu.memory_space<semaphore_mem>>)
    %dma_wait3A_69 = arith.constant 0 : i32
    %dma_wait3A_70 = tpu.memref_slice %arg4[%add3A_42, %dma_wait3A_69] : memref<16384x256xf32, #tpu.memory_space<hbm>> -> memref<128x256xf32, #tpu.memory_space<hbm>>
    %dma_wait3A_71 = arith.constant 0 : i32
    %dma_wait3A_72 = tpu.memref_slice %arg4[%add3A_42, %dma_wait3A_71] : memref<16384x256xf32, #tpu.memory_space<hbm>> -> memref<128x256xf32, #tpu.memory_space<hbm>>
    tpu.wait_dma2 semaphore(%arg13 : memref<!tpu.dma_semaphore, #tpu.memory_space<semaphore_mem>>) src(%arg7 : memref<128x256xf32, #tpu.memory_space<vmem>>) dst(%dma_wait3A_72 : memref<128x256xf32, #tpu.memory_space<hbm>>)
    %dma_wait3A_73 = arith.constant 0 : i32
    %dma_wait3A_74 = tpu.memref_slice %arg4[%add3A_53, %dma_wait3A_73] : memref<16384x256xf32, #tpu.memory_space<hbm>> -> memref<128x256xf32, #tpu.memory_space<hbm>>
    %dma_wait3A_75 = arith.constant 0 : i32
    %dma_wait3A_76 = tpu.memref_slice %arg4[%add3A_53, %dma_wait3A_75] : memref<16384x256xf32, #tpu.memory_space<hbm>> -> memref<128x256xf32, #tpu.memory_space<hbm>>
    tpu.wait_dma2 semaphore(%arg14 : memref<!tpu.dma_semaphore, #tpu.memory_space<semaphore_mem>>) src(%arg8 : memref<128x256xf32, #tpu.memory_space<vmem>>) dst(%dma_wait3A_76 : memref<128x256xf32, #tpu.memory_space<hbm>>)
    %dma_wait3A_77 = arith.constant 0 : i32
    %dma_wait3A_78 = tpu.memref_slice %arg4[%add3A_64, %dma_wait3A_77] : memref<16384x256xf32, #tpu.memory_space<hbm>> -> memref<128x256xf32, #tpu.memory_space<hbm>>
    %dma_wait3A_79 = arith.constant 0 : i32
    %dma_wait3A_80 = tpu.memref_slice %arg4[%add3A_64, %dma_wait3A_79] : memref<16384x256xf32, #tpu.memory_space<hbm>> -> memref<128x256xf32, #tpu.memory_space<hbm>>
    tpu.wait_dma2 semaphore(%arg12 : memref<!tpu.dma_semaphore, #tpu.memory_space<semaphore_mem>>) src(%arg6 : memref<128x256xf32, #tpu.memory_space<vmem>>) dst(%dma_wait3A_80 : memref<128x256xf32, #tpu.memory_space<hbm>>)
    return
  }
}

module attributes {stable_mosaic.version = 14 : i64} {
  func.func @_stage_c_body(%arg0: i32, %arg1: memref<1024x256xf32, #tpu.memory_space<vmem>>, %arg2: memref<16x1024x256xf32, #tpu.memory_space<vmem>>, %arg3: memref<64x64xf32, #tpu.memory_space<vmem>>, %arg4: memref<1x64xf32, #tpu.memory_space<vmem>>, %arg5: memref<64x256xf32, #tpu.memory_space<vmem>>, %arg6: memref<1x256xf32, #tpu.memory_space<vmem>>, %arg7: memref<256x64xf32, #tpu.memory_space<vmem>>, %arg8: memref<1x64xf32, #tpu.memory_space<vmem>>, %arg9: memref<1x64xf32, #tpu.memory_space<vmem>>, %arg10: memref<1024x64xf32, #tpu.memory_space<vmem>>) attributes {dimension_semantics = [#tpu.dimension_semantics<arbitrary>], iteration_bounds = array<i64: 1>, scalar_prefetch = 0 : i64, scratch_operands = 0 : i64, tpu.core_type = #tpu.core_type<tc>, window_params = [{transform_indices = @transform_0, window_bounds = array<i64: 1024, 256>}, {transform_indices = @transform_1, window_bounds = array<i64: 16, 1024, 256>}, {pipeline_mode = #tpu.pipeline_mode<synchronous>, transform_indices = @transform_2, window_bounds = array<i64: 64, 64>}, {pipeline_mode = #tpu.pipeline_mode<synchronous>, transform_indices = @transform_3, window_bounds = array<i64: 1, 64>}, {pipeline_mode = #tpu.pipeline_mode<synchronous>, transform_indices = @transform_4, window_bounds = array<i64: 64, 256>}, {pipeline_mode = #tpu.pipeline_mode<synchronous>, transform_indices = @transform_5, window_bounds = array<i64: 1, 256>}, {pipeline_mode = #tpu.pipeline_mode<synchronous>, transform_indices = @transform_6, window_bounds = array<i64: 256, 64>}, {pipeline_mode = #tpu.pipeline_mode<synchronous>, transform_indices = @transform_7, window_bounds = array<i64: 1, 64>}, {pipeline_mode = #tpu.pipeline_mode<synchronous>, transform_indices = @transform_8, window_bounds = array<i64: 1, 64>}, {transform_indices = @transform_9, window_bounds = array<i64: 1024, 64>}]} {
    %get3A = arith.constant 0 : index
    %get3A_0 = arith.constant 0 : index
    %get3A_1 = vector.load %arg1[%get3A, %get3A_0] : memref<1024x256xf32, #tpu.memory_space<vmem>>, vector<1024x256xf32>
    %slice3A = vector.extract_strided_slice %get3A_1 {offsets = [0, 0], sizes = [1024, 64], strides = [1, 1]} : vector<1024x256xf32> to vector<1024x64xf32>
    %slice3A_2 = vector.extract_strided_slice %get3A_1 {offsets = [0, 192], sizes = [1024, 64], strides = [1, 1]} : vector<1024x256xf32> to vector<1024x64xf32>
    %get3A_3 = arith.constant 0 : index
    %get3A_4 = arith.constant 0 : index
    %get3A_5 = arith.constant 0 : index
    %get3A_6 = vector.load %arg2[%get3A_3, %get3A_4, %get3A_5] : memref<16x1024x256xf32, #tpu.memory_space<vmem>>, vector<16x1024x256xf32>
    %reshape3A = vector.shape_cast %get3A_6 : vector<16x1024x256xf32> to vector<16384x256xf32>
    %slice3A_7 = vector.extract_strided_slice %reshape3A {offsets = [0, 64], sizes = [16384, 64], strides = [1, 1]} : vector<16384x256xf32> to vector<16384x64xf32>
    %slice3A_8 = vector.extract_strided_slice %reshape3A {offsets = [0, 128], sizes = [16384, 64], strides = [1, 1]} : vector<16384x256xf32> to vector<16384x64xf32>
    %slice3A_9 = vector.extract_strided_slice %reshape3A {offsets = [0, 192], sizes = [16384, 64], strides = [1, 1]} : vector<16384x256xf32> to vector<16384x64xf32>
    %broadcast_in_dim3A = vector.shape_cast %slice3A : vector<1024x64xf32> to vector<1x1024x64xf32>
    %broadcast_in_dim3A_10 = vector.shape_cast %broadcast_in_dim3A : vector<1x1024x64xf32> to vector<1x1024x64xf32>
    %broadcast_in_dim3A_11 = vector.broadcast %broadcast_in_dim3A_10 : vector<1x1024x64xf32> to vector<16x1024x64xf32>
    %reshape3A_12 = vector.shape_cast %broadcast_in_dim3A_11 : vector<16x1024x64xf32> to vector<16384x64xf32>
    %broadcast_in_dim3A_13 = vector.shape_cast %slice3A_2 : vector<1024x64xf32> to vector<1x1024x64xf32>
    %broadcast_in_dim3A_14 = vector.shape_cast %broadcast_in_dim3A_13 : vector<1x1024x64xf32> to vector<1x1024x64xf32>
    %broadcast_in_dim3A_15 = vector.broadcast %broadcast_in_dim3A_14 : vector<1x1024x64xf32> to vector<16x1024x64xf32>
    %reshape3A_16 = vector.shape_cast %broadcast_in_dim3A_15 : vector<16x1024x64xf32> to vector<16384x64xf32>
    %sub3A = arith.subf %reshape3A_16, %slice3A_9 : vector<16384x64xf32>
    %get3A_17 = arith.constant 0 : index
    %get3A_18 = arith.constant 0 : index
    %get3A_19 = vector.load %arg9[%get3A_17, %get3A_18] : memref<1x64xf32, #tpu.memory_space<vmem>>, vector<1x64xf32>
    %add3A = vector.broadcast %get3A_19 : vector<1x64xf32> to vector<16384x64xf32>
    %add3A_20 = arith.addf %sub3A, %add3A : vector<16384x64xf32>
    %max3A = arith.constant 0.000000e+00 : f32
    %max3A_21 = vector.broadcast %max3A : f32 to vector<16384x64xf32>
    %max3A_22 = arith.maximumf %add3A_20, %max3A_21 : vector<16384x64xf32>
    %get3A_23 = arith.constant 0 : index
    %get3A_24 = arith.constant 0 : index
    %get3A_25 = vector.load %arg3[%get3A_23, %get3A_24] : memref<64x64xf32, #tpu.memory_space<vmem>>, vector<64x64xf32>
    %dot_general3A = arith.constant dense<0.000000e+00> : vector<16384x64xf32>
    %dot_general3A_26 = tpu.matmul %max3A_22, %get3A_25, %dot_general3A {dimension_numbers = #tpu.dot_dimension_numbers<[1], [0], [0], [1], [0, 0, 1, 1], [], []>, transpose_lhs_hint = false} : vector<16384x64xf32>, vector<64x64xf32>, vector<16384x64xf32> -> vector<16384x64xf32>
    %get3A_27 = arith.constant 0 : index
    %get3A_28 = arith.constant 0 : index
    %get3A_29 = vector.load %arg4[%get3A_27, %get3A_28] : memref<1x64xf32, #tpu.memory_space<vmem>>, vector<1x64xf32>
    %add3A_30 = vector.broadcast %get3A_29 : vector<1x64xf32> to vector<16384x64xf32>
    %add3A_31 = arith.addf %dot_general3A_26, %add3A_30 : vector<16384x64xf32>
    %sub3A_32 = arith.subf %reshape3A_12, %slice3A_7 : vector<16384x64xf32>
    %add3A_33 = arith.addf %sub3A_32, %add3A_31 : vector<16384x64xf32>
    %get3A_34 = arith.constant 0 : index
    %get3A_35 = arith.constant 0 : index
    %get3A_36 = vector.load %arg5[%get3A_34, %get3A_35] : memref<64x256xf32, #tpu.memory_space<vmem>>, vector<64x256xf32>
    %dot_general3A_37 = arith.constant dense<0.000000e+00> : vector<16384x256xf32>
    %dot_general3A_38 = tpu.matmul %add3A_33, %get3A_36, %dot_general3A_37 {dimension_numbers = #tpu.dot_dimension_numbers<[1], [0], [0], [1], [0, 0, 1, 1], [], []>, transpose_lhs_hint = false} : vector<16384x64xf32>, vector<64x256xf32>, vector<16384x256xf32> -> vector<16384x256xf32>
    %get3A_39 = arith.constant 0 : index
    %get3A_40 = arith.constant 0 : index
    %get3A_41 = vector.load %arg6[%get3A_39, %get3A_40] : memref<1x256xf32, #tpu.memory_space<vmem>>, vector<1x256xf32>
    %add3A_42 = vector.broadcast %get3A_41 : vector<1x256xf32> to vector<16384x256xf32>
    %add3A_43 = arith.addf %dot_general3A_38, %add3A_42 : vector<16384x256xf32>
    %max3A_44 = arith.constant 0.000000e+00 : f32
    %max3A_45 = vector.broadcast %max3A_44 : f32 to vector<16384x256xf32>
    %max3A_46 = arith.maximumf %add3A_43, %max3A_45 : vector<16384x256xf32>
    %get3A_47 = arith.constant 0 : index
    %get3A_48 = arith.constant 0 : index
    %get3A_49 = vector.load %arg7[%get3A_47, %get3A_48] : memref<256x64xf32, #tpu.memory_space<vmem>>, vector<256x64xf32>
    %dot_general3A_50 = arith.constant dense<0.000000e+00> : vector<16384x64xf32>
    %dot_general3A_51 = tpu.matmul %max3A_46, %get3A_49, %dot_general3A_50 {dimension_numbers = #tpu.dot_dimension_numbers<[1], [0], [0], [1], [0, 0, 1, 1], [], []>, transpose_lhs_hint = false} : vector<16384x256xf32>, vector<256x64xf32>, vector<16384x64xf32> -> vector<16384x64xf32>
    %get3A_52 = arith.constant 0 : index
    %get3A_53 = arith.constant 0 : index
    %get3A_54 = vector.load %arg8[%get3A_52, %get3A_53] : memref<1x64xf32, #tpu.memory_space<vmem>>, vector<1x64xf32>
    %add3A_55 = vector.broadcast %get3A_54 : vector<1x64xf32> to vector<16384x64xf32>
    %add3A_56 = arith.addf %dot_general3A_51, %add3A_55 : vector<16384x64xf32>
    %add3A_57 = arith.addf %slice3A_8, %add3A_31 : vector<16384x64xf32>
    %reshape3A_58 = vector.shape_cast %add3A_56 : vector<16384x64xf32> to vector<16x1024x64xf32>
    %reshape3A_59 = vector.shape_cast %add3A_57 : vector<16384x64xf32> to vector<16x1024x64xf32>
    %slice3A_60 = vector.extract_strided_slice %reshape3A_58 {offsets = [0, 0, 0], sizes = [1, 1024, 64], strides = [1, 1, 1]} : vector<16x1024x64xf32> to vector<1x1024x64xf32>
    %squeeze3A = vector.shape_cast %slice3A_60 : vector<1x1024x64xf32> to vector<1024x64xf32>
    %slice3A_61 = vector.extract_strided_slice %reshape3A_59 {offsets = [0, 0, 0], sizes = [1, 1024, 64], strides = [1, 1, 1]} : vector<16x1024x64xf32> to vector<1x1024x64xf32>
    %squeeze3A_62 = vector.shape_cast %slice3A_61 : vector<1x1024x64xf32> to vector<1024x64xf32>
    %broadcast_in_dim3A_63 = arith.constant 1.000000e+00 : f32
    %broadcast_in_dim3A_64 = vector.broadcast %broadcast_in_dim3A_63 : f32 to vector<1024x64xf32>
    %slice3A_65 = vector.extract_strided_slice %reshape3A_58 {offsets = [1, 0, 0], sizes = [1, 1024, 64], strides = [1, 1, 1]} : vector<16x1024x64xf32> to vector<1x1024x64xf32>
    %squeeze3A_66 = vector.shape_cast %slice3A_65 : vector<1x1024x64xf32> to vector<1024x64xf32>
    %max3A_67 = arith.maximumf %squeeze3A, %squeeze3A_66 : vector<1024x64xf32>
    %sub3A_68 = arith.subf %squeeze3A, %max3A_67 : vector<1024x64xf32>
    %exp3A = math.exp %sub3A_68 : vector<1024x64xf32>
    %sub3A_69 = arith.subf %squeeze3A_66, %max3A_67 : vector<1024x64xf32>
    %exp3A_70 = math.exp %sub3A_69 : vector<1024x64xf32>
    %mul3A = arith.mulf %squeeze3A_62, %exp3A : vector<1024x64xf32>
    %slice3A_71 = vector.extract_strided_slice %reshape3A_59 {offsets = [1, 0, 0], sizes = [1, 1024, 64], strides = [1, 1, 1]} : vector<16x1024x64xf32> to vector<1x1024x64xf32>
    %squeeze3A_72 = vector.shape_cast %slice3A_71 : vector<1x1024x64xf32> to vector<1024x64xf32>
    %mul3A_73 = arith.mulf %exp3A_70, %squeeze3A_72 : vector<1024x64xf32>
    %add3A_74 = arith.addf %mul3A, %mul3A_73 : vector<1024x64xf32>
    %mul3A_75 = arith.mulf %broadcast_in_dim3A_64, %exp3A : vector<1024x64xf32>
    %add3A_76 = arith.addf %mul3A_75, %exp3A_70 : vector<1024x64xf32>
    %slice3A_77 = vector.extract_strided_slice %reshape3A_58 {offsets = [2, 0, 0], sizes = [1, 1024, 64], strides = [1, 1, 1]} : vector<16x1024x64xf32> to vector<1x1024x64xf32>
    %squeeze3A_78 = vector.shape_cast %slice3A_77 : vector<1x1024x64xf32> to vector<1024x64xf32>
    %max3A_79 = arith.maximumf %max3A_67, %squeeze3A_78 : vector<1024x64xf32>
    %sub3A_80 = arith.subf %max3A_67, %max3A_79 : vector<1024x64xf32>
    %exp3A_81 = math.exp %sub3A_80 : vector<1024x64xf32>
    %sub3A_82 = arith.subf %squeeze3A_78, %max3A_79 : vector<1024x64xf32>
    %exp3A_83 = math.exp %sub3A_82 : vector<1024x64xf32>
    %mul3A_84 = arith.mulf %add3A_74, %exp3A_81 : vector<1024x64xf32>
    %slice3A_85 = vector.extract_strided_slice %reshape3A_59 {offsets = [2, 0, 0], sizes = [1, 1024, 64], strides = [1, 1, 1]} : vector<16x1024x64xf32> to vector<1x1024x64xf32>
    %squeeze3A_86 = vector.shape_cast %slice3A_85 : vector<1x1024x64xf32> to vector<1024x64xf32>
    %mul3A_87 = arith.mulf %exp3A_83, %squeeze3A_86 : vector<1024x64xf32>
    %add3A_88 = arith.addf %mul3A_84, %mul3A_87 : vector<1024x64xf32>
    %mul3A_89 = arith.mulf %add3A_76, %exp3A_81 : vector<1024x64xf32>
    %add3A_90 = arith.addf %mul3A_89, %exp3A_83 : vector<1024x64xf32>
    %slice3A_91 = vector.extract_strided_slice %reshape3A_58 {offsets = [3, 0, 0], sizes = [1, 1024, 64], strides = [1, 1, 1]} : vector<16x1024x64xf32> to vector<1x1024x64xf32>
    %squeeze3A_92 = vector.shape_cast %slice3A_91 : vector<1x1024x64xf32> to vector<1024x64xf32>
    %max3A_93 = arith.maximumf %max3A_79, %squeeze3A_92 : vector<1024x64xf32>
    %sub3A_94 = arith.subf %max3A_79, %max3A_93 : vector<1024x64xf32>
    %exp3A_95 = math.exp %sub3A_94 : vector<1024x64xf32>
    %sub3A_96 = arith.subf %squeeze3A_92, %max3A_93 : vector<1024x64xf32>
    %exp3A_97 = math.exp %sub3A_96 : vector<1024x64xf32>
    %mul3A_98 = arith.mulf %add3A_88, %exp3A_95 : vector<1024x64xf32>
    %slice3A_99 = vector.extract_strided_slice %reshape3A_59 {offsets = [3, 0, 0], sizes = [1, 1024, 64], strides = [1, 1, 1]} : vector<16x1024x64xf32> to vector<1x1024x64xf32>
    %squeeze3A_100 = vector.shape_cast %slice3A_99 : vector<1x1024x64xf32> to vector<1024x64xf32>
    %mul3A_101 = arith.mulf %exp3A_97, %squeeze3A_100 : vector<1024x64xf32>
    %add3A_102 = arith.addf %mul3A_98, %mul3A_101 : vector<1024x64xf32>
    %mul3A_103 = arith.mulf %add3A_90, %exp3A_95 : vector<1024x64xf32>
    %add3A_104 = arith.addf %mul3A_103, %exp3A_97 : vector<1024x64xf32>
    %slice3A_105 = vector.extract_strided_slice %reshape3A_58 {offsets = [4, 0, 0], sizes = [1, 1024, 64], strides = [1, 1, 1]} : vector<16x1024x64xf32> to vector<1x1024x64xf32>
    %squeeze3A_106 = vector.shape_cast %slice3A_105 : vector<1x1024x64xf32> to vector<1024x64xf32>
    %max3A_107 = arith.maximumf %max3A_93, %squeeze3A_106 : vector<1024x64xf32>
    %sub3A_108 = arith.subf %max3A_93, %max3A_107 : vector<1024x64xf32>
    %exp3A_109 = math.exp %sub3A_108 : vector<1024x64xf32>
    %sub3A_110 = arith.subf %squeeze3A_106, %max3A_107 : vector<1024x64xf32>
    %exp3A_111 = math.exp %sub3A_110 : vector<1024x64xf32>
    %mul3A_112 = arith.mulf %add3A_102, %exp3A_109 : vector<1024x64xf32>
    %slice3A_113 = vector.extract_strided_slice %reshape3A_59 {offsets = [4, 0, 0], sizes = [1, 1024, 64], strides = [1, 1, 1]} : vector<16x1024x64xf32> to vector<1x1024x64xf32>
    %squeeze3A_114 = vector.shape_cast %slice3A_113 : vector<1x1024x64xf32> to vector<1024x64xf32>
    %mul3A_115 = arith.mulf %exp3A_111, %squeeze3A_114 : vector<1024x64xf32>
    %add3A_116 = arith.addf %mul3A_112, %mul3A_115 : vector<1024x64xf32>
    %mul3A_117 = arith.mulf %add3A_104, %exp3A_109 : vector<1024x64xf32>
    %add3A_118 = arith.addf %mul3A_117, %exp3A_111 : vector<1024x64xf32>
    %slice3A_119 = vector.extract_strided_slice %reshape3A_58 {offsets = [5, 0, 0], sizes = [1, 1024, 64], strides = [1, 1, 1]} : vector<16x1024x64xf32> to vector<1x1024x64xf32>
    %squeeze3A_120 = vector.shape_cast %slice3A_119 : vector<1x1024x64xf32> to vector<1024x64xf32>
    %max3A_121 = arith.maximumf %max3A_107, %squeeze3A_120 : vector<1024x64xf32>
    %sub3A_122 = arith.subf %max3A_107, %max3A_121 : vector<1024x64xf32>
    %exp3A_123 = math.exp %sub3A_122 : vector<1024x64xf32>
    %sub3A_124 = arith.subf %squeeze3A_120, %max3A_121 : vector<1024x64xf32>
    %exp3A_125 = math.exp %sub3A_124 : vector<1024x64xf32>
    %mul3A_126 = arith.mulf %add3A_116, %exp3A_123 : vector<1024x64xf32>
    %slice3A_127 = vector.extract_strided_slice %reshape3A_59 {offsets = [5, 0, 0], sizes = [1, 1024, 64], strides = [1, 1, 1]} : vector<16x1024x64xf32> to vector<1x1024x64xf32>
    %squeeze3A_128 = vector.shape_cast %slice3A_127 : vector<1x1024x64xf32> to vector<1024x64xf32>
    %mul3A_129 = arith.mulf %exp3A_125, %squeeze3A_128 : vector<1024x64xf32>
    %add3A_130 = arith.addf %mul3A_126, %mul3A_129 : vector<1024x64xf32>
    %mul3A_131 = arith.mulf %add3A_118, %exp3A_123 : vector<1024x64xf32>
    %add3A_132 = arith.addf %mul3A_131, %exp3A_125 : vector<1024x64xf32>
    %slice3A_133 = vector.extract_strided_slice %reshape3A_58 {offsets = [6, 0, 0], sizes = [1, 1024, 64], strides = [1, 1, 1]} : vector<16x1024x64xf32> to vector<1x1024x64xf32>
    %squeeze3A_134 = vector.shape_cast %slice3A_133 : vector<1x1024x64xf32> to vector<1024x64xf32>
    %max3A_135 = arith.maximumf %max3A_121, %squeeze3A_134 : vector<1024x64xf32>
    %sub3A_136 = arith.subf %max3A_121, %max3A_135 : vector<1024x64xf32>
    %exp3A_137 = math.exp %sub3A_136 : vector<1024x64xf32>
    %sub3A_138 = arith.subf %squeeze3A_134, %max3A_135 : vector<1024x64xf32>
    %exp3A_139 = math.exp %sub3A_138 : vector<1024x64xf32>
    %mul3A_140 = arith.mulf %add3A_130, %exp3A_137 : vector<1024x64xf32>
    %slice3A_141 = vector.extract_strided_slice %reshape3A_59 {offsets = [6, 0, 0], sizes = [1, 1024, 64], strides = [1, 1, 1]} : vector<16x1024x64xf32> to vector<1x1024x64xf32>
    %squeeze3A_142 = vector.shape_cast %slice3A_141 : vector<1x1024x64xf32> to vector<1024x64xf32>
    %mul3A_143 = arith.mulf %exp3A_139, %squeeze3A_142 : vector<1024x64xf32>
    %add3A_144 = arith.addf %mul3A_140, %mul3A_143 : vector<1024x64xf32>
    %mul3A_145 = arith.mulf %add3A_132, %exp3A_137 : vector<1024x64xf32>
    %add3A_146 = arith.addf %mul3A_145, %exp3A_139 : vector<1024x64xf32>
    %slice3A_147 = vector.extract_strided_slice %reshape3A_58 {offsets = [7, 0, 0], sizes = [1, 1024, 64], strides = [1, 1, 1]} : vector<16x1024x64xf32> to vector<1x1024x64xf32>
    %squeeze3A_148 = vector.shape_cast %slice3A_147 : vector<1x1024x64xf32> to vector<1024x64xf32>
    %max3A_149 = arith.maximumf %max3A_135, %squeeze3A_148 : vector<1024x64xf32>
    %sub3A_150 = arith.subf %max3A_135, %max3A_149 : vector<1024x64xf32>
    %exp3A_151 = math.exp %sub3A_150 : vector<1024x64xf32>
    %sub3A_152 = arith.subf %squeeze3A_148, %max3A_149 : vector<1024x64xf32>
    %exp3A_153 = math.exp %sub3A_152 : vector<1024x64xf32>
    %mul3A_154 = arith.mulf %add3A_144, %exp3A_151 : vector<1024x64xf32>
    %slice3A_155 = vector.extract_strided_slice %reshape3A_59 {offsets = [7, 0, 0], sizes = [1, 1024, 64], strides = [1, 1, 1]} : vector<16x1024x64xf32> to vector<1x1024x64xf32>
    %squeeze3A_156 = vector.shape_cast %slice3A_155 : vector<1x1024x64xf32> to vector<1024x64xf32>
    %mul3A_157 = arith.mulf %exp3A_153, %squeeze3A_156 : vector<1024x64xf32>
    %add3A_158 = arith.addf %mul3A_154, %mul3A_157 : vector<1024x64xf32>
    %mul3A_159 = arith.mulf %add3A_146, %exp3A_151 : vector<1024x64xf32>
    %add3A_160 = arith.addf %mul3A_159, %exp3A_153 : vector<1024x64xf32>
    %slice3A_161 = vector.extract_strided_slice %reshape3A_58 {offsets = [8, 0, 0], sizes = [1, 1024, 64], strides = [1, 1, 1]} : vector<16x1024x64xf32> to vector<1x1024x64xf32>
    %squeeze3A_162 = vector.shape_cast %slice3A_161 : vector<1x1024x64xf32> to vector<1024x64xf32>
    %max3A_163 = arith.maximumf %max3A_149, %squeeze3A_162 : vector<1024x64xf32>
    %sub3A_164 = arith.subf %max3A_149, %max3A_163 : vector<1024x64xf32>
    %exp3A_165 = math.exp %sub3A_164 : vector<1024x64xf32>
    %sub3A_166 = arith.subf %squeeze3A_162, %max3A_163 : vector<1024x64xf32>
    %exp3A_167 = math.exp %sub3A_166 : vector<1024x64xf32>
    %mul3A_168 = arith.mulf %add3A_158, %exp3A_165 : vector<1024x64xf32>
    %slice3A_169 = vector.extract_strided_slice %reshape3A_59 {offsets = [8, 0, 0], sizes = [1, 1024, 64], strides = [1, 1, 1]} : vector<16x1024x64xf32> to vector<1x1024x64xf32>
    %squeeze3A_170 = vector.shape_cast %slice3A_169 : vector<1x1024x64xf32> to vector<1024x64xf32>
    %mul3A_171 = arith.mulf %exp3A_167, %squeeze3A_170 : vector<1024x64xf32>
    %add3A_172 = arith.addf %mul3A_168, %mul3A_171 : vector<1024x64xf32>
    %mul3A_173 = arith.mulf %add3A_160, %exp3A_165 : vector<1024x64xf32>
    %add3A_174 = arith.addf %mul3A_173, %exp3A_167 : vector<1024x64xf32>
    %slice3A_175 = vector.extract_strided_slice %reshape3A_58 {offsets = [9, 0, 0], sizes = [1, 1024, 64], strides = [1, 1, 1]} : vector<16x1024x64xf32> to vector<1x1024x64xf32>
    %squeeze3A_176 = vector.shape_cast %slice3A_175 : vector<1x1024x64xf32> to vector<1024x64xf32>
    %max3A_177 = arith.maximumf %max3A_163, %squeeze3A_176 : vector<1024x64xf32>
    %sub3A_178 = arith.subf %max3A_163, %max3A_177 : vector<1024x64xf32>
    %exp3A_179 = math.exp %sub3A_178 : vector<1024x64xf32>
    %sub3A_180 = arith.subf %squeeze3A_176, %max3A_177 : vector<1024x64xf32>
    %exp3A_181 = math.exp %sub3A_180 : vector<1024x64xf32>
    %mul3A_182 = arith.mulf %add3A_172, %exp3A_179 : vector<1024x64xf32>
    %slice3A_183 = vector.extract_strided_slice %reshape3A_59 {offsets = [9, 0, 0], sizes = [1, 1024, 64], strides = [1, 1, 1]} : vector<16x1024x64xf32> to vector<1x1024x64xf32>
    %squeeze3A_184 = vector.shape_cast %slice3A_183 : vector<1x1024x64xf32> to vector<1024x64xf32>
    %mul3A_185 = arith.mulf %exp3A_181, %squeeze3A_184 : vector<1024x64xf32>
    %add3A_186 = arith.addf %mul3A_182, %mul3A_185 : vector<1024x64xf32>
    %mul3A_187 = arith.mulf %add3A_174, %exp3A_179 : vector<1024x64xf32>
    %add3A_188 = arith.addf %mul3A_187, %exp3A_181 : vector<1024x64xf32>
    %slice3A_189 = vector.extract_strided_slice %reshape3A_58 {offsets = [10, 0, 0], sizes = [1, 1024, 64], strides = [1, 1, 1]} : vector<16x1024x64xf32> to vector<1x1024x64xf32>
    %squeeze3A_190 = vector.shape_cast %slice3A_189 : vector<1x1024x64xf32> to vector<1024x64xf32>
    %max3A_191 = arith.maximumf %max3A_177, %squeeze3A_190 : vector<1024x64xf32>
    %sub3A_192 = arith.subf %max3A_177, %max3A_191 : vector<1024x64xf32>
    %exp3A_193 = math.exp %sub3A_192 : vector<1024x64xf32>
    %sub3A_194 = arith.subf %squeeze3A_190, %max3A_191 : vector<1024x64xf32>
    %exp3A_195 = math.exp %sub3A_194 : vector<1024x64xf32>
    %mul3A_196 = arith.mulf %add3A_186, %exp3A_193 : vector<1024x64xf32>
    %slice3A_197 = vector.extract_strided_slice %reshape3A_59 {offsets = [10, 0, 0], sizes = [1, 1024, 64], strides = [1, 1, 1]} : vector<16x1024x64xf32> to vector<1x1024x64xf32>
    %squeeze3A_198 = vector.shape_cast %slice3A_197 : vector<1x1024x64xf32> to vector<1024x64xf32>
    %mul3A_199 = arith.mulf %exp3A_195, %squeeze3A_198 : vector<1024x64xf32>
    %add3A_200 = arith.addf %mul3A_196, %mul3A_199 : vector<1024x64xf32>
    %mul3A_201 = arith.mulf %add3A_188, %exp3A_193 : vector<1024x64xf32>
    %add3A_202 = arith.addf %mul3A_201, %exp3A_195 : vector<1024x64xf32>
    %slice3A_203 = vector.extract_strided_slice %reshape3A_58 {offsets = [11, 0, 0], sizes = [1, 1024, 64], strides = [1, 1, 1]} : vector<16x1024x64xf32> to vector<1x1024x64xf32>
    %squeeze3A_204 = vector.shape_cast %slice3A_203 : vector<1x1024x64xf32> to vector<1024x64xf32>
    %max3A_205 = arith.maximumf %max3A_191, %squeeze3A_204 : vector<1024x64xf32>
    %sub3A_206 = arith.subf %max3A_191, %max3A_205 : vector<1024x64xf32>
    %exp3A_207 = math.exp %sub3A_206 : vector<1024x64xf32>
    %sub3A_208 = arith.subf %squeeze3A_204, %max3A_205 : vector<1024x64xf32>
    %exp3A_209 = math.exp %sub3A_208 : vector<1024x64xf32>
    %mul3A_210 = arith.mulf %add3A_200, %exp3A_207 : vector<1024x64xf32>
    %slice3A_211 = vector.extract_strided_slice %reshape3A_59 {offsets = [11, 0, 0], sizes = [1, 1024, 64], strides = [1, 1, 1]} : vector<16x1024x64xf32> to vector<1x1024x64xf32>
    %squeeze3A_212 = vector.shape_cast %slice3A_211 : vector<1x1024x64xf32> to vector<1024x64xf32>
    %mul3A_213 = arith.mulf %exp3A_209, %squeeze3A_212 : vector<1024x64xf32>
    %add3A_214 = arith.addf %mul3A_210, %mul3A_213 : vector<1024x64xf32>
    %mul3A_215 = arith.mulf %add3A_202, %exp3A_207 : vector<1024x64xf32>
    %add3A_216 = arith.addf %mul3A_215, %exp3A_209 : vector<1024x64xf32>
    %slice3A_217 = vector.extract_strided_slice %reshape3A_58 {offsets = [12, 0, 0], sizes = [1, 1024, 64], strides = [1, 1, 1]} : vector<16x1024x64xf32> to vector<1x1024x64xf32>
    %squeeze3A_218 = vector.shape_cast %slice3A_217 : vector<1x1024x64xf32> to vector<1024x64xf32>
    %max3A_219 = arith.maximumf %max3A_205, %squeeze3A_218 : vector<1024x64xf32>
    %sub3A_220 = arith.subf %max3A_205, %max3A_219 : vector<1024x64xf32>
    %exp3A_221 = math.exp %sub3A_220 : vector<1024x64xf32>
    %sub3A_222 = arith.subf %squeeze3A_218, %max3A_219 : vector<1024x64xf32>
    %exp3A_223 = math.exp %sub3A_222 : vector<1024x64xf32>
    %mul3A_224 = arith.mulf %add3A_214, %exp3A_221 : vector<1024x64xf32>
    %slice3A_225 = vector.extract_strided_slice %reshape3A_59 {offsets = [12, 0, 0], sizes = [1, 1024, 64], strides = [1, 1, 1]} : vector<16x1024x64xf32> to vector<1x1024x64xf32>
    %squeeze3A_226 = vector.shape_cast %slice3A_225 : vector<1x1024x64xf32> to vector<1024x64xf32>
    %mul3A_227 = arith.mulf %exp3A_223, %squeeze3A_226 : vector<1024x64xf32>
    %add3A_228 = arith.addf %mul3A_224, %mul3A_227 : vector<1024x64xf32>
    %mul3A_229 = arith.mulf %add3A_216, %exp3A_221 : vector<1024x64xf32>
    %add3A_230 = arith.addf %mul3A_229, %exp3A_223 : vector<1024x64xf32>
    %slice3A_231 = vector.extract_strided_slice %reshape3A_58 {offsets = [13, 0, 0], sizes = [1, 1024, 64], strides = [1, 1, 1]} : vector<16x1024x64xf32> to vector<1x1024x64xf32>
    %squeeze3A_232 = vector.shape_cast %slice3A_231 : vector<1x1024x64xf32> to vector<1024x64xf32>
    %max3A_233 = arith.maximumf %max3A_219, %squeeze3A_232 : vector<1024x64xf32>
    %sub3A_234 = arith.subf %max3A_219, %max3A_233 : vector<1024x64xf32>
    %exp3A_235 = math.exp %sub3A_234 : vector<1024x64xf32>
    %sub3A_236 = arith.subf %squeeze3A_232, %max3A_233 : vector<1024x64xf32>
    %exp3A_237 = math.exp %sub3A_236 : vector<1024x64xf32>
    %mul3A_238 = arith.mulf %add3A_228, %exp3A_235 : vector<1024x64xf32>
    %slice3A_239 = vector.extract_strided_slice %reshape3A_59 {offsets = [13, 0, 0], sizes = [1, 1024, 64], strides = [1, 1, 1]} : vector<16x1024x64xf32> to vector<1x1024x64xf32>
    %squeeze3A_240 = vector.shape_cast %slice3A_239 : vector<1x1024x64xf32> to vector<1024x64xf32>
    %mul3A_241 = arith.mulf %exp3A_237, %squeeze3A_240 : vector<1024x64xf32>
    %add3A_242 = arith.addf %mul3A_238, %mul3A_241 : vector<1024x64xf32>
    %mul3A_243 = arith.mulf %add3A_230, %exp3A_235 : vector<1024x64xf32>
    %add3A_244 = arith.addf %mul3A_243, %exp3A_237 : vector<1024x64xf32>
    %slice3A_245 = vector.extract_strided_slice %reshape3A_58 {offsets = [14, 0, 0], sizes = [1, 1024, 64], strides = [1, 1, 1]} : vector<16x1024x64xf32> to vector<1x1024x64xf32>
    %squeeze3A_246 = vector.shape_cast %slice3A_245 : vector<1x1024x64xf32> to vector<1024x64xf32>
    %max3A_247 = arith.maximumf %max3A_233, %squeeze3A_246 : vector<1024x64xf32>
    %sub3A_248 = arith.subf %max3A_233, %max3A_247 : vector<1024x64xf32>
    %exp3A_249 = math.exp %sub3A_248 : vector<1024x64xf32>
    %sub3A_250 = arith.subf %squeeze3A_246, %max3A_247 : vector<1024x64xf32>
    %exp3A_251 = math.exp %sub3A_250 : vector<1024x64xf32>
    %mul3A_252 = arith.mulf %add3A_242, %exp3A_249 : vector<1024x64xf32>
    %slice3A_253 = vector.extract_strided_slice %reshape3A_59 {offsets = [14, 0, 0], sizes = [1, 1024, 64], strides = [1, 1, 1]} : vector<16x1024x64xf32> to vector<1x1024x64xf32>
    %squeeze3A_254 = vector.shape_cast %slice3A_253 : vector<1x1024x64xf32> to vector<1024x64xf32>
    %mul3A_255 = arith.mulf %exp3A_251, %squeeze3A_254 : vector<1024x64xf32>
    %add3A_256 = arith.addf %mul3A_252, %mul3A_255 : vector<1024x64xf32>
    %mul3A_257 = arith.mulf %add3A_244, %exp3A_249 : vector<1024x64xf32>
    %add3A_258 = arith.addf %mul3A_257, %exp3A_251 : vector<1024x64xf32>
    %slice3A_259 = vector.extract_strided_slice %reshape3A_58 {offsets = [15, 0, 0], sizes = [1, 1024, 64], strides = [1, 1, 1]} : vector<16x1024x64xf32> to vector<1x1024x64xf32>
    %squeeze3A_260 = vector.shape_cast %slice3A_259 : vector<1x1024x64xf32> to vector<1024x64xf32>
    %max3A_261 = arith.maximumf %max3A_247, %squeeze3A_260 : vector<1024x64xf32>
    %sub3A_262 = arith.subf %max3A_247, %max3A_261 : vector<1024x64xf32>
    %exp3A_263 = math.exp %sub3A_262 : vector<1024x64xf32>
    %sub3A_264 = arith.subf %squeeze3A_260, %max3A_261 : vector<1024x64xf32>
    %exp3A_265 = math.exp %sub3A_264 : vector<1024x64xf32>
    %mul3A_266 = arith.mulf %add3A_256, %exp3A_263 : vector<1024x64xf32>
    %slice3A_267 = vector.extract_strided_slice %reshape3A_59 {offsets = [15, 0, 0], sizes = [1, 1024, 64], strides = [1, 1, 1]} : vector<16x1024x64xf32> to vector<1x1024x64xf32>
    %squeeze3A_268 = vector.shape_cast %slice3A_267 : vector<1x1024x64xf32> to vector<1024x64xf32>
    %mul3A_269 = arith.mulf %exp3A_265, %squeeze3A_268 : vector<1024x64xf32>
    %add3A_270 = arith.addf %mul3A_266, %mul3A_269 : vector<1024x64xf32>
    %mul3A_271 = arith.mulf %add3A_258, %exp3A_263 : vector<1024x64xf32>
    %add3A_272 = arith.addf %mul3A_271, %exp3A_265 : vector<1024x64xf32>
    %div3A = arith.divf %add3A_270, %add3A_272 : vector<1024x64xf32>
    %swap3A = arith.constant 0 : index
    %swap3A_273 = arith.constant 0 : index
    %swap3A_274 = vector.load %arg10[%swap3A, %swap3A_273] : memref<1024x64xf32, #tpu.memory_space<vmem>>, vector<1024x64xf32>
    tpu.vector_store %arg10[%swap3A, %swap3A_273], %div3A {strides = array<i32>} : memref<1024x64xf32, #tpu.memory_space<vmem>>, vector<1024x64xf32>,
    return
  }
  func.func @transform_0(%arg0: i32) -> (i32, i32) {
    %c0_i32 = arith.constant 0 : i32
    %c0_i32_0 = arith.constant 0 : i32
    return %arg0, %c0_i32 : i32, i32
  }
  func.func @transform_1(%arg0: i32) -> (i32, i32, i32) {
    %c0_i32 = arith.constant 0 : i32
    %c0_i32_0 = arith.constant 0 : i32
    %c0_i32_1 = arith.constant 0 : i32
    return %c0_i32, %arg0, %c0_i32_0 : i32, i32, i32
  }
  func.func @transform_2(%arg0: i32) -> (i32, i32) {
    %c0_i32 = arith.constant 0 : i32
    %c0_i32_0 = arith.constant 0 : i32
    %c0_i32_1 = arith.constant 0 : i32
    return %c0_i32, %c0_i32_0 : i32, i32
  }
  func.func @transform_3(%arg0: i32) -> (i32, i32) {
    %c0_i32 = arith.constant 0 : i32
    %c0_i32_0 = arith.constant 0 : i32
    %c0_i32_1 = arith.constant 0 : i32
    return %c0_i32, %c0_i32_0 : i32, i32
  }
  func.func @transform_4(%arg0: i32) -> (i32, i32) {
    %c0_i32 = arith.constant 0 : i32
    %c0_i32_0 = arith.constant 0 : i32
    %c0_i32_1 = arith.constant 0 : i32
    return %c0_i32, %c0_i32_0 : i32, i32
  }
  func.func @transform_5(%arg0: i32) -> (i32, i32) {
    %c0_i32 = arith.constant 0 : i32
    %c0_i32_0 = arith.constant 0 : i32
    %c0_i32_1 = arith.constant 0 : i32
    return %c0_i32, %c0_i32_0 : i32, i32
  }
  func.func @transform_6(%arg0: i32) -> (i32, i32) {
    %c0_i32 = arith.constant 0 : i32
    %c0_i32_0 = arith.constant 0 : i32
    %c0_i32_1 = arith.constant 0 : i32
    return %c0_i32, %c0_i32_0 : i32, i32
  }
  func.func @transform_7(%arg0: i32) -> (i32, i32) {
    %c0_i32 = arith.constant 0 : i32
    %c0_i32_0 = arith.constant 0 : i32
    %c0_i32_1 = arith.constant 0 : i32
    return %c0_i32, %c0_i32_0 : i32, i32
  }
  func.func @transform_8(%arg0: i32) -> (i32, i32) {
    %c0_i32 = arith.constant 0 : i32
    %c0_i32_0 = arith.constant 0 : i32
    %c0_i32_1 = arith.constant 0 : i32
    return %c0_i32, %c0_i32_0 : i32, i32
  }
  func.func @transform_9(%arg0: i32) -> (i32, i32) {
    %c0_i32 = arith.constant 0 : i32
    %c0_i32_0 = arith.constant 0 : i32
    return %arg0, %c0_i32 : i32, i32
  }
}

module attributes {stable_mosaic.version = 14 : i64} {
  func.func @_stage_a_body(%arg0: i32, %arg1: memref<1x512x16xf32, #tpu.memory_space<vmem>>, %arg2: memref<1x512x16xf32, #tpu.memory_space<vmem>>, %arg3: memref<1x16x512xf32, #tpu.memory_space<vmem>>, %arg4: memref<16x192xf32, #tpu.memory_space<vmem>>, %arg5: memref<16x64xf32, #tpu.memory_space<vmem>>, %arg6: memref<1x512x256xf32, #tpu.memory_space<vmem>>, %arg7: memref<1x512x16xi32, #tpu.memory_space<vmem>>) attributes {dimension_semantics = [#tpu.dimension_semantics<arbitrary>], iteration_bounds = array<i64: 2>, scalar_prefetch = 0 : i64, scratch_operands = 0 : i64, tpu.core_type = #tpu.core_type<tc>, window_params = [{transform_indices = @transform_0, window_bounds = array<i64: 1, 512, 16>}, {transform_indices = @transform_1, window_bounds = array<i64: 1, 512, 16>}, {transform_indices = @transform_2, window_bounds = array<i64: 1, 16, 512>}, {pipeline_mode = #tpu.pipeline_mode<synchronous>, transform_indices = @transform_3, window_bounds = array<i64: 16, 192>}, {pipeline_mode = #tpu.pipeline_mode<synchronous>, transform_indices = @transform_4, window_bounds = array<i64: 16, 64>}, {transform_indices = @transform_5, window_bounds = array<i64: 1, 512, 256>}, {transform_indices = @transform_6, window_bounds = array<i64: 1, 512, 16>}]} {
    %get3A = arith.constant 0 : index
    %get3A_0 = arith.constant 0 : index
    %get3A_1 = arith.constant 0 : index
    %get3A_2 = vector.load %arg1[%get3A, %get3A_0, %get3A_1] : memref<1x512x16xf32, #tpu.memory_space<vmem>>, vector<1x512x16xf32>
    %get3A_3 = vector.shape_cast %get3A_2 : vector<1x512x16xf32> to vector<512x16xf32>
    %get3A_4 = arith.constant 0 : index
    %get3A_5 = arith.constant 0 : index
    %get3A_6 = arith.constant 0 : index
    %get3A_7 = vector.load %arg2[%get3A_4, %get3A_5, %get3A_6] : memref<1x512x16xf32, #tpu.memory_space<vmem>>, vector<1x512x16xf32>
    %get3A_8 = vector.shape_cast %get3A_7 : vector<1x512x16xf32> to vector<512x16xf32>
    %get3A_9 = arith.constant 0 : index
    %get3A_10 = arith.constant 0 : index
    %get3A_11 = arith.constant 0 : index
    %get3A_12 = vector.load %arg3[%get3A_9, %get3A_10, %get3A_11] : memref<1x16x512xf32, #tpu.memory_space<vmem>>, vector<1x16x512xf32>
    %get3A_13 = vector.shape_cast %get3A_12 : vector<1x16x512xf32> to vector<16x512xf32>
    %get3A_14 = arith.constant 0 : index
    %get3A_15 = arith.constant 0 : index
    %get3A_16 = vector.load %arg4[%get3A_14, %get3A_15] : memref<16x192xf32, #tpu.memory_space<vmem>>, vector<16x192xf32>
    %dot_general3A = arith.constant dense<0.000000e+00> : vector<512x192xf32>
    %dot_general3A_17 = tpu.matmul %get3A_3, %get3A_16, %dot_general3A {dimension_numbers = #tpu.dot_dimension_numbers<[1], [0], [0], [1], [0, 0, 1, 1], [], []>, precision = #tpu.contract_precision<fp32>, transpose_lhs_hint = false} : vector<512x16xf32>, vector<16x192xf32>, vector<512x192xf32> -> vector<512x192xf32>
    %swap3A = arith.constant 0 : index
    %swap3A_18 = arith.constant 0 : index
    %swap3A_19 = arith.constant 0 : index
    %swap3A_20 = vector.load %arg6[%swap3A, %swap3A_18, %swap3A_19] : memref<1x512x256xf32, #tpu.memory_space<vmem>>, vector<1x512x192xf32>
    %swap3A_21 = vector.shape_cast %swap3A_20 : vector<1x512x192xf32> to vector<512x192xf32>
    %swap3A_22 = vector.shape_cast %dot_general3A_17 : vector<512x192xf32> to vector<1x512x192xf32>
    tpu.vector_store %arg6[%swap3A, %swap3A_18, %swap3A_19], %swap3A_22 {strides = array<i32>} : memref<1x512x256xf32, #tpu.memory_space<vmem>>, vector<1x512x192xf32>,
    %get3A_23 = arith.constant 0 : index
    %get3A_24 = arith.constant 0 : index
    %get3A_25 = vector.load %arg5[%get3A_23, %get3A_24] : memref<16x64xf32, #tpu.memory_space<vmem>>, vector<16x64xf32>
    %dot_general3A_26 = arith.constant dense<0.000000e+00> : vector<512x64xf32>
    %dot_general3A_27 = tpu.matmul %get3A_8, %get3A_25, %dot_general3A_26 {dimension_numbers = #tpu.dot_dimension_numbers<[1], [0], [0], [1], [0, 0, 1, 1], [], []>, precision = #tpu.contract_precision<fp32>, transpose_lhs_hint = false} : vector<512x16xf32>, vector<16x64xf32>, vector<512x64xf32> -> vector<512x64xf32>
    %swap3A_28 = arith.constant 0 : index
    %swap3A_29 = arith.constant 0 : index
    %swap3A_30 = arith.constant 192 : index
    %swap3A_31 = vector.load %arg6[%swap3A_28, %swap3A_29, %swap3A_30] : memref<1x512x256xf32, #tpu.memory_space<vmem>>, vector<1x512x64xf32>
    %swap3A_32 = vector.shape_cast %swap3A_31 : vector<1x512x64xf32> to vector<512x64xf32>
    %swap3A_33 = vector.shape_cast %dot_general3A_27 : vector<512x64xf32> to vector<1x512x64xf32>
    tpu.vector_store %arg6[%swap3A_28, %swap3A_29, %swap3A_30], %swap3A_33 {strides = array<i32>} : memref<1x512x256xf32, #tpu.memory_space<vmem>>, vector<1x512x64xf32>,
    %slice3A = vector.extract_strided_slice %get3A_8 {offsets = [0, 0], sizes = [512, 1], strides = [1, 1]} : vector<512x16xf32> to vector<512x1xf32>
    %slice3A_34 = vector.extract_strided_slice %get3A_13 {offsets = [0, 0], sizes = [1, 512], strides = [1, 1]} : vector<16x512xf32> to vector<1x512xf32>
    %sub3A = vector.broadcast %slice3A : vector<512x1xf32> to vector<512x512xf32>
    %sub3A_35 = vector.broadcast %slice3A_34 : vector<1x512xf32> to vector<512x512xf32>
    %sub3A_36 = arith.subf %sub3A, %sub3A_35 : vector<512x512xf32>
    %slice3A_37 = vector.extract_strided_slice %get3A_8 {offsets = [0, 1], sizes = [512, 1], strides = [1, 1]} : vector<512x16xf32> to vector<512x1xf32>
    %slice3A_38 = vector.extract_strided_slice %get3A_13 {offsets = [1, 0], sizes = [1, 512], strides = [1, 1]} : vector<16x512xf32> to vector<1x512xf32>
    %sub3A_39 = vector.broadcast %slice3A_37 : vector<512x1xf32> to vector<512x512xf32>
    %sub3A_40 = vector.broadcast %slice3A_38 : vector<1x512xf32> to vector<512x512xf32>
    %sub3A_41 = arith.subf %sub3A_39, %sub3A_40 : vector<512x512xf32>
    %slice3A_42 = vector.extract_strided_slice %get3A_8 {offsets = [0, 2], sizes = [512, 1], strides = [1, 1]} : vector<512x16xf32> to vector<512x1xf32>
    %slice3A_43 = vector.extract_strided_slice %get3A_13 {offsets = [2, 0], sizes = [1, 512], strides = [1, 1]} : vector<16x512xf32> to vector<1x512xf32>
    %sub3A_44 = vector.broadcast %slice3A_42 : vector<512x1xf32> to vector<512x512xf32>
    %sub3A_45 = vector.broadcast %slice3A_43 : vector<1x512xf32> to vector<512x512xf32>
    %sub3A_46 = arith.subf %sub3A_44, %sub3A_45 : vector<512x512xf32>
    %mul3A = arith.mulf %sub3A_36, %sub3A_36 : vector<512x512xf32>
    %mul3A_47 = arith.mulf %sub3A_41, %sub3A_41 : vector<512x512xf32>
    %add3A = arith.addf %mul3A, %mul3A_47 : vector<512x512xf32>
    %mul3A_48 = arith.mulf %sub3A_46, %sub3A_46 : vector<512x512xf32>
    %add3A_49 = arith.addf %add3A, %mul3A_48 : vector<512x512xf32>
    %sqrt3A = math.sqrt %add3A_49 : vector<512x512xf32>
    %iota3A = tpu.iota {dimensions = array<i32: 1>} : vector<512x512xi32>
    %convert_element_type3A = arith.sitofp %iota3A : vector<512x512xi32> to vector<512x512xf32>
    %mul3A_50 = arith.constant 512 : i32
    %mul3A_51 = arith.muli %mul3A_50, %arg0 : i32
    %reduce_min3A = arith.constant dense<0x7F800000> : vector<512xf32>
    %reduce_min3A_52 = vector.multi_reduction <minimumf>, %sqrt3A, %reduce_min3A [1] : vector<512x512xf32> to vector<512xf32>
    %broadcast_in_dim3A = vector.shape_cast %reduce_min3A_52 : vector<512xf32> to vector<512x1xf32>
    %le3A = vector.broadcast %broadcast_in_dim3A : vector<512x1xf32> to vector<512x512xf32>
    %le3A_53 = arith.cmpf ole, %sqrt3A, %le3A : vector<512x512xf32>
    %jit3A = arith.constant 5.120000e+02 : f32
    %broadcast_in_dim3A_54 = vector.broadcast %jit3A : f32 to vector<512x512xf32>
    %select_n3A = arith.select %le3A_53, %convert_element_type3A, %broadcast_in_dim3A_54 : vector<512x512xi1>, vector<512x512xf32>
    %reduce_min3A_55 = arith.constant dense<0x7F800000> : vector<512xf32>
    %reduce_min3A_56 = vector.multi_reduction <minimumf>, %select_n3A, %reduce_min3A_55 [1] : vector<512x512xf32> to vector<512xf32>
    %broadcast_in_dim3A_57 = vector.shape_cast %reduce_min3A_56 : vector<512xf32> to vector<512x1xf32>
    %convert_element_type3A_58 = arith.fptosi %broadcast_in_dim3A_57 : vector<512x1xf32> to vector<512x1xi32>
    %add3A_59 = vector.broadcast %mul3A_51 : i32 to vector<512x1xi32>
    %add3A_60 = arith.addi %convert_element_type3A_58, %add3A_59 : vector<512x1xi32>
    %swap3A_61 = arith.constant 0 : index
    %swap3A_62 = arith.constant 0 : index
    %swap3A_63 = arith.constant 0 : index
    %swap3A_64 = vector.load %arg7[%swap3A_61, %swap3A_62, %swap3A_63] : memref<1x512x16xi32, #tpu.memory_space<vmem>>, vector<1x512x1xi32>
    %swap3A_65 = vector.shape_cast %swap3A_64 : vector<1x512x1xi32> to vector<512x1xi32>
    %swap3A_66 = vector.shape_cast %add3A_60 : vector<512x1xi32> to vector<1x512x1xi32>
    tpu.vector_store %arg7[%swap3A_61, %swap3A_62, %swap3A_63], %swap3A_66 {strides = array<i32>} : memref<1x512x16xi32, #tpu.memory_space<vmem>>, vector<1x512x1xi32>,
    %eq3A = vector.broadcast %broadcast_in_dim3A_57 : vector<512x1xf32> to vector<512x512xf32>
    %eq3A_67 = arith.cmpf oeq, %convert_element_type3A, %eq3A : vector<512x512xf32>
    %jit3A_68 = arith.constant 3.000000e+38 : f32
    %broadcast_in_dim3A_69 = vector.broadcast %jit3A_68 : f32 to vector<512x512xf32>
    %select_n3A_70 = arith.select %eq3A_67, %broadcast_in_dim3A_69, %sqrt3A : vector<512x512xi1>, vector<512x512xf32>
    %reduce_min3A_71 = arith.constant dense<0x7F800000> : vector<512xf32>
    %reduce_min3A_72 = vector.multi_reduction <minimumf>, %select_n3A_70, %reduce_min3A_71 [1] : vector<512x512xf32> to vector<512xf32>
    %broadcast_in_dim3A_73 = vector.shape_cast %reduce_min3A_72 : vector<512xf32> to vector<512x1xf32>
    %le3A_74 = vector.broadcast %broadcast_in_dim3A_73 : vector<512x1xf32> to vector<512x512xf32>
    %le3A_75 = arith.cmpf ole, %select_n3A_70, %le3A_74 : vector<512x512xf32>
    %jit3A_76 = arith.constant 5.120000e+02 : f32
    %broadcast_in_dim3A_77 = vector.broadcast %jit3A_76 : f32 to vector<512x512xf32>
    %select_n3A_78 = arith.select %le3A_75, %convert_element_type3A, %broadcast_in_dim3A_77 : vector<512x512xi1>, vector<512x512xf32>
    %reduce_min3A_79 = arith.constant dense<0x7F800000> : vector<512xf32>
    %reduce_min3A_80 = vector.multi_reduction <minimumf>, %select_n3A_78, %reduce_min3A_79 [1] : vector<512x512xf32> to vector<512xf32>
    %broadcast_in_dim3A_81 = vector.shape_cast %reduce_min3A_80 : vector<512xf32> to vector<512x1xf32>
    %convert_element_type3A_82 = arith.fptosi %broadcast_in_dim3A_81 : vector<512x1xf32> to vector<512x1xi32>
    %add3A_83 = vector.broadcast %mul3A_51 : i32 to vector<512x1xi32>
    %add3A_84 = arith.addi %convert_element_type3A_82, %add3A_83 : vector<512x1xi32>
    %swap3A_85 = arith.constant 0 : index
    %swap3A_86 = arith.constant 0 : index
    %swap3A_87 = arith.constant 1 : index
    %swap3A_88 = vector.load %arg7[%swap3A_85, %swap3A_86, %swap3A_87] : memref<1x512x16xi32, #tpu.memory_space<vmem>>, vector<1x512x1xi32>
    %swap3A_89 = vector.shape_cast %swap3A_88 : vector<1x512x1xi32> to vector<512x1xi32>
    %swap3A_90 = vector.shape_cast %add3A_84 : vector<512x1xi32> to vector<1x512x1xi32>
    tpu.vector_store %arg7[%swap3A_85, %swap3A_86, %swap3A_87], %swap3A_90 {strides = array<i32>} : memref<1x512x16xi32, #tpu.memory_space<vmem>>, vector<1x512x1xi32>,
    %eq3A_91 = vector.broadcast %broadcast_in_dim3A_81 : vector<512x1xf32> to vector<512x512xf32>
    %eq3A_92 = arith.cmpf oeq, %convert_element_type3A, %eq3A_91 : vector<512x512xf32>
    %jit3A_93 = arith.constant 3.000000e+38 : f32
    %broadcast_in_dim3A_94 = vector.broadcast %jit3A_93 : f32 to vector<512x512xf32>
    %select_n3A_95 = arith.select %eq3A_92, %broadcast_in_dim3A_94, %select_n3A_70 : vector<512x512xi1>, vector<512x512xf32>
    %reduce_min3A_96 = arith.constant dense<0x7F800000> : vector<512xf32>
    %reduce_min3A_97 = vector.multi_reduction <minimumf>, %select_n3A_95, %reduce_min3A_96 [1] : vector<512x512xf32> to vector<512xf32>
    %broadcast_in_dim3A_98 = vector.shape_cast %reduce_min3A_97 : vector<512xf32> to vector<512x1xf32>
    %le3A_99 = vector.broadcast %broadcast_in_dim3A_98 : vector<512x1xf32> to vector<512x512xf32>
    %le3A_100 = arith.cmpf ole, %select_n3A_95, %le3A_99 : vector<512x512xf32>
    %jit3A_101 = arith.constant 5.120000e+02 : f32
    %broadcast_in_dim3A_102 = vector.broadcast %jit3A_101 : f32 to vector<512x512xf32>
    %select_n3A_103 = arith.select %le3A_100, %convert_element_type3A, %broadcast_in_dim3A_102 : vector<512x512xi1>, vector<512x512xf32>
    %reduce_min3A_104 = arith.constant dense<0x7F800000> : vector<512xf32>
    %reduce_min3A_105 = vector.multi_reduction <minimumf>, %select_n3A_103, %reduce_min3A_104 [1] : vector<512x512xf32> to vector<512xf32>
    %broadcast_in_dim3A_106 = vector.shape_cast %reduce_min3A_105 : vector<512xf32> to vector<512x1xf32>
    %convert_element_type3A_107 = arith.fptosi %broadcast_in_dim3A_106 : vector<512x1xf32> to vector<512x1xi32>
    %add3A_108 = vector.broadcast %mul3A_51 : i32 to vector<512x1xi32>
    %add3A_109 = arith.addi %convert_element_type3A_107, %add3A_108 : vector<512x1xi32>
    %swap3A_110 = arith.constant 0 : index
    %swap3A_111 = arith.constant 0 : index
    %swap3A_112 = arith.constant 2 : index
    %swap3A_113 = vector.load %arg7[%swap3A_110, %swap3A_111, %swap3A_112] : memref<1x512x16xi32, #tpu.memory_space<vmem>>, vector<1x512x1xi32>
    %swap3A_114 = vector.shape_cast %swap3A_113 : vector<1x512x1xi32> to vector<512x1xi32>
    %swap3A_115 = vector.shape_cast %add3A_109 : vector<512x1xi32> to vector<1x512x1xi32>
    tpu.vector_store %arg7[%swap3A_110, %swap3A_111, %swap3A_112], %swap3A_115 {strides = array<i32>} : memref<1x512x16xi32, #tpu.memory_space<vmem>>, vector<1x512x1xi32>,
    %eq3A_116 = vector.broadcast %broadcast_in_dim3A_106 : vector<512x1xf32> to vector<512x512xf32>
    %eq3A_117 = arith.cmpf oeq, %convert_element_type3A, %eq3A_116 : vector<512x512xf32>
    %jit3A_118 = arith.constant 3.000000e+38 : f32
    %broadcast_in_dim3A_119 = vector.broadcast %jit3A_118 : f32 to vector<512x512xf32>
    %select_n3A_120 = arith.select %eq3A_117, %broadcast_in_dim3A_119, %select_n3A_95 : vector<512x512xi1>, vector<512x512xf32>
    %reduce_min3A_121 = arith.constant dense<0x7F800000> : vector<512xf32>
    %reduce_min3A_122 = vector.multi_reduction <minimumf>, %select_n3A_120, %reduce_min3A_121 [1] : vector<512x512xf32> to vector<512xf32>
    %broadcast_in_dim3A_123 = vector.shape_cast %reduce_min3A_122 : vector<512xf32> to vector<512x1xf32>
    %le3A_124 = vector.broadcast %broadcast_in_dim3A_123 : vector<512x1xf32> to vector<512x512xf32>
    %le3A_125 = arith.cmpf ole, %select_n3A_120, %le3A_124 : vector<512x512xf32>
    %jit3A_126 = arith.constant 5.120000e+02 : f32
    %broadcast_in_dim3A_127 = vector.broadcast %jit3A_126 : f32 to vector<512x512xf32>
    %select_n3A_128 = arith.select %le3A_125, %convert_element_type3A, %broadcast_in_dim3A_127 : vector<512x512xi1>, vector<512x512xf32>
    %reduce_min3A_129 = arith.constant dense<0x7F800000> : vector<512xf32>
    %reduce_min3A_130 = vector.multi_reduction <minimumf>, %select_n3A_128, %reduce_min3A_129 [1] : vector<512x512xf32> to vector<512xf32>
    %broadcast_in_dim3A_131 = vector.shape_cast %reduce_min3A_130 : vector<512xf32> to vector<512x1xf32>
    %convert_element_type3A_132 = arith.fptosi %broadcast_in_dim3A_131 : vector<512x1xf32> to vector<512x1xi32>
    %add3A_133 = vector.broadcast %mul3A_51 : i32 to vector<512x1xi32>
    %add3A_134 = arith.addi %convert_element_type3A_132, %add3A_133 : vector<512x1xi32>
    %swap3A_135 = arith.constant 0 : index
    %swap3A_136 = arith.constant 0 : index
    %swap3A_137 = arith.constant 3 : index
    %swap3A_138 = vector.load %arg7[%swap3A_135, %swap3A_136, %swap3A_137] : memref<1x512x16xi32, #tpu.memory_space<vmem>>, vector<1x512x1xi32>
    %swap3A_139 = vector.shape_cast %swap3A_138 : vector<1x512x1xi32> to vector<512x1xi32>
    %swap3A_140 = vector.shape_cast %add3A_134 : vector<512x1xi32> to vector<1x512x1xi32>
    tpu.vector_store %arg7[%swap3A_135, %swap3A_136, %swap3A_137], %swap3A_140 {strides = array<i32>} : memref<1x512x16xi32, #tpu.memory_space<vmem>>, vector<1x512x1xi32>,
    %eq3A_141 = vector.broadcast %broadcast_in_dim3A_131 : vector<512x1xf32> to vector<512x512xf32>
    %eq3A_142 = arith.cmpf oeq, %convert_element_type3A, %eq3A_141 : vector<512x512xf32>
    %jit3A_143 = arith.constant 3.000000e+38 : f32
    %broadcast_in_dim3A_144 = vector.broadcast %jit3A_143 : f32 to vector<512x512xf32>
    %select_n3A_145 = arith.select %eq3A_142, %broadcast_in_dim3A_144, %select_n3A_120 : vector<512x512xi1>, vector<512x512xf32>
    %reduce_min3A_146 = arith.constant dense<0x7F800000> : vector<512xf32>
    %reduce_min3A_147 = vector.multi_reduction <minimumf>, %select_n3A_145, %reduce_min3A_146 [1] : vector<512x512xf32> to vector<512xf32>
    %broadcast_in_dim3A_148 = vector.shape_cast %reduce_min3A_147 : vector<512xf32> to vector<512x1xf32>
    %le3A_149 = vector.broadcast %broadcast_in_dim3A_148 : vector<512x1xf32> to vector<512x512xf32>
    %le3A_150 = arith.cmpf ole, %select_n3A_145, %le3A_149 : vector<512x512xf32>
    %jit3A_151 = arith.constant 5.120000e+02 : f32
    %broadcast_in_dim3A_152 = vector.broadcast %jit3A_151 : f32 to vector<512x512xf32>
    %select_n3A_153 = arith.select %le3A_150, %convert_element_type3A, %broadcast_in_dim3A_152 : vector<512x512xi1>, vector<512x512xf32>
    %reduce_min3A_154 = arith.constant dense<0x7F800000> : vector<512xf32>
    %reduce_min3A_155 = vector.multi_reduction <minimumf>, %select_n3A_153, %reduce_min3A_154 [1] : vector<512x512xf32> to vector<512xf32>
    %broadcast_in_dim3A_156 = vector.shape_cast %reduce_min3A_155 : vector<512xf32> to vector<512x1xf32>
    %convert_element_type3A_157 = arith.fptosi %broadcast_in_dim3A_156 : vector<512x1xf32> to vector<512x1xi32>
    %add3A_158 = vector.broadcast %mul3A_51 : i32 to vector<512x1xi32>
    %add3A_159 = arith.addi %convert_element_type3A_157, %add3A_158 : vector<512x1xi32>
    %swap3A_160 = arith.constant 0 : index
    %swap3A_161 = arith.constant 0 : index
    %swap3A_162 = arith.constant 4 : index
    %swap3A_163 = vector.load %arg7[%swap3A_160, %swap3A_161, %swap3A_162] : memref<1x512x16xi32, #tpu.memory_space<vmem>>, vector<1x512x1xi32>
    %swap3A_164 = vector.shape_cast %swap3A_163 : vector<1x512x1xi32> to vector<512x1xi32>
    %swap3A_165 = vector.shape_cast %add3A_159 : vector<512x1xi32> to vector<1x512x1xi32>
    tpu.vector_store %arg7[%swap3A_160, %swap3A_161, %swap3A_162], %swap3A_165 {strides = array<i32>} : memref<1x512x16xi32, #tpu.memory_space<vmem>>, vector<1x512x1xi32>,
    %eq3A_166 = vector.broadcast %broadcast_in_dim3A_156 : vector<512x1xf32> to vector<512x512xf32>
    %eq3A_167 = arith.cmpf oeq, %convert_element_type3A, %eq3A_166 : vector<512x512xf32>
    %jit3A_168 = arith.constant 3.000000e+38 : f32
    %broadcast_in_dim3A_169 = vector.broadcast %jit3A_168 : f32 to vector<512x512xf32>
    %select_n3A_170 = arith.select %eq3A_167, %broadcast_in_dim3A_169, %select_n3A_145 : vector<512x512xi1>, vector<512x512xf32>
    %reduce_min3A_171 = arith.constant dense<0x7F800000> : vector<512xf32>
    %reduce_min3A_172 = vector.multi_reduction <minimumf>, %select_n3A_170, %reduce_min3A_171 [1] : vector<512x512xf32> to vector<512xf32>
    %broadcast_in_dim3A_173 = vector.shape_cast %reduce_min3A_172 : vector<512xf32> to vector<512x1xf32>
    %le3A_174 = vector.broadcast %broadcast_in_dim3A_173 : vector<512x1xf32> to vector<512x512xf32>
    %le3A_175 = arith.cmpf ole, %select_n3A_170, %le3A_174 : vector<512x512xf32>
    %jit3A_176 = arith.constant 5.120000e+02 : f32
    %broadcast_in_dim3A_177 = vector.broadcast %jit3A_176 : f32 to vector<512x512xf32>
    %select_n3A_178 = arith.select %le3A_175, %convert_element_type3A, %broadcast_in_dim3A_177 : vector<512x512xi1>, vector<512x512xf32>
    %reduce_min3A_179 = arith.constant dense<0x7F800000> : vector<512xf32>
    %reduce_min3A_180 = vector.multi_reduction <minimumf>, %select_n3A_178, %reduce_min3A_179 [1] : vector<512x512xf32> to vector<512xf32>
    %broadcast_in_dim3A_181 = vector.shape_cast %reduce_min3A_180 : vector<512xf32> to vector<512x1xf32>
    %convert_element_type3A_182 = arith.fptosi %broadcast_in_dim3A_181 : vector<512x1xf32> to vector<512x1xi32>
    %add3A_183 = vector.broadcast %mul3A_51 : i32 to vector<512x1xi32>
    %add3A_184 = arith.addi %convert_element_type3A_182, %add3A_183 : vector<512x1xi32>
    %swap3A_185 = arith.constant 0 : index
    %swap3A_186 = arith.constant 0 : index
    %swap3A_187 = arith.constant 5 : index
    %swap3A_188 = vector.load %arg7[%swap3A_185, %swap3A_186, %swap3A_187] : memref<1x512x16xi32, #tpu.memory_space<vmem>>, vector<1x512x1xi32>
    %swap3A_189 = vector.shape_cast %swap3A_188 : vector<1x512x1xi32> to vector<512x1xi32>
    %swap3A_190 = vector.shape_cast %add3A_184 : vector<512x1xi32> to vector<1x512x1xi32>
    tpu.vector_store %arg7[%swap3A_185, %swap3A_186, %swap3A_187], %swap3A_190 {strides = array<i32>} : memref<1x512x16xi32, #tpu.memory_space<vmem>>, vector<1x512x1xi32>,
    %eq3A_191 = vector.broadcast %broadcast_in_dim3A_181 : vector<512x1xf32> to vector<512x512xf32>
    %eq3A_192 = arith.cmpf oeq, %convert_element_type3A, %eq3A_191 : vector<512x512xf32>
    %jit3A_193 = arith.constant 3.000000e+38 : f32
    %broadcast_in_dim3A_194 = vector.broadcast %jit3A_193 : f32 to vector<512x512xf32>
    %select_n3A_195 = arith.select %eq3A_192, %broadcast_in_dim3A_194, %select_n3A_170 : vector<512x512xi1>, vector<512x512xf32>
    %reduce_min3A_196 = arith.constant dense<0x7F800000> : vector<512xf32>
    %reduce_min3A_197 = vector.multi_reduction <minimumf>, %select_n3A_195, %reduce_min3A_196 [1] : vector<512x512xf32> to vector<512xf32>
    %broadcast_in_dim3A_198 = vector.shape_cast %reduce_min3A_197 : vector<512xf32> to vector<512x1xf32>
    %le3A_199 = vector.broadcast %broadcast_in_dim3A_198 : vector<512x1xf32> to vector<512x512xf32>
    %le3A_200 = arith.cmpf ole, %select_n3A_195, %le3A_199 : vector<512x512xf32>
    %jit3A_201 = arith.constant 5.120000e+02 : f32
    %broadcast_in_dim3A_202 = vector.broadcast %jit3A_201 : f32 to vector<512x512xf32>
    %select_n3A_203 = arith.select %le3A_200, %convert_element_type3A, %broadcast_in_dim3A_202 : vector<512x512xi1>, vector<512x512xf32>
    %reduce_min3A_204 = arith.constant dense<0x7F800000> : vector<512xf32>
    %reduce_min3A_205 = vector.multi_reduction <minimumf>, %select_n3A_203, %reduce_min3A_204 [1] : vector<512x512xf32> to vector<512xf32>
    %broadcast_in_dim3A_206 = vector.shape_cast %reduce_min3A_205 : vector<512xf32> to vector<512x1xf32>
    %convert_element_type3A_207 = arith.fptosi %broadcast_in_dim3A_206 : vector<512x1xf32> to vector<512x1xi32>
    %add3A_208 = vector.broadcast %mul3A_51 : i32 to vector<512x1xi32>
    %add3A_209 = arith.addi %convert_element_type3A_207, %add3A_208 : vector<512x1xi32>
    %swap3A_210 = arith.constant 0 : index
    %swap3A_211 = arith.constant 0 : index
    %swap3A_212 = arith.constant 6 : index
    %swap3A_213 = vector.load %arg7[%swap3A_210, %swap3A_211, %swap3A_212] : memref<1x512x16xi32, #tpu.memory_space<vmem>>, vector<1x512x1xi32>
    %swap3A_214 = vector.shape_cast %swap3A_213 : vector<1x512x1xi32> to vector<512x1xi32>
    %swap3A_215 = vector.shape_cast %add3A_209 : vector<512x1xi32> to vector<1x512x1xi32>
    tpu.vector_store %arg7[%swap3A_210, %swap3A_211, %swap3A_212], %swap3A_215 {strides = array<i32>} : memref<1x512x16xi32, #tpu.memory_space<vmem>>, vector<1x512x1xi32>,
    %eq3A_216 = vector.broadcast %broadcast_in_dim3A_206 : vector<512x1xf32> to vector<512x512xf32>
    %eq3A_217 = arith.cmpf oeq, %convert_element_type3A, %eq3A_216 : vector<512x512xf32>
    %jit3A_218 = arith.constant 3.000000e+38 : f32
    %broadcast_in_dim3A_219 = vector.broadcast %jit3A_218 : f32 to vector<512x512xf32>
    %select_n3A_220 = arith.select %eq3A_217, %broadcast_in_dim3A_219, %select_n3A_195 : vector<512x512xi1>, vector<512x512xf32>
    %reduce_min3A_221 = arith.constant dense<0x7F800000> : vector<512xf32>
    %reduce_min3A_222 = vector.multi_reduction <minimumf>, %select_n3A_220, %reduce_min3A_221 [1] : vector<512x512xf32> to vector<512xf32>
    %broadcast_in_dim3A_223 = vector.shape_cast %reduce_min3A_222 : vector<512xf32> to vector<512x1xf32>
    %le3A_224 = vector.broadcast %broadcast_in_dim3A_223 : vector<512x1xf32> to vector<512x512xf32>
    %le3A_225 = arith.cmpf ole, %select_n3A_220, %le3A_224 : vector<512x512xf32>
    %jit3A_226 = arith.constant 5.120000e+02 : f32
    %broadcast_in_dim3A_227 = vector.broadcast %jit3A_226 : f32 to vector<512x512xf32>
    %select_n3A_228 = arith.select %le3A_225, %convert_element_type3A, %broadcast_in_dim3A_227 : vector<512x512xi1>, vector<512x512xf32>
    %reduce_min3A_229 = arith.constant dense<0x7F800000> : vector<512xf32>
    %reduce_min3A_230 = vector.multi_reduction <minimumf>, %select_n3A_228, %reduce_min3A_229 [1] : vector<512x512xf32> to vector<512xf32>
    %broadcast_in_dim3A_231 = vector.shape_cast %reduce_min3A_230 : vector<512xf32> to vector<512x1xf32>
    %convert_element_type3A_232 = arith.fptosi %broadcast_in_dim3A_231 : vector<512x1xf32> to vector<512x1xi32>
    %add3A_233 = vector.broadcast %mul3A_51 : i32 to vector<512x1xi32>
    %add3A_234 = arith.addi %convert_element_type3A_232, %add3A_233 : vector<512x1xi32>
    %swap3A_235 = arith.constant 0 : index
    %swap3A_236 = arith.constant 0 : index
    %swap3A_237 = arith.constant 7 : index
    %swap3A_238 = vector.load %arg7[%swap3A_235, %swap3A_236, %swap3A_237] : memref<1x512x16xi32, #tpu.memory_space<vmem>>, vector<1x512x1xi32>
    %swap3A_239 = vector.shape_cast %swap3A_238 : vector<1x512x1xi32> to vector<512x1xi32>
    %swap3A_240 = vector.shape_cast %add3A_234 : vector<512x1xi32> to vector<1x512x1xi32>
    tpu.vector_store %arg7[%swap3A_235, %swap3A_236, %swap3A_237], %swap3A_240 {strides = array<i32>} : memref<1x512x16xi32, #tpu.memory_space<vmem>>, vector<1x512x1xi32>,
    %eq3A_241 = vector.broadcast %broadcast_in_dim3A_231 : vector<512x1xf32> to vector<512x512xf32>
    %eq3A_242 = arith.cmpf oeq, %convert_element_type3A, %eq3A_241 : vector<512x512xf32>
    %jit3A_243 = arith.constant 3.000000e+38 : f32
    %broadcast_in_dim3A_244 = vector.broadcast %jit3A_243 : f32 to vector<512x512xf32>
    %select_n3A_245 = arith.select %eq3A_242, %broadcast_in_dim3A_244, %select_n3A_220 : vector<512x512xi1>, vector<512x512xf32>
    %reduce_min3A_246 = arith.constant dense<0x7F800000> : vector<512xf32>
    %reduce_min3A_247 = vector.multi_reduction <minimumf>, %select_n3A_245, %reduce_min3A_246 [1] : vector<512x512xf32> to vector<512xf32>
    %broadcast_in_dim3A_248 = vector.shape_cast %reduce_min3A_247 : vector<512xf32> to vector<512x1xf32>
    %le3A_249 = vector.broadcast %broadcast_in_dim3A_248 : vector<512x1xf32> to vector<512x512xf32>
    %le3A_250 = arith.cmpf ole, %select_n3A_245, %le3A_249 : vector<512x512xf32>
    %jit3A_251 = arith.constant 5.120000e+02 : f32
    %broadcast_in_dim3A_252 = vector.broadcast %jit3A_251 : f32 to vector<512x512xf32>
    %select_n3A_253 = arith.select %le3A_250, %convert_element_type3A, %broadcast_in_dim3A_252 : vector<512x512xi1>, vector<512x512xf32>
    %reduce_min3A_254 = arith.constant dense<0x7F800000> : vector<512xf32>
    %reduce_min3A_255 = vector.multi_reduction <minimumf>, %select_n3A_253, %reduce_min3A_254 [1] : vector<512x512xf32> to vector<512xf32>
    %broadcast_in_dim3A_256 = vector.shape_cast %reduce_min3A_255 : vector<512xf32> to vector<512x1xf32>
    %convert_element_type3A_257 = arith.fptosi %broadcast_in_dim3A_256 : vector<512x1xf32> to vector<512x1xi32>
    %add3A_258 = vector.broadcast %mul3A_51 : i32 to vector<512x1xi32>
    %add3A_259 = arith.addi %convert_element_type3A_257, %add3A_258 : vector<512x1xi32>
    %swap3A_260 = arith.constant 0 : index
    %swap3A_261 = arith.constant 0 : index
    %swap3A_262 = arith.constant 8 : index
    %swap3A_263 = vector.load %arg7[%swap3A_260, %swap3A_261, %swap3A_262] : memref<1x512x16xi32, #tpu.memory_space<vmem>>, vector<1x512x1xi32>
    %swap3A_264 = vector.shape_cast %swap3A_263 : vector<1x512x1xi32> to vector<512x1xi32>
    %swap3A_265 = vector.shape_cast %add3A_259 : vector<512x1xi32> to vector<1x512x1xi32>
    tpu.vector_store %arg7[%swap3A_260, %swap3A_261, %swap3A_262], %swap3A_265 {strides = array<i32>} : memref<1x512x16xi32, #tpu.memory_space<vmem>>, vector<1x512x1xi32>,
    %eq3A_266 = vector.broadcast %broadcast_in_dim3A_256 : vector<512x1xf32> to vector<512x512xf32>
    %eq3A_267 = arith.cmpf oeq, %convert_element_type3A, %eq3A_266 : vector<512x512xf32>
    %jit3A_268 = arith.constant 3.000000e+38 : f32
    %broadcast_in_dim3A_269 = vector.broadcast %jit3A_268 : f32 to vector<512x512xf32>
    %select_n3A_270 = arith.select %eq3A_267, %broadcast_in_dim3A_269, %select_n3A_245 : vector<512x512xi1>, vector<512x512xf32>
    %reduce_min3A_271 = arith.constant dense<0x7F800000> : vector<512xf32>
    %reduce_min3A_272 = vector.multi_reduction <minimumf>, %select_n3A_270, %reduce_min3A_271 [1] : vector<512x512xf32> to vector<512xf32>
    %broadcast_in_dim3A_273 = vector.shape_cast %reduce_min3A_272 : vector<512xf32> to vector<512x1xf32>
    %le3A_274 = vector.broadcast %broadcast_in_dim3A_273 : vector<512x1xf32> to vector<512x512xf32>
    %le3A_275 = arith.cmpf ole, %select_n3A_270, %le3A_274 : vector<512x512xf32>
    %jit3A_276 = arith.constant 5.120000e+02 : f32
    %broadcast_in_dim3A_277 = vector.broadcast %jit3A_276 : f32 to vector<512x512xf32>
    %select_n3A_278 = arith.select %le3A_275, %convert_element_type3A, %broadcast_in_dim3A_277 : vector<512x512xi1>, vector<512x512xf32>
    %reduce_min3A_279 = arith.constant dense<0x7F800000> : vector<512xf32>
    %reduce_min3A_280 = vector.multi_reduction <minimumf>, %select_n3A_278, %reduce_min3A_279 [1] : vector<512x512xf32> to vector<512xf32>
    %broadcast_in_dim3A_281 = vector.shape_cast %reduce_min3A_280 : vector<512xf32> to vector<512x1xf32>
    %convert_element_type3A_282 = arith.fptosi %broadcast_in_dim3A_281 : vector<512x1xf32> to vector<512x1xi32>
    %add3A_283 = vector.broadcast %mul3A_51 : i32 to vector<512x1xi32>
    %add3A_284 = arith.addi %convert_element_type3A_282, %add3A_283 : vector<512x1xi32>
    %swap3A_285 = arith.constant 0 : index
    %swap3A_286 = arith.constant 0 : index
    %swap3A_287 = arith.constant 9 : index
    %swap3A_288 = vector.load %arg7[%swap3A_285, %swap3A_286, %swap3A_287] : memref<1x512x16xi32, #tpu.memory_space<vmem>>, vector<1x512x1xi32>
    %swap3A_289 = vector.shape_cast %swap3A_288 : vector<1x512x1xi32> to vector<512x1xi32>
    %swap3A_290 = vector.shape_cast %add3A_284 : vector<512x1xi32> to vector<1x512x1xi32>
    tpu.vector_store %arg7[%swap3A_285, %swap3A_286, %swap3A_287], %swap3A_290 {strides = array<i32>} : memref<1x512x16xi32, #tpu.memory_space<vmem>>, vector<1x512x1xi32>,
    %eq3A_291 = vector.broadcast %broadcast_in_dim3A_281 : vector<512x1xf32> to vector<512x512xf32>
    %eq3A_292 = arith.cmpf oeq, %convert_element_type3A, %eq3A_291 : vector<512x512xf32>
    %jit3A_293 = arith.constant 3.000000e+38 : f32
    %broadcast_in_dim3A_294 = vector.broadcast %jit3A_293 : f32 to vector<512x512xf32>
    %select_n3A_295 = arith.select %eq3A_292, %broadcast_in_dim3A_294, %select_n3A_270 : vector<512x512xi1>, vector<512x512xf32>
    %reduce_min3A_296 = arith.constant dense<0x7F800000> : vector<512xf32>
    %reduce_min3A_297 = vector.multi_reduction <minimumf>, %select_n3A_295, %reduce_min3A_296 [1] : vector<512x512xf32> to vector<512xf32>
    %broadcast_in_dim3A_298 = vector.shape_cast %reduce_min3A_297 : vector<512xf32> to vector<512x1xf32>
    %le3A_299 = vector.broadcast %broadcast_in_dim3A_298 : vector<512x1xf32> to vector<512x512xf32>
    %le3A_300 = arith.cmpf ole, %select_n3A_295, %le3A_299 : vector<512x512xf32>
    %jit3A_301 = arith.constant 5.120000e+02 : f32
    %broadcast_in_dim3A_302 = vector.broadcast %jit3A_301 : f32 to vector<512x512xf32>
    %select_n3A_303 = arith.select %le3A_300, %convert_element_type3A, %broadcast_in_dim3A_302 : vector<512x512xi1>, vector<512x512xf32>
    %reduce_min3A_304 = arith.constant dense<0x7F800000> : vector<512xf32>
    %reduce_min3A_305 = vector.multi_reduction <minimumf>, %select_n3A_303, %reduce_min3A_304 [1] : vector<512x512xf32> to vector<512xf32>
    %broadcast_in_dim3A_306 = vector.shape_cast %reduce_min3A_305 : vector<512xf32> to vector<512x1xf32>
    %convert_element_type3A_307 = arith.fptosi %broadcast_in_dim3A_306 : vector<512x1xf32> to vector<512x1xi32>
    %add3A_308 = vector.broadcast %mul3A_51 : i32 to vector<512x1xi32>
    %add3A_309 = arith.addi %convert_element_type3A_307, %add3A_308 : vector<512x1xi32>
    %swap3A_310 = arith.constant 0 : index
    %swap3A_311 = arith.constant 0 : index
    %swap3A_312 = arith.constant 10 : index
    %swap3A_313 = vector.load %arg7[%swap3A_310, %swap3A_311, %swap3A_312] : memref<1x512x16xi32, #tpu.memory_space<vmem>>, vector<1x512x1xi32>
    %swap3A_314 = vector.shape_cast %swap3A_313 : vector<1x512x1xi32> to vector<512x1xi32>
    %swap3A_315 = vector.shape_cast %add3A_309 : vector<512x1xi32> to vector<1x512x1xi32>
    tpu.vector_store %arg7[%swap3A_310, %swap3A_311, %swap3A_312], %swap3A_315 {strides = array<i32>} : memref<1x512x16xi32, #tpu.memory_space<vmem>>, vector<1x512x1xi32>,
    %eq3A_316 = vector.broadcast %broadcast_in_dim3A_306 : vector<512x1xf32> to vector<512x512xf32>
    %eq3A_317 = arith.cmpf oeq, %convert_element_type3A, %eq3A_316 : vector<512x512xf32>
    %jit3A_318 = arith.constant 3.000000e+38 : f32
    %broadcast_in_dim3A_319 = vector.broadcast %jit3A_318 : f32 to vector<512x512xf32>
    %select_n3A_320 = arith.select %eq3A_317, %broadcast_in_dim3A_319, %select_n3A_295 : vector<512x512xi1>, vector<512x512xf32>
    %reduce_min3A_321 = arith.constant dense<0x7F800000> : vector<512xf32>
    %reduce_min3A_322 = vector.multi_reduction <minimumf>, %select_n3A_320, %reduce_min3A_321 [1] : vector<512x512xf32> to vector<512xf32>
    %broadcast_in_dim3A_323 = vector.shape_cast %reduce_min3A_322 : vector<512xf32> to vector<512x1xf32>
    %le3A_324 = vector.broadcast %broadcast_in_dim3A_323 : vector<512x1xf32> to vector<512x512xf32>
    %le3A_325 = arith.cmpf ole, %select_n3A_320, %le3A_324 : vector<512x512xf32>
    %jit3A_326 = arith.constant 5.120000e+02 : f32
    %broadcast_in_dim3A_327 = vector.broadcast %jit3A_326 : f32 to vector<512x512xf32>
    %select_n3A_328 = arith.select %le3A_325, %convert_element_type3A, %broadcast_in_dim3A_327 : vector<512x512xi1>, vector<512x512xf32>
    %reduce_min3A_329 = arith.constant dense<0x7F800000> : vector<512xf32>
    %reduce_min3A_330 = vector.multi_reduction <minimumf>, %select_n3A_328, %reduce_min3A_329 [1] : vector<512x512xf32> to vector<512xf32>
    %broadcast_in_dim3A_331 = vector.shape_cast %reduce_min3A_330 : vector<512xf32> to vector<512x1xf32>
    %convert_element_type3A_332 = arith.fptosi %broadcast_in_dim3A_331 : vector<512x1xf32> to vector<512x1xi32>
    %add3A_333 = vector.broadcast %mul3A_51 : i32 to vector<512x1xi32>
    %add3A_334 = arith.addi %convert_element_type3A_332, %add3A_333 : vector<512x1xi32>
    %swap3A_335 = arith.constant 0 : index
    %swap3A_336 = arith.constant 0 : index
    %swap3A_337 = arith.constant 11 : index
    %swap3A_338 = vector.load %arg7[%swap3A_335, %swap3A_336, %swap3A_337] : memref<1x512x16xi32, #tpu.memory_space<vmem>>, vector<1x512x1xi32>
    %swap3A_339 = vector.shape_cast %swap3A_338 : vector<1x512x1xi32> to vector<512x1xi32>
    %swap3A_340 = vector.shape_cast %add3A_334 : vector<512x1xi32> to vector<1x512x1xi32>
    tpu.vector_store %arg7[%swap3A_335, %swap3A_336, %swap3A_337], %swap3A_340 {strides = array<i32>} : memref<1x512x16xi32, #tpu.memory_space<vmem>>, vector<1x512x1xi32>,
    %eq3A_341 = vector.broadcast %broadcast_in_dim3A_331 : vector<512x1xf32> to vector<512x512xf32>
    %eq3A_342 = arith.cmpf oeq, %convert_element_type3A, %eq3A_341 : vector<512x512xf32>
    %jit3A_343 = arith.constant 3.000000e+38 : f32
    %broadcast_in_dim3A_344 = vector.broadcast %jit3A_343 : f32 to vector<512x512xf32>
    %select_n3A_345 = arith.select %eq3A_342, %broadcast_in_dim3A_344, %select_n3A_320 : vector<512x512xi1>, vector<512x512xf32>
    %reduce_min3A_346 = arith.constant dense<0x7F800000> : vector<512xf32>
    %reduce_min3A_347 = vector.multi_reduction <minimumf>, %select_n3A_345, %reduce_min3A_346 [1] : vector<512x512xf32> to vector<512xf32>
    %broadcast_in_dim3A_348 = vector.shape_cast %reduce_min3A_347 : vector<512xf32> to vector<512x1xf32>
    %le3A_349 = vector.broadcast %broadcast_in_dim3A_348 : vector<512x1xf32> to vector<512x512xf32>
    %le3A_350 = arith.cmpf ole, %select_n3A_345, %le3A_349 : vector<512x512xf32>
    %jit3A_351 = arith.constant 5.120000e+02 : f32
    %broadcast_in_dim3A_352 = vector.broadcast %jit3A_351 : f32 to vector<512x512xf32>
    %select_n3A_353 = arith.select %le3A_350, %convert_element_type3A, %broadcast_in_dim3A_352 : vector<512x512xi1>, vector<512x512xf32>
    %reduce_min3A_354 = arith.constant dense<0x7F800000> : vector<512xf32>
    %reduce_min3A_355 = vector.multi_reduction <minimumf>, %select_n3A_353, %reduce_min3A_354 [1] : vector<512x512xf32> to vector<512xf32>
    %broadcast_in_dim3A_356 = vector.shape_cast %reduce_min3A_355 : vector<512xf32> to vector<512x1xf32>
    %convert_element_type3A_357 = arith.fptosi %broadcast_in_dim3A_356 : vector<512x1xf32> to vector<512x1xi32>
    %add3A_358 = vector.broadcast %mul3A_51 : i32 to vector<512x1xi32>
    %add3A_359 = arith.addi %convert_element_type3A_357, %add3A_358 : vector<512x1xi32>
    %swap3A_360 = arith.constant 0 : index
    %swap3A_361 = arith.constant 0 : index
    %swap3A_362 = arith.constant 12 : index
    %swap3A_363 = vector.load %arg7[%swap3A_360, %swap3A_361, %swap3A_362] : memref<1x512x16xi32, #tpu.memory_space<vmem>>, vector<1x512x1xi32>
    %swap3A_364 = vector.shape_cast %swap3A_363 : vector<1x512x1xi32> to vector<512x1xi32>
    %swap3A_365 = vector.shape_cast %add3A_359 : vector<512x1xi32> to vector<1x512x1xi32>
    tpu.vector_store %arg7[%swap3A_360, %swap3A_361, %swap3A_362], %swap3A_365 {strides = array<i32>} : memref<1x512x16xi32, #tpu.memory_space<vmem>>, vector<1x512x1xi32>,
    %eq3A_366 = vector.broadcast %broadcast_in_dim3A_356 : vector<512x1xf32> to vector<512x512xf32>
    %eq3A_367 = arith.cmpf oeq, %convert_element_type3A, %eq3A_366 : vector<512x512xf32>
    %jit3A_368 = arith.constant 3.000000e+38 : f32
    %broadcast_in_dim3A_369 = vector.broadcast %jit3A_368 : f32 to vector<512x512xf32>
    %select_n3A_370 = arith.select %eq3A_367, %broadcast_in_dim3A_369, %select_n3A_345 : vector<512x512xi1>, vector<512x512xf32>
    %reduce_min3A_371 = arith.constant dense<0x7F800000> : vector<512xf32>
    %reduce_min3A_372 = vector.multi_reduction <minimumf>, %select_n3A_370, %reduce_min3A_371 [1] : vector<512x512xf32> to vector<512xf32>
    %broadcast_in_dim3A_373 = vector.shape_cast %reduce_min3A_372 : vector<512xf32> to vector<512x1xf32>
    %le3A_374 = vector.broadcast %broadcast_in_dim3A_373 : vector<512x1xf32> to vector<512x512xf32>
    %le3A_375 = arith.cmpf ole, %select_n3A_370, %le3A_374 : vector<512x512xf32>
    %jit3A_376 = arith.constant 5.120000e+02 : f32
    %broadcast_in_dim3A_377 = vector.broadcast %jit3A_376 : f32 to vector<512x512xf32>
    %select_n3A_378 = arith.select %le3A_375, %convert_element_type3A, %broadcast_in_dim3A_377 : vector<512x512xi1>, vector<512x512xf32>
    %reduce_min3A_379 = arith.constant dense<0x7F800000> : vector<512xf32>
    %reduce_min3A_380 = vector.multi_reduction <minimumf>, %select_n3A_378, %reduce_min3A_379 [1] : vector<512x512xf32> to vector<512xf32>
    %broadcast_in_dim3A_381 = vector.shape_cast %reduce_min3A_380 : vector<512xf32> to vector<512x1xf32>
    %convert_element_type3A_382 = arith.fptosi %broadcast_in_dim3A_381 : vector<512x1xf32> to vector<512x1xi32>
    %add3A_383 = vector.broadcast %mul3A_51 : i32 to vector<512x1xi32>
    %add3A_384 = arith.addi %convert_element_type3A_382, %add3A_383 : vector<512x1xi32>
    %swap3A_385 = arith.constant 0 : index
    %swap3A_386 = arith.constant 0 : index
    %swap3A_387 = arith.constant 13 : index
    %swap3A_388 = vector.load %arg7[%swap3A_385, %swap3A_386, %swap3A_387] : memref<1x512x16xi32, #tpu.memory_space<vmem>>, vector<1x512x1xi32>
    %swap3A_389 = vector.shape_cast %swap3A_388 : vector<1x512x1xi32> to vector<512x1xi32>
    %swap3A_390 = vector.shape_cast %add3A_384 : vector<512x1xi32> to vector<1x512x1xi32>
    tpu.vector_store %arg7[%swap3A_385, %swap3A_386, %swap3A_387], %swap3A_390 {strides = array<i32>} : memref<1x512x16xi32, #tpu.memory_space<vmem>>, vector<1x512x1xi32>,
    %eq3A_391 = vector.broadcast %broadcast_in_dim3A_381 : vector<512x1xf32> to vector<512x512xf32>
    %eq3A_392 = arith.cmpf oeq, %convert_element_type3A, %eq3A_391 : vector<512x512xf32>
    %jit3A_393 = arith.constant 3.000000e+38 : f32
    %broadcast_in_dim3A_394 = vector.broadcast %jit3A_393 : f32 to vector<512x512xf32>
    %select_n3A_395 = arith.select %eq3A_392, %broadcast_in_dim3A_394, %select_n3A_370 : vector<512x512xi1>, vector<512x512xf32>
    %reduce_min3A_396 = arith.constant dense<0x7F800000> : vector<512xf32>
    %reduce_min3A_397 = vector.multi_reduction <minimumf>, %select_n3A_395, %reduce_min3A_396 [1] : vector<512x512xf32> to vector<512xf32>
    %broadcast_in_dim3A_398 = vector.shape_cast %reduce_min3A_397 : vector<512xf32> to vector<512x1xf32>
    %le3A_399 = vector.broadcast %broadcast_in_dim3A_398 : vector<512x1xf32> to vector<512x512xf32>
    %le3A_400 = arith.cmpf ole, %select_n3A_395, %le3A_399 : vector<512x512xf32>
    %jit3A_401 = arith.constant 5.120000e+02 : f32
    %broadcast_in_dim3A_402 = vector.broadcast %jit3A_401 : f32 to vector<512x512xf32>
    %select_n3A_403 = arith.select %le3A_400, %convert_element_type3A, %broadcast_in_dim3A_402 : vector<512x512xi1>, vector<512x512xf32>
    %reduce_min3A_404 = arith.constant dense<0x7F800000> : vector<512xf32>
    %reduce_min3A_405 = vector.multi_reduction <minimumf>, %select_n3A_403, %reduce_min3A_404 [1] : vector<512x512xf32> to vector<512xf32>
    %broadcast_in_dim3A_406 = vector.shape_cast %reduce_min3A_405 : vector<512xf32> to vector<512x1xf32>
    %convert_element_type3A_407 = arith.fptosi %broadcast_in_dim3A_406 : vector<512x1xf32> to vector<512x1xi32>
    %add3A_408 = vector.broadcast %mul3A_51 : i32 to vector<512x1xi32>
    %add3A_409 = arith.addi %convert_element_type3A_407, %add3A_408 : vector<512x1xi32>
    %swap3A_410 = arith.constant 0 : index
    %swap3A_411 = arith.constant 0 : index
    %swap3A_412 = arith.constant 14 : index
    %swap3A_413 = vector.load %arg7[%swap3A_410, %swap3A_411, %swap3A_412] : memref<1x512x16xi32, #tpu.memory_space<vmem>>, vector<1x512x1xi32>
    %swap3A_414 = vector.shape_cast %swap3A_413 : vector<1x512x1xi32> to vector<512x1xi32>
    %swap3A_415 = vector.shape_cast %add3A_409 : vector<512x1xi32> to vector<1x512x1xi32>
    tpu.vector_store %arg7[%swap3A_410, %swap3A_411, %swap3A_412], %swap3A_415 {strides = array<i32>} : memref<1x512x16xi32, #tpu.memory_space<vmem>>, vector<1x512x1xi32>,
    %eq3A_416 = vector.broadcast %broadcast_in_dim3A_406 : vector<512x1xf32> to vector<512x512xf32>
    %eq3A_417 = arith.cmpf oeq, %convert_element_type3A, %eq3A_416 : vector<512x512xf32>
    %jit3A_418 = arith.constant 3.000000e+38 : f32
    %broadcast_in_dim3A_419 = vector.broadcast %jit3A_418 : f32 to vector<512x512xf32>
    %select_n3A_420 = arith.select %eq3A_417, %broadcast_in_dim3A_419, %select_n3A_395 : vector<512x512xi1>, vector<512x512xf32>
    %reduce_min3A_421 = arith.constant dense<0x7F800000> : vector<512xf32>
    %reduce_min3A_422 = vector.multi_reduction <minimumf>, %select_n3A_420, %reduce_min3A_421 [1] : vector<512x512xf32> to vector<512xf32>
    %broadcast_in_dim3A_423 = vector.shape_cast %reduce_min3A_422 : vector<512xf32> to vector<512x1xf32>
    %le3A_424 = vector.broadcast %broadcast_in_dim3A_423 : vector<512x1xf32> to vector<512x512xf32>
    %le3A_425 = arith.cmpf ole, %select_n3A_420, %le3A_424 : vector<512x512xf32>
    %jit3A_426 = arith.constant 5.120000e+02 : f32
    %broadcast_in_dim3A_427 = vector.broadcast %jit3A_426 : f32 to vector<512x512xf32>
    %select_n3A_428 = arith.select %le3A_425, %convert_element_type3A, %broadcast_in_dim3A_427 : vector<512x512xi1>, vector<512x512xf32>
    %reduce_min3A_429 = arith.constant dense<0x7F800000> : vector<512xf32>
    %reduce_min3A_430 = vector.multi_reduction <minimumf>, %select_n3A_428, %reduce_min3A_429 [1] : vector<512x512xf32> to vector<512xf32>
    %broadcast_in_dim3A_431 = vector.shape_cast %reduce_min3A_430 : vector<512xf32> to vector<512x1xf32>
    %convert_element_type3A_432 = arith.fptosi %broadcast_in_dim3A_431 : vector<512x1xf32> to vector<512x1xi32>
    %add3A_433 = vector.broadcast %mul3A_51 : i32 to vector<512x1xi32>
    %add3A_434 = arith.addi %convert_element_type3A_432, %add3A_433 : vector<512x1xi32>
    %swap3A_435 = arith.constant 0 : index
    %swap3A_436 = arith.constant 0 : index
    %swap3A_437 = arith.constant 15 : index
    %swap3A_438 = vector.load %arg7[%swap3A_435, %swap3A_436, %swap3A_437] : memref<1x512x16xi32, #tpu.memory_space<vmem>>, vector<1x512x1xi32>
    %swap3A_439 = vector.shape_cast %swap3A_438 : vector<1x512x1xi32> to vector<512x1xi32>
    %swap3A_440 = vector.shape_cast %add3A_434 : vector<512x1xi32> to vector<1x512x1xi32>
    tpu.vector_store %arg7[%swap3A_435, %swap3A_436, %swap3A_437], %swap3A_440 {strides = array<i32>} : memref<1x512x16xi32, #tpu.memory_space<vmem>>, vector<1x512x1xi32>,
    return
  }
  func.func @transform_0(%arg0: i32) -> (i32, i32, i32) {
    %c0_i32 = arith.constant 0 : i32
    %c0_i32_0 = arith.constant 0 : i32
    %c0_i32_1 = arith.constant 0 : i32
    return %arg0, %c0_i32, %c0_i32_0 : i32, i32, i32
  }
  func.func @transform_1(%arg0: i32) -> (i32, i32, i32) {
    %c0_i32 = arith.constant 0 : i32
    %c0_i32_0 = arith.constant 0 : i32
    %c0_i32_1 = arith.constant 0 : i32
    return %arg0, %c0_i32, %c0_i32_0 : i32, i32, i32
  }
  func.func @transform_2(%arg0: i32) -> (i32, i32, i32) {
    %c0_i32 = arith.constant 0 : i32
    %c0_i32_0 = arith.constant 0 : i32
    %c0_i32_1 = arith.constant 0 : i32
    return %arg0, %c0_i32, %c0_i32_0 : i32, i32, i32
  }
  func.func @transform_3(%arg0: i32) -> (i32, i32) {
    %c0_i32 = arith.constant 0 : i32
    %c0_i32_0 = arith.constant 0 : i32
    %c0_i32_1 = arith.constant 0 : i32
    return %c0_i32, %c0_i32_0 : i32, i32
  }
  func.func @transform_4(%arg0: i32) -> (i32, i32) {
    %c0_i32 = arith.constant 0 : i32
    %c0_i32_0 = arith.constant 0 : i32
    %c0_i32_1 = arith.constant 0 : i32
    return %c0_i32, %c0_i32_0 : i32, i32
  }
  func.func @transform_5(%arg0: i32) -> (i32, i32, i32) {
    %c0_i32 = arith.constant 0 : i32
    %c0_i32_0 = arith.constant 0 : i32
    %c0_i32_1 = arith.constant 0 : i32
    return %arg0, %c0_i32, %c0_i32_0 : i32, i32, i32
  }
  func.func @transform_6(%arg0: i32) -> (i32, i32, i32) {
    %c0_i32 = arith.constant 0 : i32
    %c0_i32_0 = arith.constant 0 : i32
    %c0_i32_1 = arith.constant 0 : i32
    return %arg0, %c0_i32, %c0_i32_0 : i32, i32, i32
  }
}

</mosaic_0001>

<sc_bundles>
// kernel: kernel.11.cloned.1.call-start
scs
__scs_entry_jumppad:
0x0: {  	(pc) =	sbr.rel $0x88, $3  }
0x1: {  	(tag) =	ssettag $0x0;
	lr =	simm.s32 $0x1  }
0x2: {  	[smem:$0x3F96] =	sst lr;
	_ =	strace $0xD0000000  }
0x3: {  	_ = 	snop  }
0x4: {  	_ = 	snop  }
0x5: {  	_ = 	snop  }
0x6: {  	_ = 	snop  }
0x7: {  	_ = 	snop  }
__scs_overlays_trampoline_lowered:
0x8: {  	[smem:$0x3FA5] =	sst s0  }
0x9: {  	[smem:$0x3FA6] =	sst s1  }
0xa: {  	[smem:$0x3FA7] =	sst s2  }
0xb: {  	[smem:$0x3FA8] =	sst s3  }
0xc: {  	[smem:$0x3FA9] =	sst s4  }
0xd: {  	[smem:$0x3FAA] =	sst s5  }
0xe: {  	[smem:$0x3FAB] =	sst s6  }
0xf: {  	[smem:$0x3FAC] =	sst s7  }
0x10: {  	[smem:$0x3FAD] =	sst s8  }
0x11: {  	[smem:$0x3FAE] =	sst s9;
	s0 =	simm.s32 @!p0 $0x0  }
0x12: {  	s1 =	sld [smem:$0x3F94];
	s0 =	simm.s32 @p0 $0x1  }
0x13: {  	[smem:$0x3FAF] =	sst s0;
	s0 =	simm.s32 @!p1 $0x0  }
0x14: {  	s2 =	sld [smem:$0x3F93];
	s0 =	simm.s32 @p1 $0x1  }
0x15: {  	[smem:$0x3FB0] =	sst s0;
	s0 =	simm.s32 @!p2 $0x0  }
0x16: {  	s3 =	sld [smem:$0x3FDB];
	s0 =	simm.s32 @p2 $0x1  }
0x17: {  	s4 =	simm.s32 $0x1BF5;
	[smem:$0x3FB2] =	sst s0  }
0x18: {  	s0 =	sld [smem:$0x3F95];
	_ =	swait.ge [sflag:s4], $0x0  }
0x19: {  	s7 =	sld [smem:$0x3F96]  }
0x1a: {  	s8 =	sadd.s32 $0xFFFFE003, lr  }
0x1b: {  	s9 =	sadd.s32 $0xFFFFFEF7, lr;
	s5 =	simm.s32 $0xFFFFFFFF;
	p2 =	slt.u32 s8, $0xFFFFF086  }
0x1c: {  	p1 =	slt.u32 s9, $0xF7A;
	s5 =	simm.s32 @!p2 $0x0  }
0x1d: {  	s5 =	simm.s32 @p1 $0x1;
	p0 =	seq.s32 s7, s2  }
0x1e: {  	s7 =	smul.u32 @!p0 $0xF7A, s2;
	p2 =	seq.s32 @!p0 s5, $0x0  }
0x1f: {  	s9 =	smul.u32 $0xF7A, s1;
	s8 =	simm.s32 @!p0 $0x1BF5;
	p2 =	por !p2, p0  }
0x20: {  	[sflag:s8] =	ssyncset.s32 @!p0 $0xFFFFF086;
	s6 =	sadd.s32 @!p0 s3, s7;
	s7 =	simm.s32 @!p0 $0x108  }
0x21: {  	s3 =	sadd.s32 s3, s9;
	s6 =	sadd.s32 @!p0 $0x88, s6;
	s7 =	simm.s32 @p2 $0x1082  }
0x22: {  	[simem:s7], [sflag:s8] =	dma.local @!p0 [hbm:s6], $0xF7A  }
0x23: {  	s9 =	sor.u32 $0xD0000000, s2;
	s6 =	simm.s32 $0x108;
	_ =	swait.ge @!p0 [sflag:s8], $0x0  }
0x24: {  	s3 =	sadd.s32 $0x88, s3;
	s6 =	simm.s32 @!p1 $0x1082;
	[sflag:s4] =	ssyncset.s32 $0xFFFFF086  }
0x25: {  	[simem:s6], [sflag:s4] =	dma.local [hbm:s3], $0xF7A  }
0x26: {  	[smem:$0x3F96] =	sst s1;
	(tag) =	ssettag s2;
	_ =	strace s9  }
0x27: {  	s1 =	sld [smem:$0x3FA6]  }
0x28: {  	s2 =	sld [smem:$0x3FA7]  }
0x29: {  	s4 =	sld [smem:$0x3FA9]  }
0x2a: {  	p0 =	seq.s32 s5, $0x0;
	s5 =	sld [smem:$0x3FAA]  }
0x2b: {  	s6 =	sld [smem:$0x3FAB]  }
0x2c: {  	s7 =	sld [smem:$0x3FAC]  }
0x2d: {  	s3 =	simm.s32 $0x108;
	s8 =	sld [smem:$0x3FAD]  }
0x2e: {  	s3 =	simm.s32 @!p0 $0x1082;
	s9 =	sld [smem:$0x3FAE]  }
0x2f: {  	lr =	sadd.s32 s0, s3;
	s0 =	sld [smem:$0x3FA5]  }
0x30: {  	s3 =	sld [smem:$0x3FA8]  }
0x31: {  	[smem:$0x3FB1] =	sst s10  }
0x32: {  	s10 =	sld [smem:$0x3FAF];
	_ =	sdelay $0x3  }
0x33: {  	p0 =	seq.s32 s10, $0x1;
	s10 =	sld [smem:$0x3FB1];
	_ =	sdelay $0x3  }
0x34: {  	[smem:$0x3FB1] =	sst s10  }
0x35: {  	s10 =	sld [smem:$0x3FB0];
	_ =	sdelay $0x3  }
0x36: {  	p1 =	seq.s32 s10, $0x1;
	s10 =	sld [smem:$0x3FB1];
	_ =	sdelay $0x3  }
0x37: {  	[smem:$0x3FB1] =	sst s10  }
0x38: {  	s10 =	sld [smem:$0x3FB2]  }
0x39: {  	_ = 	snop;
	(pc) =	sbr.ind lr, $3  }
0x3a: {  	_ = 	snop  }
0x3b: {  	_ = 	snop  }
0x3c: {  	p2 =	seq.s32 s10, $0x1;
	s10 =	sld [smem:$0x3FB1]  }
0x3d: {  	_ =	shalt  }
0x3e: {  	_ =	shalt  }
0x3f: {  	_ =	shalt  }
0x40: {  	_ =	shalt  }
0x41: {  	_ =	shalt  }
0x42: {  	_ =	shalt  }
0x43: {  	_ =	shalt  }
0x44: {  	_ =	shalt  }
0x45: {  	_ =	shalt  }
0x46: {  	_ =	shalt  }
0x47: {  	_ =	shalt  }
0x48: {  	_ =	shalt  }
0x49: {  	_ =	shalt  }
0x4a: {  	_ =	shalt  }
0x4b: {  	_ =	shalt  }
0x4c: {  	_ =	shalt  }
0x4d: {  	_ =	shalt  }
0x4e: {  	_ =	shalt  }
0x4f: {  	_ =	shalt  }
0x50: {  	_ =	shalt  }
0x51: {  	_ =	shalt  }
0x52: {  	_ =	shalt  }
0x53: {  	_ =	shalt  }
0x54: {  	_ =	shalt  }
0x55: {  	_ =	shalt  }
0x56: {  	_ =	shalt  }
0x57: {  	_ =	shalt  }
0x58: {  	_ =	shalt  }
0x59: {  	_ =	shalt  }
0x5a: {  	_ =	shalt  }
0x5b: {  	_ =	shalt  }
0x5c: {  	_ =	shalt  }
0x5d: {  	_ =	shalt  }
0x5e: {  	_ =	shalt  }
0x5f: {  	_ =	shalt  }
0x60: {  	_ =	shalt  }
0x61: {  	_ =	shalt  }
0x62: {  	_ =	shalt  }
0x63: {  	_ =	shalt  }
0x64: {  	_ =	shalt  }
0x65: {  	_ =	shalt  }
0x66: {  	_ =	shalt  }
0x67: {  	_ =	shalt  }
0x68: {  	_ =	shalt  }
0x69: {  	_ =	shalt  }
0x6a: {  	_ =	shalt  }
0x6b: {  	_ =	shalt  }
0x6c: {  	_ =	shalt  }
0x6d: {  	_ =	shalt  }
0x6e: {  	_ =	shalt  }
0x6f: {  	_ =	shalt  }
0x70: {  	_ =	shalt  }
0x71: {  	_ =	shalt  }
0x72: {  	_ =	shalt  }
0x73: {  	_ =	shalt  }
0x74: {  	_ =	shalt  }
0x75: {  	_ =	shalt  }
0x76: {  	_ =	shalt  }
0x77: {  	_ =	shalt  }
0x78: {  	_ =	shalt  }
0x79: {  	_ =	shalt  }
0x7a: {  	_ =	shalt  }
0x7b: {  	_ =	shalt  }
0x7c: {  	_ =	shalt  }
0x7d: {  	_ =	shalt  }
0x7e: {  	_ =	shalt  }
0x7f: {  	_ =	shalt  }
0x80: {  	_ =	shalt  }
0x81: {  	_ =	shalt  }
0x82: {  	_ =	shalt  }
0x83: {  	_ =	shalt  }
0x84: {  	_ =	shalt  }
0x85: {  	_ =	shalt  }
0x86: {  	_ =	shalt  }
0x87: {  	_ =	shalt  }
.Lfunc_end0:
.L_simem_size_0:
called_computation.1_lowered:
.L_overlay_start_0:
0x88: {  	s2 =	sld [smem:$0x3FD9]  }
0x89: {  	s3 =	sld [smem:$0x3FFE];
	_ =	sdelay $0x1  }
0x8a: {  	s1 =	srdreg.scid  }
0x8b: {  	s0 =	sand.u32 $0x1, s1  }
0x8c: {  	s17 =	sshll.u32 s0, $0xA;
	s2 =	sadd.s32 s3, s2  }
0x8d: {  	s2 =	sadd.s32 s2, s17  }
0x8e: {  	[smem:$0x3FBD] =	sst s2  }
0x8f: {  	_ = 	snop  }
0x90: {  	s18 =	sld [smem:$0x3FD0];
	(tm) =	ssettm $0x1  }
0x91: {  	s19 =	sld [smem:$0x3FFB];
	_ =	sdelay $0x3  }
0x92: {  	_ =	strace s19  }
0x93: {  	s2 =	sld [smem:$0x3FFC];
	_ =	sdelay $0x3  }
0x94: {  	_ =	strace s2  }
0x95: {  	s2 =	sld [smem:$0x3FFD];
	_ =	sdelay $0x3  }
0x96: {  	_ =	strace s2  }
0x97: {  	_ =	strace $0x8FFFFFFF  }
0x98: {  	s20 =	sld [smem:$0x3FDB];
	_ =	sdelay $0x1  }
0x99: {  	s4 =	simm.s32 $_scs_section_size  }
0x9a: {  	s5 =	simm.s32 $_size__tile_overlayer_lowered;
	s6 =	simm.s32 $_tile_overlayer_lowered  }
0x9b: {  	s7 =	simm.s32 $0x1BFF;
	s21 =	sshll.u32 s6, $0x1;
	s4 =	sadd.s32 s4, s20  }
0x9c: {  	s22 =	simm.s32 $0x0;
	s5 =	sshll.u32 s5, $0x1;
	s6 =	sadd.s32 s21, s4  }
0x9d: {  	[timem:s22], [sflag:s7] =	dma.local [hbm:s6], s5  }
0x9e: {  	_ =	swait.ge [sflag:s7], s5  }
0x9f: {  	s5 =	ssub.s32 $0x0, s5;
	[sflag:s7] =	ssyncset.done $0x0  }
0xa0: {  	[sflag:s7] =	ssyncadd.s32 s5;
	_ =	sdelay $0x1  }
0xa1: {  	s23 =	simm.s32 $0x1B8B  }
0xa2: {  	_ =	swait.ge [sflag:s23], $0x1  }
0xa3: {  	[sflag:s23] =	ssyncset.done $0x0  }
0xa4: {  	[sflag:s23] =	ssyncadd.s32 $0xFFFFFFFF  }
0xa5: {  	s5 =	sld [smem:$0x0]  }
0xa6: {  	s6 =	sand.u32 $0xFFFFFFFE, s1  }
0xa7: {  	p0 =	sne.s32 s1, s6  }
0xa8: {  	s6 =	sshll.u32 @p0 s6, $0xE  }
0xa9: {  	s6 =	sadd.s32 @p0 $0x11B8D, s6;
	s7 =	sshll.u32 @p0 s5, $0x11  }
0xaa: {  	s6 =	sor.u32 @p0 s7, s6  }
0xab: {  	[sflag:s6] =	ssyncadd.remote.s32 @p0 $0x1;
	_ =	sdelay $0x1  }
0xac: {  	s6 =	simm.s32 @p0 $0x1B8D  }
0xad: {  	_ =	swait.eq @p0 [sflag:s6], $0x1  }
0xae: {  	[sflag:s6] =	ssyncadd.s32 @p0 $0xFFFFFFFF  }
0xaf: {  	s7 =	sshll.u32 @!p0 s1, $0xE  }
0xb0: {  	s7 =	sor.u32 @!p0 $0x4000, s7;
	s6 =	simm.s32 @!p0 $0x1B8D  }
0xb1: {  	s5 =	sshll.u32 @!p0 s5, $0x11;
	s7 =	sadd.s32 @!p0 $0x11B8D, s7;
	_ =	swait.eq @!p0 [sflag:s6], $0x1  }
0xb2: {  	s5 =	sor.u32 @!p0 s5, s7;
	[sflag:s6] =	ssyncadd.s32 @!p0 $0xFFFFFFFF  }
0xb3: {  	s25 =	simm.s32 $0x1B8E;
	s24 =	sld [smem:$0x3FFE];
	[sflag:s5] =	ssyncadd.remote.s32 @!p0 $0x1  }
0xb4: {  	s26 =	simm.s32 $execute0_lowered;
	[smem:$0x3FD2] =	sst s25  }
0xb5: {  	s6 =	sshll.u32 s26, $0x1;
	_ =	strace $0x80000049;
	[dreg:$0x1] =	wrdreg $0xFFFFFFFF  }
0xb6: {  	s28 =	simm.s32 $_size_execute0_lowered;
	s4 =	sadd.s32 s4, s6;
	[dreg:$0x0] =	wrdreg $0x0  }
0xb7: {  	s6 =	sshll.u32 s28, $0x1;
	[dreg:$0x2] =	wrdreg s4  }
0xb8: {  	[dreg:$0x3] =	wrdreg s6  }
0xb9: {  	[dreg:$0x4] =	wrdreg $0xC0  }
0xba: {  	_ =	task [dreg:s22], $0x5FFFF  }
0xbb: {  	[dreg:$0x1] =	wrdreg $0xFFFFFFFF  }
0xbc: {  	[dreg:$0x0] =	wrdreg $0x60  }
0xbd: {  	[dreg:$0x2] =	wrdreg s24  }
0xbe: {  	[dreg:$0x3] =	wrdreg s18  }
0xbf: {  	[dreg:$0x4] =	wrdreg $0xA  }
0xc0: {  	_ =	task.clear_ibuf [dreg:s22], $0x5FFFF;
	_ =	strace $0x90000049  }
0xc1: {  	s29 =	simm.s32 $0xA;
	_ =	strace $0x8000004B  }
0xc2: {  	_ =	swait.ge [sflag:s29], $0x1  }
0xc3: {  	[sflag:s29] =	ssyncadd.s32 $0xFFFFFFFF  }
0xc4: {  	_ =	strace $0x9000004B  }
0xc5: {  	_ =	sfence  }
0xc6: {  	s30 =	sld [smem:$0x0];
	_ =	sdelay $0x2  }
0xc7: {  	s31 =	sshll.u32 s1, $0xD;
	s1 =	sshrl.u32 s1, $0x2  }
0xc8: {  	s4 =	sand.u32 $0x4000, s31;
	s1 =	sadd.s32 s1, s30  }
0xc9: {  	s0 =	sor.u32 s4, s0;
	s1 =	sshll.u32 s1, $0x11  }
0xca: {  	s0 =	sor.u32 s1, s0  }
0xcb: {  	s0 =	sadd.s32 $0x8F2B, s0  }
0xcc: {  	[sflag:s0] =	ssyncadd.remote.s32 $0x1  }
0xcd: {  	_ =	sfence.sel $0xFFFF  }
0xce: {  	[dreg:$0x0] =	wrdreg $0xFFFFFFFF;
	(pc) =	sbr.abs _section_cstart, $3  }
0xcf: {  	[dreg:$0x1] =	wrdreg $0xFFFFFFFF  }
0xd0: {  	_ =	task.clear_ibuf [dreg:s22], $0x2FFFF;
	_ =	strace $0x9FFFFFFF  }
0xd1: {  	(tm) =	ssettm $0x7FFFFFFF  }
tec
execute0_lowered:
.L_overlay_start_1:
0x0: {  	(tag) =	ssettag $0x1  }
0x1: {  	s3 =	rddreg [dreg:$0x0]  }
0x2: {  	s4 =	rddreg [dreg:$0x1];
	s2 =	simm.s32 $0x0  }
0x3: {  	s1 =	srdreg.scid;
	s20 =	simm.s32 $0x8A00;
	[smem:$0x7FF] =	sst s2  }
0x4: {  	s21 =	simm.s32 $0x9200;
	_ =	strace $0x8000004A;
	[dreg:$0x8] =	wrdreg s20  }
0x5: {  	s0 =	stileid.u32;
	s22 =	simm.s32 $0x9A00;
	[dreg:$0x9] =	wrdreg s21  }
0x6: {  	s23 =	simm.s32 $0xA200;
	s24 =	simm.s32 $0xAA00;
	[dreg:$0xa] =	wrdreg s22  }
0x7: {  	s25 =	simm.s32 $0xB200;
	s7 =	simm.s32 $0xCA00;
	[dreg:$0xb] =	wrdreg s23  }
0x8: {  	s8 =	simm.s32 $0xD200;
	s9 =	simm.s32 $0xDA00;
	[dreg:$0xc] =	wrdreg s24  }
0x9: {  	s5 =	sshll.u32 s0, $0xA;
	s0 =	simm.s32 $0xBA00;
	[dreg:$0xd] =	wrdreg s25  }
0xa: {  	s10 =	simm.s32 $0xE200;
	s11 =	simm.s32 $0xEA00;
	[dreg:$0xe] =	wrdreg s0  }
0xb: {  	s12 =	simm.s32 $0xF200;
	s13 =	simm.s32 $0xFA00;
	[dreg:$0x10] =	wrdreg s7  }
0xc: {  	s14 =	simm.s32 $0x10A00;
	s15 =	simm.s32 $0x11200;
	[dreg:$0x11] =	wrdreg s8  }
0xd: {  	s28 =	simm.s32 $0x4;
	s29 =	simm.s32 $0x2;
	[dreg:$0x12] =	wrdreg s9  }
0xe: {  	s30 =	simm.s32 $0x3;
	s1 =	sand.u32 $0x1, s1;
	[dreg:$0x13] =	wrdreg s10  }
0xf: {  	s31 =	simm.s32 $0x5;
	s6 =	sshll.u32 s1, $0x9;
	[dreg:$0x14] =	wrdreg s11  }
0x10: {  	s1 =	ssub.s32 $0x2, s1;
	s7 =	simm.s32 $0xA00;
	[dreg:$0x15] =	wrdreg s12  }
0x11: {  	s8 =	simm.s32 $0x1200;
	s9 =	simm.s32 $0x1A00;
	[dreg:$0x16] =	wrdreg s13  }
0x12: {  	s10 =	simm.s32 $0x2200;
	s11 =	simm.s32 $0x2A00;
	[dreg:$0x17] =	wrdreg s14  }
0x13: {  	s12 =	simm.s32 $0x3200;
	s13 =	simm.s32 $0x3A00;
	[dreg:$0x18] =	wrdreg s15  }
0x14: {  	s14 =	simm.s32 $0x4200;
	s15 =	simm.s32 $0x4A00;
	s20 =	simm.s32 $0x13A00  }
0x15: {  	s21 =	simm.s32 $0x14200;
	s22 =	simm.s32 $0x14A00;
	[dreg:$0x1d] =	wrdreg s20  }
0x16: {  	s23 =	simm.s32 $0x15200;
	s24 =	simm.s32 $0x15A00;
	[dreg:$0x1e] =	wrdreg s21  }
0x17: {  	s25 =	simm.s32 $0x16200;
	s5 =	sor.u32 s6, s5;
	[dreg:$0x1f] =	wrdreg s22  }
0x18: {  	s26 =	sshrl.u32 s1, $0x1;
	s20 =	simm.s32 $0x7200;
	[smem:$0x7FA] =	sst s23  }
0x19: {  	s21 =	simm.s32 $0x7A00;
	s22 =	simm.s32 $0x8200;
	[smem:$0x7FB] =	sst s24  }
0x1a: {  	s23 =	simm.s32 $0x10200;
	[smem:$0x7FC] =	sst s25;
	s6 =	sshll.u32 s5, $0x5  }
0x1b: {  	s5 =	sshrl.u32 s5, $0x3;
	s1 =	ssub.s32 s1, s26;
	s26 =	simm.s32 $0x16A00  }
0x1c: {  	s6 =	sadd.s32 s6, s3;
	s4 =	sadd.s32 s4, s5;
	[smem:$0x7FD] =	sst s26  }
0x1d: {  	s25 =	simm.s32 $0x17A00;
	[dreg:$0x3] =	wrdreg s4;
	s16 =	sadd.s32 $0x93400, s6  }
0x1e: {  	s3 =	sadd.s32 $0x8B400, s3;
	s17 =	sadd.s32 $0x94400, s6;
	[dreg:$0x4] =	wrdreg s16  }
0x1f: {  	s5 =	simm.s32 $0x7;
	s18 =	sadd.s32 $0x95400, s6;
	[dreg:$0x5] =	wrdreg s17  }
0x20: {  	s26 =	simm.s32 $0x1;
	s19 =	sadd.s32 $0x96400, s6;
	[dreg:$0x6] =	wrdreg s18  }
0x21: {  	s6 =	simm.s32 $0xC200;
	s4 =	smax.u32 s1, $0x1;
	[dreg:$0x7] =	wrdreg s19  }
0x22: {  	s1 =	simm.s32 $0x6;
	[dreg:$0xf] =	wrdreg s6;
	s16 =	simm.s32 $0x11A00  }
0x23: {  	s6 =	simm.s32 $0x200;
	s17 =	simm.s32 $0x12200;
	[dreg:$0x19] =	wrdreg s16  }
0x24: {  	v2 =	vlaneseq.u32;
	s18 =	simm.s32 $0x12A00;
	s19 =	simm.s32 $0x13200;
	[dreg:$0x1a] =	wrdreg s17  }
0x25: {  	vm0 =	vmmov $0xffff;
	v1 =	vshrl.u32 v2, $0x3;
	s16 =	simm.s32 $0x5200;
	[dreg:$0x1b] =	wrdreg s18;
	s17 =	simm.s32 $0x5A00  }
0x26: {  	v0 =	vand.u32 $0x7, v2;
	v2 =	vor.u32 $0x8, v2;
	v1 =	vmul.u32 $0x8, v1;
	[dreg:$0x1c] =	wrdreg s19;
	s18 =	simm.s32 $0x6200;
	s19 =	simm.s32 $0x6A00  }
.LBB2_1:
0x27: {  	s0 =	rddreg [dreg:$0x3]  }
0x28: {  	[tilespmem:s2], [sflag:$0x7] =	stream.linear.gather [hbm4b:s0+s2], $0x200, $0x38;
	[tilespmem:$0x18200] =	vst v63  }
0x29: {  	_ =	swait.ge [sflag:s5], $0x200  }
0x2a: {  	[sflag:s5] =	ssyncset.done $0x0  }
0x2b: {  	[sflag:s5] =	ssyncadd.s32 $0xFFFFFE00  }
0x2c: {  	v3 =	vld [tilespmem:$0x0];
	_ =	sdelay $0x4  }
0x2d: {  	v4 =	vshll.u32 v3, $0x1  }
0x2e: {  	v3 =	vand.u32 $0x7, v3;
	v4 =	vand.u32 $0xFFFFFFF0, v4  }
0x2f: {  	v3 =	vor.u32 v3, v4  }
0x30: {  	v4 =	vperm.xlane v3, v0;
	_ =	sdelay $0x1  }
0x31: {  	v3 =	vperm.xlane v3, v2;
	v4 =	vadd.s32 v1, v4;
	_ =	sdelay $0x1  }
0x32: {  	v3 =	vadd.s32 v1, v3;
	_ =	sdelay $0x2  }
0x33: {  	[tilespmem:s6], [sflag:$0x1] =	stream.indirect_vreg.gather [hbm4b:s3+s2], $0x80, v4, vm0, $0xb8;
	[tilespmem:$0x18200] =	vst v63  }
0x34: {  	_ = 	snop  }
0x35: {  	[tilespmem:s7], [sflag:$0x1] =	stream.indirect_vreg.gather [hbm4b:s3+s2], $0x80, v3, vm0, $0xb8;
	[tilespmem:$0x18200] =	vst v63  }
0x36: {  	v3 =	vld [tilespmem:$0x10];
	_ =	sdelay $0x4  }
0x37: {  	v33 =	vshll.u32 v3, $0x1  }
0x38: {  	v3 =	vand.u32 $0x7, v3;
	v4 =	vand.u32 $0xFFFFFFF0, v33  }
0x39: {  	v3 =	vor.u32 v3, v4  }
0x3a: {  	v4 =	vperm.xlane v3, v0;
	_ =	sdelay $0x1  }
0x3b: {  	v3 =	vperm.xlane v3, v2;
	v4 =	vadd.s32 v1, v4;
	_ =	sdelay $0x1  }
0x3c: {  	v3 =	vadd.s32 v1, v3;
	_ =	sdelay $0x2  }
0x3d: {  	[tilespmem:s8], [sflag:$0x1] =	stream.indirect_vreg.gather [hbm4b:s3+s2], $0x80, v4, vm0, $0xb8;
	[tilespmem:$0x18200] =	vst v63  }
0x3e: {  	_ = 	snop  }
0x3f: {  	[tilespmem:s9], [sflag:$0x1] =	stream.indirect_vreg.gather [hbm4b:s3+s2], $0x80, v3, vm0, $0xb8;
	[tilespmem:$0x18200] =	vst v63  }
0x40: {  	v3 =	vld [tilespmem:$0x20];
	_ =	sdelay $0x4  }
0x41: {  	v34 =	vshll.u32 v3, $0x1  }
0x42: {  	v3 =	vand.u32 $0x7, v3;
	v4 =	vand.u32 $0xFFFFFFF0, v34  }
0x43: {  	v3 =	vor.u32 v3, v4  }
0x44: {  	v4 =	vperm.xlane v3, v0;
	_ =	sdelay $0x1  }
0x45: {  	v3 =	vperm.xlane v3, v2;
	v4 =	vadd.s32 v1, v4;
	_ =	sdelay $0x1  }
0x46: {  	v3 =	vadd.s32 v1, v3;
	_ =	sdelay $0x2  }
0x47: {  	[tilespmem:s10], [sflag:$0x1] =	stream.indirect_vreg.gather [hbm4b:s3+s2], $0x80, v4, vm0, $0xb8;
	[tilespmem:$0x18200] =	vst v63  }
0x48: {  	_ = 	snop  }
0x49: {  	[tilespmem:s11], [sflag:$0x1] =	stream.indirect_vreg.gather [hbm4b:s3+s2], $0x80, v3, vm0, $0xb8;
	[tilespmem:$0x18200] =	vst v63  }
0x4a: {  	v3 =	vld [tilespmem:$0x30];
	_ =	sdelay $0x4  }
0x4b: {  	v35 =	vshll.u32 v3, $0x1  }
0x4c: {  	v3 =	vand.u32 $0x7, v3;
	v4 =	vand.u32 $0xFFFFFFF0, v35  }
0x4d: {  	v3 =	vor.u32 v3, v4  }
0x4e: {  	v4 =	vperm.xlane v3, v0;
	_ =	sdelay $0x1  }
0x4f: {  	v3 =	vperm.xlane v3, v2;
	v4 =	vadd.s32 v1, v4;
	_ =	sdelay $0x1  }
0x50: {  	v3 =	vadd.s32 v1, v3;
	_ =	sdelay $0x2  }
0x51: {  	[tilespmem:s12], [sflag:$0x1] =	stream.indirect_vreg.gather [hbm4b:s3+s2], $0x80, v4, vm0, $0xb8;
	[tilespmem:$0x18200] =	vst v63  }
0x52: {  	_ = 	snop  }
0x53: {  	[tilespmem:s13], [sflag:$0x1] =	stream.indirect_vreg.gather [hbm4b:s3+s2], $0x80, v3, vm0, $0xb8;
	[tilespmem:$0x18200] =	vst v63  }
0x54: {  	v3 =	vld [tilespmem:$0x40];
	_ =	sdelay $0x4  }
0x55: {  	v36 =	vshll.u32 v3, $0x1  }
0x56: {  	v3 =	vand.u32 $0x7, v3;
	v4 =	vand.u32 $0xFFFFFFF0, v36  }
0x57: {  	v3 =	vor.u32 v3, v4  }
0x58: {  	v4 =	vperm.xlane v3, v0;
	_ =	sdelay $0x1  }
0x59: {  	v3 =	vperm.xlane v3, v2;
	v4 =	vadd.s32 v1, v4;
	_ =	sdelay $0x1  }
0x5a: {  	v3 =	vadd.s32 v1, v3;
	_ =	sdelay $0x2  }
0x5b: {  	[tilespmem:s14], [sflag:$0x1] =	stream.indirect_vreg.gather [hbm4b:s3+s2], $0x80, v4, vm0, $0xb8;
	[tilespmem:$0x18200] =	vst v63  }
0x5c: {  	_ = 	snop  }
0x5d: {  	[tilespmem:s15], [sflag:$0x1] =	stream.indirect_vreg.gather [hbm4b:s3+s2], $0x80, v3, vm0, $0xb8;
	[tilespmem:$0x18200] =	vst v63  }
0x5e: {  	v3 =	vld [tilespmem:$0x50];
	_ =	sdelay $0x4  }
0x5f: {  	v37 =	vshll.u32 v3, $0x1  }
0x60: {  	v3 =	vand.u32 $0x7, v3;
	v4 =	vand.u32 $0xFFFFFFF0, v37  }
0x61: {  	v3 =	vor.u32 v3, v4  }
0x62: {  	v4 =	vperm.xlane v3, v0;
	_ =	sdelay $0x1  }
0x63: {  	v3 =	vperm.xlane v3, v2;
	v4 =	vadd.s32 v1, v4;
	_ =	sdelay $0x1  }
0x64: {  	v3 =	vadd.s32 v1, v3;
	_ =	sdelay $0x2  }
0x65: {  	[tilespmem:s16], [sflag:$0x1] =	stream.indirect_vreg.gather [hbm4b:s3+s2], $0x80, v4, vm0, $0xb8;
	[tilespmem:$0x18200] =	vst v63  }
0x66: {  	_ = 	snop  }
0x67: {  	[tilespmem:s17], [sflag:$0x1] =	stream.indirect_vreg.gather [hbm4b:s3+s2], $0x80, v3, vm0, $0xb8;
	[tilespmem:$0x18200] =	vst v63  }
0x68: {  	v3 =	vld [tilespmem:$0x60];
	_ =	sdelay $0x4  }
0x69: {  	v38 =	vshll.u32 v3, $0x1  }
0x6a: {  	v3 =	vand.u32 $0x7, v3;
	v4 =	vand.u32 $0xFFFFFFF0, v38  }
0x6b: {  	v3 =	vor.u32 v3, v4  }
0x6c: {  	v4 =	vperm.xlane v3, v0;
	_ =	sdelay $0x1  }
0x6d: {  	v3 =	vperm.xlane v3, v2;
	v4 =	vadd.s32 v1, v4;
	_ =	sdelay $0x1  }
0x6e: {  	v3 =	vadd.s32 v1, v3;
	_ =	sdelay $0x2  }
0x6f: {  	[tilespmem:s18], [sflag:$0x1] =	stream.indirect_vreg.gather [hbm4b:s3+s2], $0x80, v4, vm0, $0xb8;
	[tilespmem:$0x18200] =	vst v63  }
0x70: {  	_ = 	snop  }
0x71: {  	[tilespmem:s19], [sflag:$0x1] =	stream.indirect_vreg.gather [hbm4b:s3+s2], $0x80, v3, vm0, $0xb8;
	[tilespmem:$0x18200] =	vst v63  }
0x72: {  	v3 =	vld [tilespmem:$0x70];
	_ =	sdelay $0x4  }
0x73: {  	v39 =	vshll.u32 v3, $0x1  }
0x74: {  	v3 =	vand.u32 $0x7, v3;
	v4 =	vand.u32 $0xFFFFFFF0, v39  }
0x75: {  	v3 =	vor.u32 v3, v4  }
0x76: {  	v4 =	vperm.xlane v3, v0;
	_ =	sdelay $0x1  }
0x77: {  	v3 =	vperm.xlane v3, v2;
	v4 =	vadd.s32 v1, v4;
	_ =	sdelay $0x1  }
0x78: {  	v3 =	vadd.s32 v1, v3;
	_ =	sdelay $0x2  }
0x79: {  	[tilespmem:s20], [sflag:$0x1] =	stream.indirect_vreg.gather [hbm4b:s3+s2], $0x80, v4, vm0, $0xb8;
	[tilespmem:$0x18200] =	vst v63  }
0x7a: {  	_ = 	snop  }
0x7b: {  	[tilespmem:s21], [sflag:$0x1] =	stream.indirect_vreg.gather [hbm4b:s3+s2], $0x80, v3, vm0, $0xb8;
	[tilespmem:$0x18200] =	vst v63  }
0x7c: {  	v3 =	vld [tilespmem:$0x80];
	_ =	sdelay $0x4  }
0x7d: {  	v40 =	vshll.u32 v3, $0x1  }
0x7e: {  	v3 =	vand.u32 $0x7, v3;
	v4 =	vand.u32 $0xFFFFFFF0, v40  }
0x7f: {  	v3 =	vor.u32 v3, v4  }
0x80: {  	v4 =	vperm.xlane v3, v0;
	_ =	sdelay $0x1  }
0x81: {  	v3 =	vperm.xlane v3, v2;
	v4 =	vadd.s32 v1, v4;
	_ =	sdelay $0x1  }
0x82: {  	v3 =	vadd.s32 v1, v3;
	_ =	sdelay $0x2  }
0x83: {  	[tilespmem:s22], [sflag:$0x2] =	stream.indirect_vreg.gather [hbm4b:s3+s2], $0x80, v4, vm0, $0xb8;
	[tilespmem:$0x18200] =	vst v63  }
0x84: {  	s24 =	rddreg [dreg:$0x8]  }
0x85: {  	[tilespmem:s24], [sflag:$0x2] =	stream.indirect_vreg.gather [hbm4b:s3+s2], $0x80, v3, vm0, $0xb8;
	[tilespmem:$0x18200] =	vst v63  }
0x86: {  	v3 =	vld [tilespmem:$0x90];
	_ =	sdelay $0x4  }
0x87: {  	v41 =	vshll.u32 v3, $0x1  }
0x88: {  	v3 =	vand.u32 $0x7, v3;
	v4 =	vand.u32 $0xFFFFFFF0, v41  }
0x89: {  	v3 =	vor.u32 v3, v4  }
0x8a: {  	v4 =	vperm.xlane v3, v0;
	_ =	sdelay $0x1  }
0x8b: {  	v3 =	vperm.xlane v3, v2;
	v4 =	vadd.s32 v1, v4;
	_ =	sdelay $0x1  }
0x8c: {  	v3 =	vadd.s32 v1, v3;
	_ =	sdelay $0x1  }
0x8d: {  	s0 =	rddreg [dreg:$0x9]  }
0x8e: {  	[tilespmem:s0], [sflag:$0x2] =	stream.indirect_vreg.gather [hbm4b:s3+s2], $0x80, v4, vm0, $0xb8;
	[tilespmem:$0x18200] =	vst v63  }
0x8f: {  	s24 =	rddreg [dreg:$0xa]  }
0x90: {  	[tilespmem:s24], [sflag:$0x2] =	stream.indirect_vreg.gather [hbm4b:s3+s2], $0x80, v3, vm0, $0xb8;
	[tilespmem:$0x18200] =	vst v63  }
0x91: {  	v3 =	vld [tilespmem:$0xA0];
	_ =	sdelay $0x4  }
0x92: {  	v42 =	vshll.u32 v3, $0x1  }
0x93: {  	v3 =	vand.u32 $0x7, v3;
	v4 =	vand.u32 $0xFFFFFFF0, v42  }
0x94: {  	v3 =	vor.u32 v3, v4  }
0x95: {  	v4 =	vperm.xlane v3, v0;
	_ =	sdelay $0x1  }
0x96: {  	v3 =	vperm.xlane v3, v2;
	v4 =	vadd.s32 v1, v4;
	_ =	sdelay $0x1  }
0x97: {  	v3 =	vadd.s32 v1, v3;
	_ =	sdelay $0x1  }
0x98: {  	s0 =	rddreg [dreg:$0xb]  }
0x99: {  	[tilespmem:s0], [sflag:$0x2] =	stream.indirect_vreg.gather [hbm4b:s3+s2], $0x80, v4, vm0, $0xb8;
	[tilespmem:$0x18200] =	vst v63  }
0x9a: {  	s24 =	rddreg [dreg:$0xc]  }
0x9b: {  	[tilespmem:s24], [sflag:$0x2] =	stream.indirect_vreg.gather [hbm4b:s3+s2], $0x80, v3, vm0, $0xb8;
	[tilespmem:$0x18200] =	vst v63  }
0x9c: {  	v3 =	vld [tilespmem:$0xB0];
	_ =	sdelay $0x4  }
0x9d: {  	v43 =	vshll.u32 v3, $0x1  }
0x9e: {  	v3 =	vand.u32 $0x7, v3;
	v4 =	vand.u32 $0xFFFFFFF0, v43  }
0x9f: {  	v3 =	vor.u32 v3, v4  }
0xa0: {  	v4 =	vperm.xlane v3, v0;
	_ =	sdelay $0x1  }
0xa1: {  	v3 =	vperm.xlane v3, v2;
	v4 =	vadd.s32 v1, v4;
	_ =	sdelay $0x1  }
0xa2: {  	v3 =	vadd.s32 v1, v3;
	_ =	sdelay $0x1  }
0xa3: {  	s0 =	rddreg [dreg:$0xd]  }
0xa4: {  	[tilespmem:s0], [sflag:$0x2] =	stream.indirect_vreg.gather [hbm4b:s3+s2], $0x80, v4, vm0, $0xb8;
	[tilespmem:$0x18200] =	vst v63  }
0xa5: {  	s24 =	rddreg [dreg:$0xe]  }
0xa6: {  	[tilespmem:s24], [sflag:$0x2] =	stream.indirect_vreg.gather [hbm4b:s3+s2], $0x80, v3, vm0, $0xb8;
	[tilespmem:$0x18200] =	vst v63  }
0xa7: {  	v3 =	vld [tilespmem:$0xC0];
	_ =	sdelay $0x4  }
0xa8: {  	v44 =	vshll.u32 v3, $0x1  }
0xa9: {  	v3 =	vand.u32 $0x7, v3;
	v4 =	vand.u32 $0xFFFFFFF0, v44  }
0xaa: {  	v3 =	vor.u32 v3, v4  }
0xab: {  	v4 =	vperm.xlane v3, v0;
	_ =	sdelay $0x1  }
0xac: {  	v3 =	vperm.xlane v3, v2;
	v4 =	vadd.s32 v1, v4;
	_ =	sdelay $0x1  }
0xad: {  	v3 =	vadd.s32 v1, v3;
	_ =	sdelay $0x1  }
0xae: {  	s0 =	rddreg [dreg:$0xf]  }
0xaf: {  	[tilespmem:s0], [sflag:$0x2] =	stream.indirect_vreg.gather [hbm4b:s3+s2], $0x80, v4, vm0, $0xb8;
	[tilespmem:$0x18200] =	vst v63  }
0xb0: {  	s24 =	rddreg [dreg:$0x10]  }
0xb1: {  	[tilespmem:s24], [sflag:$0x2] =	stream.indirect_vreg.gather [hbm4b:s3+s2], $0x80, v3, vm0, $0xb8;
	[tilespmem:$0x18200] =	vst v63  }
0xb2: {  	v3 =	vld [tilespmem:$0xD0];
	_ =	sdelay $0x4  }
0xb3: {  	v45 =	vshll.u32 v3, $0x1  }
0xb4: {  	v3 =	vand.u32 $0x7, v3;
	v4 =	vand.u32 $0xFFFFFFF0, v45  }
0xb5: {  	v3 =	vor.u32 v3, v4  }
0xb6: {  	v4 =	vperm.xlane v3, v0;
	_ =	sdelay $0x1  }
0xb7: {  	v3 =	vperm.xlane v3, v2;
	v4 =	vadd.s32 v1, v4;
	_ =	sdelay $0x1  }
0xb8: {  	v3 =	vadd.s32 v1, v3;
	_ =	sdelay $0x1  }
0xb9: {  	s0 =	rddreg [dreg:$0x11]  }
0xba: {  	[tilespmem:s0], [sflag:$0x2] =	stream.indirect_vreg.gather [hbm4b:s3+s2], $0x80, v4, vm0, $0xb8;
	[tilespmem:$0x18200] =	vst v63  }
0xbb: {  	s24 =	rddreg [dreg:$0x12]  }
0xbc: {  	[tilespmem:s24], [sflag:$0x2] =	stream.indirect_vreg.gather [hbm4b:s3+s2], $0x80, v3, vm0, $0xb8;
	[tilespmem:$0x18200] =	vst v63  }
0xbd: {  	v3 =	vld [tilespmem:$0xE0];
	_ =	sdelay $0x4  }
0xbe: {  	v46 =	vshll.u32 v3, $0x1  }
0xbf: {  	v3 =	vand.u32 $0x7, v3;
	v4 =	vand.u32 $0xFFFFFFF0, v46  }
0xc0: {  	v3 =	vor.u32 v3, v4  }
0xc1: {  	v4 =	vperm.xlane v3, v0;
	_ =	sdelay $0x1  }
0xc2: {  	v3 =	vperm.xlane v3, v2;
	v4 =	vadd.s32 v1, v4;
	_ =	sdelay $0x1  }
0xc3: {  	v3 =	vadd.s32 v1, v3;
	_ =	sdelay $0x1  }
0xc4: {  	s0 =	rddreg [dreg:$0x13]  }
0xc5: {  	[tilespmem:s0], [sflag:$0x2] =	stream.indirect_vreg.gather [hbm4b:s3+s2], $0x80, v4, vm0, $0xb8;
	[tilespmem:$0x18200] =	vst v63  }
0xc6: {  	s24 =	rddreg [dreg:$0x14]  }
0xc7: {  	[tilespmem:s24], [sflag:$0x2] =	stream.indirect_vreg.gather [hbm4b:s3+s2], $0x80, v3, vm0, $0xb8;
	[tilespmem:$0x18200] =	vst v63  }
0xc8: {  	v3 =	vld [tilespmem:$0xF0];
	_ =	sdelay $0x4  }
0xc9: {  	v47 =	vshll.u32 v3, $0x1  }
0xca: {  	v3 =	vand.u32 $0x7, v3;
	v4 =	vand.u32 $0xFFFFFFF0, v47  }
0xcb: {  	v3 =	vor.u32 v3, v4  }
0xcc: {  	v4 =	vperm.xlane v3, v0;
	_ =	sdelay $0x1  }
0xcd: {  	v3 =	vperm.xlane v3, v2;
	v4 =	vadd.s32 v1, v4;
	_ =	sdelay $0x1  }
0xce: {  	v3 =	vadd.s32 v1, v3;
	_ =	sdelay $0x1  }
0xcf: {  	s0 =	rddreg [dreg:$0x15]  }
0xd0: {  	[tilespmem:s0], [sflag:$0x2] =	stream.indirect_vreg.gather [hbm4b:s3+s2], $0x80, v4, vm0, $0xb8;
	[tilespmem:$0x18200] =	vst v63  }
0xd1: {  	s24 =	rddreg [dreg:$0x16]  }
0xd2: {  	[tilespmem:s24], [sflag:$0x2] =	stream.indirect_vreg.gather [hbm4b:s3+s2], $0x80, v3, vm0, $0xb8;
	[tilespmem:$0x18200] =	vst v63  }
0xd3: {  	v3 =	vld [tilespmem:$0x100];
	_ =	sdelay $0x4  }
0xd4: {  	v48 =	vshll.u32 v3, $0x1  }
0xd5: {  	v3 =	vand.u32 $0x7, v3;
	v4 =	vand.u32 $0xFFFFFFF0, v48  }
0xd6: {  	v3 =	vor.u32 v3, v4  }
0xd7: {  	v4 =	vperm.xlane v3, v0;
	_ =	sdelay $0x1  }
0xd8: {  	v3 =	vperm.xlane v3, v2;
	v4 =	vadd.s32 v1, v4;
	_ =	sdelay $0x1  }
0xd9: {  	v3 =	vadd.s32 v1, v3;
	_ =	sdelay $0x2  }
0xda: {  	[tilespmem:s23], [sflag:$0x3] =	stream.indirect_vreg.gather [hbm4b:s3+s2], $0x80, v4, vm0, $0xb8;
	[tilespmem:$0x18200] =	vst v63  }
0xdb: {  	s24 =	rddreg [dreg:$0x17]  }
0xdc: {  	[tilespmem:s24], [sflag:$0x3] =	stream.indirect_vreg.gather [hbm4b:s3+s2], $0x80, v3, vm0, $0xb8;
	[tilespmem:$0x18200] =	vst v63  }
0xdd: {  	v3 =	vld [tilespmem:$0x110];
	_ =	sdelay $0x4  }
0xde: {  	v49 =	vshll.u32 v3, $0x1  }
0xdf: {  	v3 =	vand.u32 $0x7, v3;
	v4 =	vand.u32 $0xFFFFFFF0, v49  }
0xe0: {  	v3 =	vor.u32 v3, v4  }
0xe1: {  	v4 =	vperm.xlane v3, v0;
	_ =	sdelay $0x1  }
0xe2: {  	v3 =	vperm.xlane v3, v2;
	v4 =	vadd.s32 v1, v4;
	_ =	sdelay $0x1  }
0xe3: {  	v3 =	vadd.s32 v1, v3;
	_ =	sdelay $0x1  }
0xe4: {  	s0 =	rddreg [dreg:$0x18]  }
0xe5: {  	[tilespmem:s0], [sflag:$0x3] =	stream.indirect_vreg.gather [hbm4b:s3+s2], $0x80, v4, vm0, $0xb8;
	[tilespmem:$0x18200] =	vst v63  }
0xe6: {  	s24 =	rddreg [dreg:$0x19]  }
0xe7: {  	[tilespmem:s24], [sflag:$0x3] =	stream.indirect_vreg.gather [hbm4b:s3+s2], $0x80, v3, vm0, $0xb8;
	[tilespmem:$0x18200] =	vst v63  }
0xe8: {  	v3 =	vld [tilespmem:$0x120];
	_ =	sdelay $0x4  }
0xe9: {  	v50 =	vshll.u32 v3, $0x1  }
0xea: {  	v3 =	vand.u32 $0x7, v3;
	v4 =	vand.u32 $0xFFFFFFF0, v50  }
0xeb: {  	v3 =	vor.u32 v3, v4  }
0xec: {  	v4 =	vperm.xlane v3, v0;
	_ =	sdelay $0x1  }
0xed: {  	v3 =	vperm.xlane v3, v2;
	v4 =	vadd.s32 v1, v4;
	_ =	sdelay $0x1  }
0xee: {  	v3 =	vadd.s32 v1, v3;
	_ =	sdelay $0x1  }
0xef: {  	s0 =	rddreg [dreg:$0x1a]  }
0xf0: {  	[tilespmem:s0], [sflag:$0x3] =	stream.indirect_vreg.gather [hbm4b:s3+s2], $0x80, v4, vm0, $0xb8;
	[tilespmem:$0x18200] =	vst v63  }
0xf1: {  	s24 =	rddreg [dreg:$0x1b]  }
0xf2: {  	[tilespmem:s24], [sflag:$0x3] =	stream.indirect_vreg.gather [hbm4b:s3+s2], $0x80, v3, vm0, $0xb8;
	[tilespmem:$0x18200] =	vst v63  }
0xf3: {  	v3 =	vld [tilespmem:$0x130];
	_ =	sdelay $0x4  }
0xf4: {  	v51 =	vshll.u32 v3, $0x1  }
0xf5: {  	v3 =	vand.u32 $0x7, v3;
	v4 =	vand.u32 $0xFFFFFFF0, v51  }
0xf6: {  	v3 =	vor.u32 v3, v4  }
0xf7: {  	v4 =	vperm.xlane v3, v0;
	_ =	sdelay $0x1  }
0xf8: {  	v3 =	vperm.xlane v3, v2;
	v4 =	vadd.s32 v1, v4;
	_ =	sdelay $0x1  }
0xf9: {  	v3 =	vadd.s32 v1, v3;
	_ =	sdelay $0x1  }
0xfa: {  	s0 =	rddreg [dreg:$0x1c]  }
0xfb: {  	[tilespmem:s0], [sflag:$0x3] =	stream.indirect_vreg.gather [hbm4b:s3+s2], $0x80, v4, vm0, $0xb8;
	[tilespmem:$0x18200] =	vst v63  }
0xfc: {  	s24 =	rddreg [dreg:$0x1d]  }
0xfd: {  	[tilespmem:s24], [sflag:$0x3] =	stream.indirect_vreg.gather [hbm4b:s3+s2], $0x80, v3, vm0, $0xb8;
	[tilespmem:$0x18200] =	vst v63  }
0xfe: {  	v3 =	vld [tilespmem:$0x140];
	_ =	sdelay $0x4  }
0xff: {  	v52 =	vshll.u32 v3, $0x1  }
0x100: {  	v3 =	vand.u32 $0x7, v3;
	v4 =	vand.u32 $0xFFFFFFF0, v52  }
0x101: {  	v3 =	vor.u32 v3, v4  }
0x102: {  	v4 =	vperm.xlane v3, v0;
	_ =	sdelay $0x1  }
0x103: {  	v3 =	vperm.xlane v3, v2;
	v4 =	vadd.s32 v1, v4;
	_ =	sdelay $0x1  }
0x104: {  	v3 =	vadd.s32 v1, v3;
	_ =	sdelay $0x1  }
0x105: {  	s0 =	rddreg [dreg:$0x1e]  }
0x106: {  	[tilespmem:s0], [sflag:$0x3] =	stream.indirect_vreg.gather [hbm4b:s3+s2], $0x80, v4, vm0, $0xb8;
	[tilespmem:$0x18200] =	vst v63  }
0x107: {  	s24 =	rddreg [dreg:$0x1f]  }
0x108: {  	[tilespmem:s24], [sflag:$0x3] =	stream.indirect_vreg.gather [hbm4b:s3+s2], $0x80, v3, vm0, $0xb8;
	[tilespmem:$0x18200] =	vst v63  }
0x109: {  	v3 =	vld [tilespmem:$0x150];
	_ =	sdelay $0x4  }
0x10a: {  	v53 =	vshll.u32 v3, $0x1  }
0x10b: {  	v3 =	vand.u32 $0x7, v3;
	v4 =	vand.u32 $0xFFFFFFF0, v53  }
0x10c: {  	v3 =	vor.u32 v3, v4  }
0x10d: {  	v4 =	vperm.xlane v3, v0;
	_ =	sdelay $0x1  }
0x10e: {  	v3 =	vperm.xlane v3, v2;
	v4 =	vadd.s32 v1, v4;
	_ =	sdelay $0x1  }
0x10f: {  	s0 =	sld [smem:$0x7FA];
	v3 =	vadd.s32 v1, v3;
	_ =	sdelay $0x1  }
0x110: {  	s24 =	sld [smem:$0x7FB]  }
0x111: {  	[tilespmem:s0], [sflag:$0x3] =	stream.indirect_vreg.gather [hbm4b:s3+s2], $0x80, v4, vm0, $0xb8;
	[tilespmem:$0x18200] =	vst v63  }
0x112: {  	_ = 	snop  }
0x113: {  	[tilespmem:s24], [sflag:$0x3] =	stream.indirect_vreg.gather [hbm4b:s3+s2], $0x80, v3, vm0, $0xb8;
	[tilespmem:$0x18200] =	vst v63  }
0x114: {  	v3 =	vld [tilespmem:$0x160];
	_ =	sdelay $0x4  }
0x115: {  	v54 =	vshll.u32 v3, $0x1  }
0x116: {  	v3 =	vand.u32 $0x7, v3;
	v4 =	vand.u32 $0xFFFFFFF0, v54  }
0x117: {  	v3 =	vor.u32 v3, v4  }
0x118: {  	v4 =	vperm.xlane v3, v0;
	_ =	sdelay $0x1  }
0x119: {  	v3 =	vperm.xlane v3, v2;
	v4 =	vadd.s32 v1, v4;
	_ =	sdelay $0x1  }
0x11a: {  	s0 =	sld [smem:$0x7FC];
	v3 =	vadd.s32 v1, v3;
	_ =	sdelay $0x1  }
0x11b: {  	s24 =	sld [smem:$0x7FD]  }
0x11c: {  	[tilespmem:s0], [sflag:$0x3] =	stream.indirect_vreg.gather [hbm4b:s3+s2], $0x80, v4, vm0, $0xb8;
	[tilespmem:$0x18200] =	vst v63  }
0x11d: {  	_ = 	snop  }
0x11e: {  	[tilespmem:s24], [sflag:$0x3] =	stream.indirect_vreg.gather [hbm4b:s3+s2], $0x80, v3, vm0, $0xb8;
	[tilespmem:$0x18200] =	vst v63  }
0x11f: {  	v3 =	vld [tilespmem:$0x170];
	_ =	sdelay $0x4  }
0x120: {  	v55 =	vshll.u32 v3, $0x1  }
0x121: {  	v3 =	vand.u32 $0x7, v3;
	v4 =	vand.u32 $0xFFFFFFF0, v55  }
0x122: {  	v3 =	vor.u32 v3, v4  }
0x123: {  	v4 =	vperm.xlane v3, v0;
	_ =	sdelay $0x1  }
0x124: {  	v3 =	vperm.xlane v3, v2;
	v4 =	vadd.s32 v1, v4;
	_ =	sdelay $0x1  }
0x125: {  	v3 =	vadd.s32 v1, v3;
	_ =	sdelay $0x1  }
0x126: {  	s24 =	simm.s32 $0x17200  }
0x127: {  	[tilespmem:s24], [sflag:$0x3] =	stream.indirect_vreg.gather [hbm4b:s3+s2], $0x80, v4, vm0, $0xb8;
	[tilespmem:$0x18200] =	vst v63  }
0x128: {  	_ = 	snop  }
0x129: {  	[tilespmem:s25], [sflag:$0x3] =	stream.indirect_vreg.gather [hbm4b:s3+s2], $0x80, v3, vm0, $0xb8;
	[tilespmem:$0x18200] =	vst v63  }
0x12a: {  	_ =	swait.ge [sflag:s26], $0x8000  }
0x12b: {  	[sflag:s26] =	ssyncset.done $0x0  }
0x12c: {  	s24 =	rddreg [dreg:$0x4];
	[sflag:s26] =	ssyncadd.s32 $0xFFFF8000  }
0x12d: {  	[hbm4b:s24+s2] =	stream.linear.scatter [tilespmem:s6], [sflag:$0x4], $0x8000, $0x38;
	[tilespmem:$0x18200] =	vst v63  }
0x12e: {  	_ =	swait.ge [sflag:s28], $0x8000  }
0x12f: {  	[sflag:s28] =	ssyncset.done $0x0  }
0x130: {  	[sflag:s28] =	ssyncadd.s32 $0xFFFF8000  }
0x131: {  	v3 =	vld [tilespmem:$0x180];
	_ =	sdelay $0x4  }
0x132: {  	v56 =	vshll.u32 v3, $0x1  }
0x133: {  	v3 =	vand.u32 $0x7, v3;
	v4 =	vand.u32 $0xFFFFFFF0, v56  }
0x134: {  	v3 =	vor.u32 v3, v4  }
0x135: {  	v4 =	vperm.xlane v3, v0;
	_ =	sdelay $0x1  }
0x136: {  	v3 =	vperm.xlane v3, v2;
	v4 =	vadd.s32 v1, v4;
	_ =	sdelay $0x1  }
0x137: {  	v3 =	vadd.s32 v1, v3;
	_ =	sdelay $0x2  }
0x138: {  	[tilespmem:s6], [sflag:$0x1] =	stream.indirect_vreg.gather [hbm4b:s3+s2], $0x80, v4, vm0, $0xb8;
	[tilespmem:$0x18200] =	vst v63  }
0x139: {  	_ = 	snop  }
0x13a: {  	[tilespmem:s7], [sflag:$0x1] =	stream.indirect_vreg.gather [hbm4b:s3+s2], $0x80, v3, vm0, $0xb8;
	[tilespmem:$0x18200] =	vst v63  }
0x13b: {  	v3 =	vld [tilespmem:$0x190];
	_ =	sdelay $0x4  }
0x13c: {  	v57 =	vshll.u32 v3, $0x1  }
0x13d: {  	v3 =	vand.u32 $0x7, v3;
	v4 =	vand.u32 $0xFFFFFFF0, v57  }
0x13e: {  	v3 =	vor.u32 v3, v4  }
0x13f: {  	v4 =	vperm.xlane v3, v0;
	_ =	sdelay $0x1  }
0x140: {  	v3 =	vperm.xlane v3, v2;
	v4 =	vadd.s32 v1, v4;
	_ =	sdelay $0x1  }
0x141: {  	v3 =	vadd.s32 v1, v3;
	_ =	sdelay $0x2  }
0x142: {  	[tilespmem:s8], [sflag:$0x1] =	stream.indirect_vreg.gather [hbm4b:s3+s2], $0x80, v4, vm0, $0xb8;
	[tilespmem:$0x18200] =	vst v63  }
0x143: {  	_ = 	snop  }
0x144: {  	[tilespmem:s9], [sflag:$0x1] =	stream.indirect_vreg.gather [hbm4b:s3+s2], $0x80, v3, vm0, $0xb8;
	[tilespmem:$0x18200] =	vst v63  }
0x145: {  	v3 =	vld [tilespmem:$0x1A0];
	_ =	sdelay $0x4  }
0x146: {  	v58 =	vshll.u32 v3, $0x1  }
0x147: {  	v3 =	vand.u32 $0x7, v3;
	v4 =	vand.u32 $0xFFFFFFF0, v58  }
0x148: {  	v3 =	vor.u32 v3, v4  }
0x149: {  	v4 =	vperm.xlane v3, v0;
	_ =	sdelay $0x1  }
0x14a: {  	v3 =	vperm.xlane v3, v2;
	v4 =	vadd.s32 v1, v4;
	_ =	sdelay $0x1  }
0x14b: {  	v3 =	vadd.s32 v1, v3;
	_ =	sdelay $0x2  }
0x14c: {  	[tilespmem:s10], [sflag:$0x1] =	stream.indirect_vreg.gather [hbm4b:s3+s2], $0x80, v4, vm0, $0xb8;
	[tilespmem:$0x18200] =	vst v63  }
0x14d: {  	_ = 	snop  }
0x14e: {  	[tilespmem:s11], [sflag:$0x1] =	stream.indirect_vreg.gather [hbm4b:s3+s2], $0x80, v3, vm0, $0xb8;
	[tilespmem:$0x18200] =	vst v63  }
0x14f: {  	v3 =	vld [tilespmem:$0x1B0];
	_ =	sdelay $0x4  }
0x150: {  	v59 =	vshll.u32 v3, $0x1  }
0x151: {  	v3 =	vand.u32 $0x7, v3;
	v4 =	vand.u32 $0xFFFFFFF0, v59  }
0x152: {  	v3 =	vor.u32 v3, v4  }
0x153: {  	v4 =	vperm.xlane v3, v0;
	_ =	sdelay $0x1  }
0x154: {  	v3 =	vperm.xlane v3, v2;
	v4 =	vadd.s32 v1, v4;
	_ =	sdelay $0x1  }
0x155: {  	v3 =	vadd.s32 v1, v3;
	_ =	sdelay $0x2  }
0x156: {  	[tilespmem:s12], [sflag:$0x1] =	stream.indirect_vreg.gather [hbm4b:s3+s2], $0x80, v4, vm0, $0xb8;
	[tilespmem:$0x18200] =	vst v63  }
0x157: {  	_ = 	snop  }
0x158: {  	[tilespmem:s13], [sflag:$0x1] =	stream.indirect_vreg.gather [hbm4b:s3+s2], $0x80, v3, vm0, $0xb8;
	[tilespmem:$0x18200] =	vst v63  }
0x159: {  	v3 =	vld [tilespmem:$0x1C0];
	_ =	sdelay $0x4  }
0x15a: {  	v60 =	vshll.u32 v3, $0x1  }
0x15b: {  	v3 =	vand.u32 $0x7, v3;
	v4 =	vand.u32 $0xFFFFFFF0, v60  }
0x15c: {  	v3 =	vor.u32 v3, v4  }
0x15d: {  	v4 =	vperm.xlane v3, v0;
	_ =	sdelay $0x1  }
0x15e: {  	v3 =	vperm.xlane v3, v2;
	v4 =	vadd.s32 v1, v4;
	_ =	sdelay $0x1  }
0x15f: {  	v3 =	vadd.s32 v1, v3;
	_ =	sdelay $0x2  }
0x160: {  	[tilespmem:s14], [sflag:$0x1] =	stream.indirect_vreg.gather [hbm4b:s3+s2], $0x80, v4, vm0, $0xb8;
	[tilespmem:$0x18200] =	vst v63  }
0x161: {  	_ = 	snop  }
0x162: {  	[tilespmem:s15], [sflag:$0x1] =	stream.indirect_vreg.gather [hbm4b:s3+s2], $0x80, v3, vm0, $0xb8;
	[tilespmem:$0x18200] =	vst v63  }
0x163: {  	v3 =	vld [tilespmem:$0x1D0];
	_ =	sdelay $0x4  }
0x164: {  	v61 =	vshll.u32 v3, $0x1  }
0x165: {  	v3 =	vand.u32 $0x7, v3;
	v4 =	vand.u32 $0xFFFFFFF0, v61  }
0x166: {  	v3 =	vor.u32 v3, v4  }
0x167: {  	v4 =	vperm.xlane v3, v0;
	_ =	sdelay $0x1  }
0x168: {  	v3 =	vperm.xlane v3, v2;
	v4 =	vadd.s32 v1, v4;
	_ =	sdelay $0x1  }
0x169: {  	v3 =	vadd.s32 v1, v3;
	_ =	sdelay $0x2  }
0x16a: {  	[tilespmem:s16], [sflag:$0x1] =	stream.indirect_vreg.gather [hbm4b:s3+s2], $0x80, v4, vm0, $0xb8;
	[tilespmem:$0x18200] =	vst v63  }
0x16b: {  	_ = 	snop  }
0x16c: {  	[tilespmem:s17], [sflag:$0x1] =	stream.indirect_vreg.gather [hbm4b:s3+s2], $0x80, v3, vm0, $0xb8;
	[tilespmem:$0x18200] =	vst v63  }
0x16d: {  	v3 =	vld [tilespmem:$0x1E0];
	_ =	sdelay $0x4  }
0x16e: {  	v62 =	vshll.u32 v3, $0x1  }
0x16f: {  	v3 =	vand.u32 $0x7, v3;
	v4 =	vand.u32 $0xFFFFFFF0, v62  }
0x170: {  	v3 =	vor.u32 v3, v4  }
0x171: {  	v4 =	vperm.xlane v3, v0;
	_ =	sdelay $0x1  }
0x172: {  	v3 =	vperm.xlane v3, v2;
	v4 =	vadd.s32 v1, v4;
	_ =	sdelay $0x1  }
0x173: {  	v3 =	vadd.s32 v1, v3;
	_ =	sdelay $0x2  }
0x174: {  	[tilespmem:s18], [sflag:$0x1] =	stream.indirect_vreg.gather [hbm4b:s3+s2], $0x80, v4, vm0, $0xb8;
	[tilespmem:$0x18200] =	vst v63  }
0x175: {  	_ = 	snop  }
0x176: {  	[tilespmem:s19], [sflag:$0x1] =	stream.indirect_vreg.gather [hbm4b:s3+s2], $0x80, v3, vm0, $0xb8;
	[tilespmem:$0x18200] =	vst v63  }
0x177: {  	v3 =	vld [tilespmem:$0x1F0];
	_ =	sdelay $0x4  }
0x178: {  	v63 =	vshll.u32 v3, $0x1  }
0x179: {  	v3 =	vand.u32 $0x7, v3;
	v4 =	vand.u32 $0xFFFFFFF0, v63  }
0x17a: {  	v3 =	vor.u32 v3, v4  }
0x17b: {  	v4 =	vperm.xlane v3, v0;
	_ =	sdelay $0x1  }
0x17c: {  	v3 =	vperm.xlane v3, v2;
	v4 =	vadd.s32 v1, v4;
	_ =	sdelay $0x1  }
0x17d: {  	v3 =	vadd.s32 v1, v3;
	_ =	sdelay $0x2  }
0x17e: {  	[tilespmem:s20], [sflag:$0x1] =	stream.indirect_vreg.gather [hbm4b:s3+s2], $0x80, v4, vm0, $0xb8;
	[tilespmem:$0x18200] =	vst v63  }
0x17f: {  	_ = 	snop  }
0x180: {  	[tilespmem:s21], [sflag:$0x1] =	stream.indirect_vreg.gather [hbm4b:s3+s2], $0x80, v3, vm0, $0xb8;
	[tilespmem:$0x18200] =	vst v63  }
0x181: {  	_ =	swait.ge [sflag:s29], $0x8000  }
0x182: {  	[sflag:s29] =	ssyncset.done $0x0  }
0x183: {  	s24 =	rddreg [dreg:$0x5];
	[sflag:s29] =	ssyncadd.s32 $0xFFFF8000  }
0x184: {  	[hbm4b:s24+s2] =	stream.linear.scatter [tilespmem:s22], [sflag:$0x5], $0x8000, $0x38;
	[tilespmem:$0x18200] =	vst v63  }
0x185: {  	_ =	swait.ge [sflag:s30], $0x8000  }
0x186: {  	[sflag:s30] =	ssyncset.done $0x0  }
0x187: {  	s24 =	rddreg [dreg:$0x6];
	[sflag:s30] =	ssyncadd.s32 $0xFFFF8000  }
0x188: {  	[hbm4b:s24+s2] =	stream.linear.scatter [tilespmem:s23], [sflag:$0x6], $0x8000, $0x38;
	[tilespmem:$0x18200] =	vst v63  }
0x189: {  	_ =	swait.ge [sflag:s26], $0x8000  }
0x18a: {  	[sflag:s26] =	ssyncset.done $0x0  }
0x18b: {  	s24 =	rddreg [dreg:$0x7];
	[sflag:s26] =	ssyncadd.s32 $0xFFFF8000  }
0x18c: {  	[hbm4b:s24+s2] =	stream.linear.scatter [tilespmem:s6], [sflag:$0x4], $0x8000, $0x38;
	[tilespmem:$0x18200] =	vst v63  }
0x18d: {  	_ =	swait.ge [sflag:s31], $0x8000  }
0x18e: {  	[sflag:s31] =	ssyncset.done $0x0  }
0x18f: {  	[sflag:s31] =	ssyncadd.s32 $0xFFFF8000  }
0x190: {  	p0 =	sne.s32 s4, $0x1;
	_ =	swait.ge [sflag:s1], $0x8000  }
.Ltmp0:
0x191: {  	[sflag:s1] =	ssyncset.done $0x0;
	(pc) =	sbr.rel @p0 .LBB2_1-.Ltmp0, $4  }
0x192: {  	[sflag:s1] =	ssyncadd.s32 $0xFFFF8000  }
0x193: {  	_ =	swait.ge [sflag:s28], $0x8000  }
0x194: {  	[sflag:s28] =	ssyncset.done $0x0  }
0x195: {  	s4 =	sadd.s32 $0xFFFFFFFF, s4;
	[sflag:s28] =	ssyncadd.s32 $0xFFFF8000  }
0x196: {  	_ =	sfence.sel $0x180000  }
0x197: {  	[bflag:$0x0] =	sbarrier.arrive $0xFFFF  }
0x198: {  	_ =	strace $0x9000004A  }
0x199: {  	s0 =	stileid.u32;
	[bflag:$0x2] =	sbarrier.arrive $0xFFFF  }
0x19a: {  	p0 =	sne.s32 s0, $0x0;
	s0 =	rddreg [dreg:$0x2]  }
0x19b: {  	s0 =	sadd.s32 @!p0 $0x100000, s0  }
0x19c: {  	[sflag:s0] =	ssyncadd.tile.s32 @!p0 $0x1;
	_ =	shalt  }
.Lfunc_end2:
_tile_overlayer_lowered:
.L_overlay_start_2:
0x19d: {  	(tag) =	ssettag $0x2  }
0x19e: {  	s0 =	rddreg [dreg:$0x0];
	s2 =	stileid.u32  }
0x19f: {  	s1 =	rddreg [dreg:$0x1];
	p0 =	sne.s32 s2, $0x0  }
0x1a0: {  	s3 =	rddreg [dreg:$0x2];
	[bflag:$0x3] =	sbarrier.arrive $0xFFFF;
	s2 =	simm.s32 @!p0 $0x1C07  }
0x1a1: {  	[timem:s3], [sflag:s2] =	dma.local @!p0 [hbm:s0], s1  }
0x1a2: {  	s0 =	simm.s32 @!p0 $0x7  }
0x1a3: {  	_ =	swait.ge @!p0 [sflag:s0], s1  }
0x1a4: {  	s1 =	ssub.s32 @!p0 $0x0, s1;
	[sflag:s0] =	ssyncset.done @!p0 $0x0  }
0x1a5: {  	[sflag:s0] =	ssyncadd.s32 @!p0 s1  }
0x1a6: {  	[bflag:$0x3] =	sbarrier.arrive $0xFFFF  }
0x1a7: {  	_ =	shalt  }

// kernel: kernel.8.cloned.1.call-start
scs
__scs_entry_jumppad:
0x0: {  	(pc) =	sbr.rel $0x88, $3  }
0x1: {  	(tag) =	ssettag $0x0;
	lr =	simm.s32 $0x1  }
0x2: {  	[smem:$0x3F96] =	sst lr;
	_ =	strace $0xD0000000  }
0x3: {  	_ = 	snop  }
0x4: {  	_ = 	snop  }
0x5: {  	_ = 	snop  }
0x6: {  	_ = 	snop  }
0x7: {  	_ = 	snop  }
__scs_overlays_trampoline_lowered:
0x8: {  	[smem:$0x3FA5] =	sst s0  }
0x9: {  	[smem:$0x3FA6] =	sst s1  }
0xa: {  	[smem:$0x3FA7] =	sst s2  }
0xb: {  	[smem:$0x3FA8] =	sst s3  }
0xc: {  	[smem:$0x3FA9] =	sst s4  }
0xd: {  	[smem:$0x3FAA] =	sst s5  }
0xe: {  	[smem:$0x3FAB] =	sst s6  }
0xf: {  	[smem:$0x3FAC] =	sst s7  }
0x10: {  	[smem:$0x3FAD] =	sst s8  }
0x11: {  	[smem:$0x3FAE] =	sst s9;
	s0 =	simm.s32 @!p0 $0x0  }
0x12: {  	s1 =	sld [smem:$0x3F94];
	s0 =	simm.s32 @p0 $0x1  }
0x13: {  	[smem:$0x3FAF] =	sst s0;
	s0 =	simm.s32 @!p1 $0x0  }
0x14: {  	s2 =	sld [smem:$0x3F93];
	s0 =	simm.s32 @p1 $0x1  }
0x15: {  	[smem:$0x3FB0] =	sst s0;
	s0 =	simm.s32 @!p2 $0x0  }
0x16: {  	s3 =	sld [smem:$0x3FDB];
	s0 =	simm.s32 @p2 $0x1  }
0x17: {  	s4 =	simm.s32 $0x1BF5;
	[smem:$0x3FB2] =	sst s0  }
0x18: {  	s0 =	sld [smem:$0x3F95];
	_ =	swait.ge [sflag:s4], $0x0  }
0x19: {  	s7 =	sld [smem:$0x3F96]  }
0x1a: {  	s8 =	sadd.s32 $0xFFFFE003, lr  }
0x1b: {  	s9 =	sadd.s32 $0xFFFFFEF7, lr;
	s5 =	simm.s32 $0xFFFFFFFF;
	p2 =	slt.u32 s8, $0xFFFFF086  }
0x1c: {  	p1 =	slt.u32 s9, $0xF7A;
	s5 =	simm.s32 @!p2 $0x0  }
0x1d: {  	s5 =	simm.s32 @p1 $0x1;
	p0 =	seq.s32 s7, s2  }
0x1e: {  	s7 =	smul.u32 @!p0 $0xF7A, s2;
	p2 =	seq.s32 @!p0 s5, $0x0  }
0x1f: {  	s9 =	smul.u32 $0xF7A, s1;
	s8 =	simm.s32 @!p0 $0x1BF5;
	p2 =	por !p2, p0  }
0x20: {  	[sflag:s8] =	ssyncset.s32 @!p0 $0xFFFFF086;
	s6 =	sadd.s32 @!p0 s3, s7;
	s7 =	simm.s32 @!p0 $0x108  }
0x21: {  	s3 =	sadd.s32 s3, s9;
	s6 =	sadd.s32 @!p0 $0x88, s6;
	s7 =	simm.s32 @p2 $0x1082  }
0x22: {  	[simem:s7], [sflag:s8] =	dma.local @!p0 [hbm:s6], $0xF7A  }
0x23: {  	s9 =	sor.u32 $0xD0000000, s2;
	s6 =	simm.s32 $0x108;
	_ =	swait.ge @!p0 [sflag:s8], $0x0  }
0x24: {  	s3 =	sadd.s32 $0x88, s3;
	s6 =	simm.s32 @!p1 $0x1082;
	[sflag:s4] =	ssyncset.s32 $0xFFFFF086  }
0x25: {  	[simem:s6], [sflag:s4] =	dma.local [hbm:s3], $0xF7A  }
0x26: {  	[smem:$0x3F96] =	sst s1;
	(tag) =	ssettag s2;
	_ =	strace s9  }
0x27: {  	s1 =	sld [smem:$0x3FA6]  }
0x28: {  	s2 =	sld [smem:$0x3FA7]  }
0x29: {  	s4 =	sld [smem:$0x3FA9]  }
0x2a: {  	p0 =	seq.s32 s5, $0x0;
	s5 =	sld [smem:$0x3FAA]  }
0x2b: {  	s6 =	sld [smem:$0x3FAB]  }
0x2c: {  	s7 =	sld [smem:$0x3FAC]  }
0x2d: {  	s3 =	simm.s32 $0x108;
	s8 =	sld [smem:$0x3FAD]  }
0x2e: {  	s3 =	simm.s32 @!p0 $0x1082;
	s9 =	sld [smem:$0x3FAE]  }
0x2f: {  	lr =	sadd.s32 s0, s3;
	s0 =	sld [smem:$0x3FA5]  }
0x30: {  	s3 =	sld [smem:$0x3FA8]  }
0x31: {  	[smem:$0x3FB1] =	sst s10  }
0x32: {  	s10 =	sld [smem:$0x3FAF];
	_ =	sdelay $0x3  }
0x33: {  	p0 =	seq.s32 s10, $0x1;
	s10 =	sld [smem:$0x3FB1];
	_ =	sdelay $0x3  }
0x34: {  	[smem:$0x3FB1] =	sst s10  }
0x35: {  	s10 =	sld [smem:$0x3FB0];
	_ =	sdelay $0x3  }
0x36: {  	p1 =	seq.s32 s10, $0x1;
	s10 =	sld [smem:$0x3FB1];
	_ =	sdelay $0x3  }
0x37: {  	[smem:$0x3FB1] =	sst s10  }
0x38: {  	s10 =	sld [smem:$0x3FB2]  }
0x39: {  	_ = 	snop;
	(pc) =	sbr.ind lr, $3  }
0x3a: {  	_ = 	snop  }
0x3b: {  	_ = 	snop  }
0x3c: {  	p2 =	seq.s32 s10, $0x1;
	s10 =	sld [smem:$0x3FB1]  }
0x3d: {  	_ =	shalt  }
0x3e: {  	_ =	shalt  }
0x3f: {  	_ =	shalt  }
0x40: {  	_ =	shalt  }
0x41: {  	_ =	shalt  }
0x42: {  	_ =	shalt  }
0x43: {  	_ =	shalt  }
0x44: {  	_ =	shalt  }
0x45: {  	_ =	shalt  }
0x46: {  	_ =	shalt  }
0x47: {  	_ =	shalt  }
0x48: {  	_ =	shalt  }
0x49: {  	_ =	shalt  }
0x4a: {  	_ =	shalt  }
0x4b: {  	_ =	shalt  }
0x4c: {  	_ =	shalt  }
0x4d: {  	_ =	shalt  }
0x4e: {  	_ =	shalt  }
0x4f: {  	_ =	shalt  }
0x50: {  	_ =	shalt  }
0x51: {  	_ =	shalt  }
0x52: {  	_ =	shalt  }
0x53: {  	_ =	shalt  }
0x54: {  	_ =	shalt  }
0x55: {  	_ =	shalt  }
0x56: {  	_ =	shalt  }
0x57: {  	_ =	shalt  }
0x58: {  	_ =	shalt  }
0x59: {  	_ =	shalt  }
0x5a: {  	_ =	shalt  }
0x5b: {  	_ =	shalt  }
0x5c: {  	_ =	shalt  }
0x5d: {  	_ =	shalt  }
0x5e: {  	_ =	shalt  }
0x5f: {  	_ =	shalt  }
0x60: {  	_ =	shalt  }
0x61: {  	_ =	shalt  }
0x62: {  	_ =	shalt  }
0x63: {  	_ =	shalt  }
0x64: {  	_ =	shalt  }
0x65: {  	_ =	shalt  }
0x66: {  	_ =	shalt  }
0x67: {  	_ =	shalt  }
0x68: {  	_ =	shalt  }
0x69: {  	_ =	shalt  }
0x6a: {  	_ =	shalt  }
0x6b: {  	_ =	shalt  }
0x6c: {  	_ =	shalt  }
0x6d: {  	_ =	shalt  }
0x6e: {  	_ =	shalt  }
0x6f: {  	_ =	shalt  }
0x70: {  	_ =	shalt  }
0x71: {  	_ =	shalt  }
0x72: {  	_ =	shalt  }
0x73: {  	_ =	shalt  }
0x74: {  	_ =	shalt  }
0x75: {  	_ =	shalt  }
0x76: {  	_ =	shalt  }
0x77: {  	_ =	shalt  }
0x78: {  	_ =	shalt  }
0x79: {  	_ =	shalt  }
0x7a: {  	_ =	shalt  }
0x7b: {  	_ =	shalt  }
0x7c: {  	_ =	shalt  }
0x7d: {  	_ =	shalt  }
0x7e: {  	_ =	shalt  }
0x7f: {  	_ =	shalt  }
0x80: {  	_ =	shalt  }
0x81: {  	_ =	shalt  }
0x82: {  	_ =	shalt  }
0x83: {  	_ =	shalt  }
0x84: {  	_ =	shalt  }
0x85: {  	_ =	shalt  }
0x86: {  	_ =	shalt  }
0x87: {  	_ =	shalt  }
.Lfunc_end0:
.L_simem_size_0:
called_computation_lowered:
.L_overlay_start_0:
0x88: {  	s2 =	sld [smem:$0x3FD9]  }
0x89: {  	s3 =	sld [smem:$0x3FFE];
	_ =	sdelay $0x1  }
0x8a: {  	s1 =	srdreg.scid  }
0x8b: {  	s0 =	sand.u32 $0x1, s1  }
0x8c: {  	s16 =	sshll.u32 s0, $0xA;
	s2 =	sadd.s32 s3, s2  }
0x8d: {  	s2 =	sadd.s32 s2, s16  }
0x8e: {  	[smem:$0x3FBD] =	sst s2  }
0x8f: {  	_ = 	snop  }
0x90: {  	(tm) =	ssettm $0x1  }
0x91: {  	s17 =	sld [smem:$0x3FFB];
	_ =	sdelay $0x3  }
0x92: {  	_ =	strace s17  }
0x93: {  	s2 =	sld [smem:$0x3FFC];
	_ =	sdelay $0x3  }
0x94: {  	_ =	strace s2  }
0x95: {  	s2 =	sld [smem:$0x3FFD];
	_ =	sdelay $0x3  }
0x96: {  	_ =	strace s2  }
0x97: {  	_ =	strace $0x8FFFFFFF  }
0x98: {  	s18 =	sld [smem:$0x3FDB];
	_ =	sdelay $0x1  }
0x99: {  	s19 =	simm.s32 $_scs_section_size  }
0x9a: {  	s4 =	simm.s32 $_size__tile_overlayer_lowered;
	s5 =	simm.s32 $_tile_overlayer_lowered  }
0x9b: {  	s22 =	simm.s32 $0x1BFF;
	s21 =	sshll.u32 s5, $0x1;
	s2 =	sadd.s32 s19, s18  }
0x9c: {  	s6 =	simm.s32 $0x0;
	s20 =	sshll.u32 s4, $0x1;
	s4 =	sadd.s32 s21, s2  }
0x9d: {  	[timem:s6], [sflag:s22] =	dma.local [hbm:s4], s20  }
0x9e: {  	_ =	swait.ge [sflag:s22], s20  }
0x9f: {  	s3 =	ssub.s32 $0x0, s20;
	[sflag:s22] =	ssyncset.done $0x0  }
0xa0: {  	[sflag:s22] =	ssyncadd.s32 s3;
	_ =	sdelay $0x1  }
0xa1: {  	s23 =	simm.s32 $0x1B8B  }
0xa2: {  	_ =	swait.ge [sflag:s23], $0x1  }
0xa3: {  	[sflag:s23] =	ssyncset.done $0x0  }
0xa4: {  	s25 =	simm.s32 $0x1B8E;
	s24 =	sld [smem:$0x3FFE];
	[sflag:s23] =	ssyncadd.s32 $0xFFFFFFFF  }
0xa5: {  	s26 =	simm.s32 $execute0_lowered;
	[smem:$0x3FD2] =	sst s25  }
0xa6: {  	s4 =	sshll.u32 s26, $0x1;
	_ =	strace $0x80000046;
	[dreg:$0x1] =	wrdreg $0xFFFFFFFF  }
0xa7: {  	s28 =	simm.s32 $_size_execute0_lowered;
	s2 =	sadd.s32 s2, s4;
	[dreg:$0x0] =	wrdreg $0x0  }
0xa8: {  	s4 =	sshll.u32 s28, $0x1;
	[dreg:$0x2] =	wrdreg s2  }
0xa9: {  	[dreg:$0x3] =	wrdreg s4  }
0xaa: {  	[dreg:$0x4] =	wrdreg $0xC0  }
0xab: {  	_ =	task [dreg:s6], $0x5FFFF  }
0xac: {  	[dreg:$0x1] =	wrdreg $0xFFFFFFFF  }
0xad: {  	[dreg:$0x0] =	wrdreg $0x60  }
0xae: {  	[dreg:$0x2] =	wrdreg s24  }
0xaf: {  	[dreg:$0x3] =	wrdreg $0x9  }
0xb0: {  	_ =	task.clear_ibuf [dreg:s6], $0x4FFFF;
	_ =	strace $0x90000046  }
0xb1: {  	s29 =	simm.s32 $0x9;
	_ =	strace $0x80000048  }
0xb2: {  	_ =	swait.ge [sflag:s29], $0x1  }
0xb3: {  	[sflag:s29] =	ssyncadd.s32 $0xFFFFFFFF  }
0xb4: {  	_ =	strace $0x90000048  }
0xb5: {  	_ =	sfence  }
0xb6: {  	s30 =	sld [smem:$0x0];
	_ =	sdelay $0x2  }
0xb7: {  	s31 =	sshll.u32 s1, $0xD;
	s1 =	sshrl.u32 s1, $0x2  }
0xb8: {  	s3 =	sand.u32 $0x4000, s31;
	s1 =	sadd.s32 s1, s30  }
0xb9: {  	s0 =	sor.u32 s3, s0;
	s1 =	sshll.u32 s1, $0x11  }
0xba: {  	s0 =	sor.u32 s1, s0  }
0xbb: {  	s0 =	sadd.s32 $0x8F2B, s0  }
0xbc: {  	[sflag:s0] =	ssyncadd.remote.s32 $0x1  }
0xbd: {  	_ =	sfence.sel $0xFFFF  }
0xbe: {  	[dreg:$0x0] =	wrdreg $0xFFFFFFFF;
	(pc) =	sbr.abs _section_cstart, $3  }
0xbf: {  	[dreg:$0x1] =	wrdreg $0xFFFFFFFF  }
0xc0: {  	_ =	task.clear_ibuf [dreg:s6], $0x2FFFF;
	_ =	strace $0x9FFFFFFF  }
0xc1: {  	(tm) =	ssettm $0x7FFFFFFF  }
tec
execute0_lowered:
.L_overlay_start_1:
0x0: {  	(tag) =	ssettag $0x1  }
0x1: {  	s1 =	srdreg.scid  }
0x2: {  	s0 =	stileid.u32;
	s1 =	sand.u32 $0x1, s1  }
0x3: {  	s2 =	sshll.u32 s0, $0xA;
	s3 =	sshll.u32 s1, $0x9  }
0x4: {  	s4 =	rddreg [dreg:$0x0];
	s3 =	sor.u32 s3, s2;
	s2 =	simm.s32 $0x0  }
0x5: {  	s20 =	simm.s32 $0x8A00;
	[smem:$0x7FF] =	sst s2  }
0x6: {  	s21 =	simm.s32 $0x9200;
	_ =	strace $0x80000047;
	[dreg:$0x7] =	wrdreg s20  }
0x7: {  	s22 =	simm.s32 $0x9A00;
	[dreg:$0x8] =	wrdreg s21  }
0x8: {  	s23 =	simm.s32 $0xA200;
	s24 =	simm.s32 $0xAA00;
	[dreg:$0x9] =	wrdreg s22  }
0x9: {  	s25 =	simm.s32 $0xB200;
	s6 =	simm.s32 $0xC200;
	[dreg:$0xa] =	wrdreg s23  }
0xa: {  	s7 =	simm.s32 $0xCA00;
	s8 =	simm.s32 $0xD200;
	[dreg:$0xb] =	wrdreg s24  }
0xb: {  	s9 =	simm.s32 $0xDA00;
	s0 =	simm.s32 $0xBA00;
	[dreg:$0xc] =	wrdreg s25  }
0xc: {  	s10 =	simm.s32 $0xE200;
	s11 =	simm.s32 $0xEA00;
	[dreg:$0xd] =	wrdreg s0  }
0xd: {  	s12 =	simm.s32 $0xF200;
	s13 =	simm.s32 $0xFA00;
	[dreg:$0xe] =	wrdreg s6  }
0xe: {  	s14 =	simm.s32 $0x10A00;
	s15 =	simm.s32 $0x11200;
	[dreg:$0xf] =	wrdreg s7  }
0xf: {  	s16 =	simm.s32 $0x11A00;
	s28 =	simm.s32 $0x4;
	[dreg:$0x10] =	wrdreg s8  }
0x10: {  	s29 =	simm.s32 $0x2;
	s30 =	simm.s32 $0x3;
	[dreg:$0x11] =	wrdreg s9  }
0x11: {  	s31 =	simm.s32 $0x5;
	s1 =	ssub.s32 $0x2, s1;
	[dreg:$0x12] =	wrdreg s10  }
0x12: {  	s26 =	sshrl.u32 s1, $0x1;
	s5 =	sshrl.u32 s3, $0x3;
	[dreg:$0x13] =	wrdreg s11  }
0x13: {  	s3 =	sshll.u32 s3, $0x5;
	s1 =	ssub.s32 s1, s26;
	[dreg:$0x14] =	wrdreg s12  }
0x14: {  	s26 =	simm.s32 $0x16A00;
	s5 =	sadd.s32 s5, s4;
	[dreg:$0x15] =	wrdreg s13  }
0x15: {  	s3 =	sadd.s32 s3, s4;
	s6 =	simm.s32 $0x200;
	[dreg:$0x16] =	wrdreg s14  }
0x16: {  	s7 =	simm.s32 $0xA00;
	s8 =	simm.s32 $0x1200;
	[dreg:$0x17] =	wrdreg s15  }
0x17: {  	s9 =	simm.s32 $0x1A00;
	s10 =	simm.s32 $0x2200;
	[dreg:$0x18] =	wrdreg s16  }
0x18: {  	s11 =	simm.s32 $0x2A00;
	s20 =	simm.s32 $0x13A00;
	[smem:$0x7FD] =	sst s26  }
0x19: {  	s12 =	simm.s32 $0x3200;
	s21 =	simm.s32 $0x14200;
	[dreg:$0x1c] =	wrdreg s20  }
0x1a: {  	s13 =	simm.s32 $0x3A00;
	s22 =	simm.s32 $0x14A00;
	[dreg:$0x1d] =	wrdreg s21  }
0x1b: {  	s14 =	simm.s32 $0x4200;
	s23 =	simm.s32 $0x15200;
	[dreg:$0x1e] =	wrdreg s22  }
0x1c: {  	s15 =	simm.s32 $0x4A00;
	s24 =	simm.s32 $0x15A00;
	[dreg:$0x1f] =	wrdreg s23  }
0x1d: {  	s16 =	simm.s32 $0x5200;
	s25 =	simm.s32 $0x16200;
	[smem:$0x7FB] =	sst s24  }
0x1e: {  	s26 =	simm.s32 $0x1;
	s5 =	sadd.s32 $0xAC00, s5;
	[smem:$0x7FC] =	sst s25  }
0x1f: {  	s17 =	sadd.s32 $0xB400, s3;
	s18 =	sadd.s32 $0xC400, s3;
	[dreg:$0x2] =	wrdreg s5  }
0x20: {  	s19 =	sadd.s32 $0xD400, s3;
	s3 =	sadd.s32 $0xE400, s3;
	[dreg:$0x3] =	wrdreg s17  }
0x21: {  	s20 =	simm.s32 $0x7200;
	s21 =	simm.s32 $0x7A00;
	[dreg:$0x4] =	wrdreg s18  }
0x22: {  	s22 =	simm.s32 $0x8200;
	s23 =	simm.s32 $0x10200;
	[dreg:$0x5] =	wrdreg s19  }
0x23: {  	s25 =	simm.s32 $0x17A00;
	[dreg:$0x6] =	wrdreg s3;
	s3 =	sadd.s32 $0x2C00, s4  }
0x24: {  	s4 =	smax.u32 s1, $0x1;
	s5 =	simm.s32 $0x7;
	s17 =	simm.s32 $0x12200  }
0x25: {  	v2 =	vlaneseq.u32;
	s18 =	simm.s32 $0x12A00;
	s19 =	simm.s32 $0x13200;
	[dreg:$0x19] =	wrdreg s17  }
0x26: {  	vm0 =	vmmov $0xffff;
	v1 =	vshrl.u32 v2, $0x3;
	s1 =	simm.s32 $0x6;
	[dreg:$0x1a] =	wrdreg s18;
	s17 =	simm.s32 $0x5A00  }
0x27: {  	v0 =	vand.u32 $0x7, v2;
	v2 =	vor.u32 $0x8, v2;
	v1 =	vmul.u32 $0x8, v1;
	[dreg:$0x1b] =	wrdreg s19;
	s18 =	simm.s32 $0x6200;
	s19 =	simm.s32 $0x6A00  }
.LBB2_1:
0x28: {  	s0 =	rddreg [dreg:$0x2]  }
0x29: {  	[tilespmem:s2], [sflag:$0x7] =	stream.linear.gather [hbm4b:s0+s2], $0x200, $0x38;
	[tilespmem:$0x18200] =	vst v63  }
0x2a: {  	_ =	swait.ge [sflag:s5], $0x200  }
0x2b: {  	[sflag:s5] =	ssyncset.done $0x0  }
0x2c: {  	[sflag:s5] =	ssyncadd.s32 $0xFFFFFE00  }
0x2d: {  	v3 =	vld [tilespmem:$0x0];
	_ =	sdelay $0x4  }
0x2e: {  	v4 =	vshll.u32 v3, $0x1  }
0x2f: {  	v3 =	vand.u32 $0x7, v3;
	v4 =	vand.u32 $0xFFFFFFF0, v4  }
0x30: {  	v3 =	vor.u32 v3, v4  }
0x31: {  	v4 =	vperm.xlane v3, v0;
	_ =	sdelay $0x1  }
0x32: {  	v3 =	vperm.xlane v3, v2;
	v4 =	vadd.s32 v1, v4;
	_ =	sdelay $0x1  }
0x33: {  	v3 =	vadd.s32 v1, v3;
	_ =	sdelay $0x2  }
0x34: {  	[tilespmem:s6], [sflag:$0x1] =	stream.indirect_vreg.gather [hbm4b:s3+s2], $0x80, v4, vm0, $0xb8;
	[tilespmem:$0x18200] =	vst v63  }
0x35: {  	_ = 	snop  }
0x36: {  	[tilespmem:s7], [sflag:$0x1] =	stream.indirect_vreg.gather [hbm4b:s3+s2], $0x80, v3, vm0, $0xb8;
	[tilespmem:$0x18200] =	vst v63  }
0x37: {  	v3 =	vld [tilespmem:$0x10];
	_ =	sdelay $0x4  }
0x38: {  	v33 =	vshll.u32 v3, $0x1  }
0x39: {  	v3 =	vand.u32 $0x7, v3;
	v4 =	vand.u32 $0xFFFFFFF0, v33  }
0x3a: {  	v3 =	vor.u32 v3, v4  }
0x3b: {  	v4 =	vperm.xlane v3, v0;
	_ =	sdelay $0x1  }
0x3c: {  	v3 =	vperm.xlane v3, v2;
	v4 =	vadd.s32 v1, v4;
	_ =	sdelay $0x1  }
0x3d: {  	v3 =	vadd.s32 v1, v3;
	_ =	sdelay $0x2  }
0x3e: {  	[tilespmem:s8], [sflag:$0x1] =	stream.indirect_vreg.gather [hbm4b:s3+s2], $0x80, v4, vm0, $0xb8;
	[tilespmem:$0x18200] =	vst v63  }
0x3f: {  	_ = 	snop  }
0x40: {  	[tilespmem:s9], [sflag:$0x1] =	stream.indirect_vreg.gather [hbm4b:s3+s2], $0x80, v3, vm0, $0xb8;
	[tilespmem:$0x18200] =	vst v63  }
0x41: {  	v3 =	vld [tilespmem:$0x20];
	_ =	sdelay $0x4  }
0x42: {  	v34 =	vshll.u32 v3, $0x1  }
0x43: {  	v3 =	vand.u32 $0x7, v3;
	v4 =	vand.u32 $0xFFFFFFF0, v34  }
0x44: {  	v3 =	vor.u32 v3, v4  }
0x45: {  	v4 =	vperm.xlane v3, v0;
	_ =	sdelay $0x1  }
0x46: {  	v3 =	vperm.xlane v3, v2;
	v4 =	vadd.s32 v1, v4;
	_ =	sdelay $0x1  }
0x47: {  	v3 =	vadd.s32 v1, v3;
	_ =	sdelay $0x2  }
0x48: {  	[tilespmem:s10], [sflag:$0x1] =	stream.indirect_vreg.gather [hbm4b:s3+s2], $0x80, v4, vm0, $0xb8;
	[tilespmem:$0x18200] =	vst v63  }
0x49: {  	_ = 	snop  }
0x4a: {  	[tilespmem:s11], [sflag:$0x1] =	stream.indirect_vreg.gather [hbm4b:s3+s2], $0x80, v3, vm0, $0xb8;
	[tilespmem:$0x18200] =	vst v63  }
0x4b: {  	v3 =	vld [tilespmem:$0x30];
	_ =	sdelay $0x4  }
0x4c: {  	v35 =	vshll.u32 v3, $0x1  }
0x4d: {  	v3 =	vand.u32 $0x7, v3;
	v4 =	vand.u32 $0xFFFFFFF0, v35  }
0x4e: {  	v3 =	vor.u32 v3, v4  }
0x4f: {  	v4 =	vperm.xlane v3, v0;
	_ =	sdelay $0x1  }
0x50: {  	v3 =	vperm.xlane v3, v2;
	v4 =	vadd.s32 v1, v4;
	_ =	sdelay $0x1  }
0x51: {  	v3 =	vadd.s32 v1, v3;
	_ =	sdelay $0x2  }
0x52: {  	[tilespmem:s12], [sflag:$0x1] =	stream.indirect_vreg.gather [hbm4b:s3+s2], $0x80, v4, vm0, $0xb8;
	[tilespmem:$0x18200] =	vst v63  }
0x53: {  	_ = 	snop  }
0x54: {  	[tilespmem:s13], [sflag:$0x1] =	stream.indirect_vreg.gather [hbm4b:s3+s2], $0x80, v3, vm0, $0xb8;
	[tilespmem:$0x18200] =	vst v63  }
0x55: {  	v3 =	vld [tilespmem:$0x40];
	_ =	sdelay $0x4  }
0x56: {  	v36 =	vshll.u32 v3, $0x1  }
0x57: {  	v3 =	vand.u32 $0x7, v3;
	v4 =	vand.u32 $0xFFFFFFF0, v36  }
0x58: {  	v3 =	vor.u32 v3, v4  }
0x59: {  	v4 =	vperm.xlane v3, v0;
	_ =	sdelay $0x1  }
0x5a: {  	v3 =	vperm.xlane v3, v2;
	v4 =	vadd.s32 v1, v4;
	_ =	sdelay $0x1  }
0x5b: {  	v3 =	vadd.s32 v1, v3;
	_ =	sdelay $0x2  }
0x5c: {  	[tilespmem:s14], [sflag:$0x1] =	stream.indirect_vreg.gather [hbm4b:s3+s2], $0x80, v4, vm0, $0xb8;
	[tilespmem:$0x18200] =	vst v63  }
0x5d: {  	_ = 	snop  }
0x5e: {  	[tilespmem:s15], [sflag:$0x1] =	stream.indirect_vreg.gather [hbm4b:s3+s2], $0x80, v3, vm0, $0xb8;
	[tilespmem:$0x18200] =	vst v63  }
0x5f: {  	v3 =	vld [tilespmem:$0x50];
	_ =	sdelay $0x4  }
0x60: {  	v37 =	vshll.u32 v3, $0x1  }
0x61: {  	v3 =	vand.u32 $0x7, v3;
	v4 =	vand.u32 $0xFFFFFFF0, v37  }
0x62: {  	v3 =	vor.u32 v3, v4  }
0x63: {  	v4 =	vperm.xlane v3, v0;
	_ =	sdelay $0x1  }
0x64: {  	v3 =	vperm.xlane v3, v2;
	v4 =	vadd.s32 v1, v4;
	_ =	sdelay $0x1  }
0x65: {  	v3 =	vadd.s32 v1, v3;
	_ =	sdelay $0x2  }
0x66: {  	[tilespmem:s16], [sflag:$0x1] =	stream.indirect_vreg.gather [hbm4b:s3+s2], $0x80, v4, vm0, $0xb8;
	[tilespmem:$0x18200] =	vst v63  }
0x67: {  	_ = 	snop  }
0x68: {  	[tilespmem:s17], [sflag:$0x1] =	stream.indirect_vreg.gather [hbm4b:s3+s2], $0x80, v3, vm0, $0xb8;
	[tilespmem:$0x18200] =	vst v63  }
0x69: {  	v3 =	vld [tilespmem:$0x60];
	_ =	sdelay $0x4  }
0x6a: {  	v38 =	vshll.u32 v3, $0x1  }
0x6b: {  	v3 =	vand.u32 $0x7, v3;
	v4 =	vand.u32 $0xFFFFFFF0, v38  }
0x6c: {  	v3 =	vor.u32 v3, v4  }
0x6d: {  	v4 =	vperm.xlane v3, v0;
	_ =	sdelay $0x1  }
0x6e: {  	v3 =	vperm.xlane v3, v2;
	v4 =	vadd.s32 v1, v4;
	_ =	sdelay $0x1  }
0x6f: {  	v3 =	vadd.s32 v1, v3;
	_ =	sdelay $0x2  }
0x70: {  	[tilespmem:s18], [sflag:$0x1] =	stream.indirect_vreg.gather [hbm4b:s3+s2], $0x80, v4, vm0, $0xb8;
	[tilespmem:$0x18200] =	vst v63  }
0x71: {  	_ = 	snop  }
0x72: {  	[tilespmem:s19], [sflag:$0x1] =	stream.indirect_vreg.gather [hbm4b:s3+s2], $0x80, v3, vm0, $0xb8;
	[tilespmem:$0x18200] =	vst v63  }
0x73: {  	v3 =	vld [tilespmem:$0x70];
	_ =	sdelay $0x4  }
0x74: {  	v39 =	vshll.u32 v3, $0x1  }
0x75: {  	v3 =	vand.u32 $0x7, v3;
	v4 =	vand.u32 $0xFFFFFFF0, v39  }
0x76: {  	v3 =	vor.u32 v3, v4  }
0x77: {  	v4 =	vperm.xlane v3, v0;
	_ =	sdelay $0x1  }
0x78: {  	v3 =	vperm.xlane v3, v2;
	v4 =	vadd.s32 v1, v4;
	_ =	sdelay $0x1  }
0x79: {  	v3 =	vadd.s32 v1, v3;
	_ =	sdelay $0x2  }
0x7a: {  	[tilespmem:s20], [sflag:$0x1] =	stream.indirect_vreg.gather [hbm4b:s3+s2], $0x80, v4, vm0, $0xb8;
	[tilespmem:$0x18200] =	vst v63  }
0x7b: {  	_ = 	snop  }
0x7c: {  	[tilespmem:s21], [sflag:$0x1] =	stream.indirect_vreg.gather [hbm4b:s3+s2], $0x80, v3, vm0, $0xb8;
	[tilespmem:$0x18200] =	vst v63  }
0x7d: {  	v3 =	vld [tilespmem:$0x80];
	_ =	sdelay $0x4  }
0x7e: {  	v40 =	vshll.u32 v3, $0x1  }
0x7f: {  	v3 =	vand.u32 $0x7, v3;
	v4 =	vand.u32 $0xFFFFFFF0, v40  }
0x80: {  	v3 =	vor.u32 v3, v4  }
0x81: {  	v4 =	vperm.xlane v3, v0;
	_ =	sdelay $0x1  }
0x82: {  	v3 =	vperm.xlane v3, v2;
	v4 =	vadd.s32 v1, v4;
	_ =	sdelay $0x1  }
0x83: {  	v3 =	vadd.s32 v1, v3;
	_ =	sdelay $0x2  }
0x84: {  	[tilespmem:s22], [sflag:$0x2] =	stream.indirect_vreg.gather [hbm4b:s3+s2], $0x80, v4, vm0, $0xb8;
	[tilespmem:$0x18200] =	vst v63  }
0x85: {  	s24 =	rddreg [dreg:$0x7]  }
0x86: {  	[tilespmem:s24], [sflag:$0x2] =	stream.indirect_vreg.gather [hbm4b:s3+s2], $0x80, v3, vm0, $0xb8;
	[tilespmem:$0x18200] =	vst v63  }
0x87: {  	v3 =	vld [tilespmem:$0x90];
	_ =	sdelay $0x4  }
0x88: {  	v41 =	vshll.u32 v3, $0x1  }
0x89: {  	v3 =	vand.u32 $0x7, v3;
	v4 =	vand.u32 $0xFFFFFFF0, v41  }
0x8a: {  	v3 =	vor.u32 v3, v4  }
0x8b: {  	v4 =	vperm.xlane v3, v0;
	_ =	sdelay $0x1  }
0x8c: {  	v3 =	vperm.xlane v3, v2;
	v4 =	vadd.s32 v1, v4;
	_ =	sdelay $0x1  }
0x8d: {  	v3 =	vadd.s32 v1, v3;
	_ =	sdelay $0x1  }
0x8e: {  	s0 =	rddreg [dreg:$0x8]  }
0x8f: {  	[tilespmem:s0], [sflag:$0x2] =	stream.indirect_vreg.gather [hbm4b:s3+s2], $0x80, v4, vm0, $0xb8;
	[tilespmem:$0x18200] =	vst v63  }
0x90: {  	s24 =	rddreg [dreg:$0x9]  }
0x91: {  	[tilespmem:s24], [sflag:$0x2] =	stream.indirect_vreg.gather [hbm4b:s3+s2], $0x80, v3, vm0, $0xb8;
	[tilespmem:$0x18200] =	vst v63  }
0x92: {  	v3 =	vld [tilespmem:$0xA0];
	_ =	sdelay $0x4  }
0x93: {  	v42 =	vshll.u32 v3, $0x1  }
0x94: {  	v3 =	vand.u32 $0x7, v3;
	v4 =	vand.u32 $0xFFFFFFF0, v42  }
0x95: {  	v3 =	vor.u32 v3, v4  }
0x96: {  	v4 =	vperm.xlane v3, v0;
	_ =	sdelay $0x1  }
0x97: {  	v3 =	vperm.xlane v3, v2;
	v4 =	vadd.s32 v1, v4;
	_ =	sdelay $0x1  }
0x98: {  	v3 =	vadd.s32 v1, v3;
	_ =	sdelay $0x1  }
0x99: {  	s0 =	rddreg [dreg:$0xa]  }
0x9a: {  	[tilespmem:s0], [sflag:$0x2] =	stream.indirect_vreg.gather [hbm4b:s3+s2], $0x80, v4, vm0, $0xb8;
	[tilespmem:$0x18200] =	vst v63  }
0x9b: {  	s24 =	rddreg [dreg:$0xb]  }
0x9c: {  	[tilespmem:s24], [sflag:$0x2] =	stream.indirect_vreg.gather [hbm4b:s3+s2], $0x80, v3, vm0, $0xb8;
	[tilespmem:$0x18200] =	vst v63  }
0x9d: {  	v3 =	vld [tilespmem:$0xB0];
	_ =	sdelay $0x4  }
0x9e: {  	v43 =	vshll.u32 v3, $0x1  }
0x9f: {  	v3 =	vand.u32 $0x7, v3;
	v4 =	vand.u32 $0xFFFFFFF0, v43  }
0xa0: {  	v3 =	vor.u32 v3, v4  }
0xa1: {  	v4 =	vperm.xlane v3, v0;
	_ =	sdelay $0x1  }
0xa2: {  	v3 =	vperm.xlane v3, v2;
	v4 =	vadd.s32 v1, v4;
	_ =	sdelay $0x1  }
0xa3: {  	v3 =	vadd.s32 v1, v3;
	_ =	sdelay $0x1  }
0xa4: {  	s0 =	rddreg [dreg:$0xc]  }
0xa5: {  	[tilespmem:s0], [sflag:$0x2] =	stream.indirect_vreg.gather [hbm4b:s3+s2], $0x80, v4, vm0, $0xb8;
	[tilespmem:$0x18200] =	vst v63  }
0xa6: {  	s24 =	rddreg [dreg:$0xd]  }
0xa7: {  	[tilespmem:s24], [sflag:$0x2] =	stream.indirect_vreg.gather [hbm4b:s3+s2], $0x80, v3, vm0, $0xb8;
	[tilespmem:$0x18200] =	vst v63  }
0xa8: {  	v3 =	vld [tilespmem:$0xC0];
	_ =	sdelay $0x4  }
0xa9: {  	v44 =	vshll.u32 v3, $0x1  }
0xaa: {  	v3 =	vand.u32 $0x7, v3;
	v4 =	vand.u32 $0xFFFFFFF0, v44  }
0xab: {  	v3 =	vor.u32 v3, v4  }
0xac: {  	v4 =	vperm.xlane v3, v0;
	_ =	sdelay $0x1  }
0xad: {  	v3 =	vperm.xlane v3, v2;
	v4 =	vadd.s32 v1, v4;
	_ =	sdelay $0x1  }
0xae: {  	v3 =	vadd.s32 v1, v3;
	_ =	sdelay $0x1  }
0xaf: {  	s0 =	rddreg [dreg:$0xe]  }
0xb0: {  	[tilespmem:s0], [sflag:$0x2] =	stream.indirect_vreg.gather [hbm4b:s3+s2], $0x80, v4, vm0, $0xb8;
	[tilespmem:$0x18200] =	vst v63  }
0xb1: {  	s24 =	rddreg [dreg:$0xf]  }
0xb2: {  	[tilespmem:s24], [sflag:$0x2] =	stream.indirect_vreg.gather [hbm4b:s3+s2], $0x80, v3, vm0, $0xb8;
	[tilespmem:$0x18200] =	vst v63  }
0xb3: {  	v3 =	vld [tilespmem:$0xD0];
	_ =	sdelay $0x4  }
0xb4: {  	v45 =	vshll.u32 v3, $0x1  }
0xb5: {  	v3 =	vand.u32 $0x7, v3;
	v4 =	vand.u32 $0xFFFFFFF0, v45  }
0xb6: {  	v3 =	vor.u32 v3, v4  }
0xb7: {  	v4 =	vperm.xlane v3, v0;
	_ =	sdelay $0x1  }
0xb8: {  	v3 =	vperm.xlane v3, v2;
	v4 =	vadd.s32 v1, v4;
	_ =	sdelay $0x1  }
0xb9: {  	v3 =	vadd.s32 v1, v3;
	_ =	sdelay $0x1  }
0xba: {  	s0 =	rddreg [dreg:$0x10]  }
0xbb: {  	[tilespmem:s0], [sflag:$0x2] =	stream.indirect_vreg.gather [hbm4b:s3+s2], $0x80, v4, vm0, $0xb8;
	[tilespmem:$0x18200] =	vst v63  }
0xbc: {  	s24 =	rddreg [dreg:$0x11]  }
0xbd: {  	[tilespmem:s24], [sflag:$0x2] =	stream.indirect_vreg.gather [hbm4b:s3+s2], $0x80, v3, vm0, $0xb8;
	[tilespmem:$0x18200] =	vst v63  }
0xbe: {  	v3 =	vld [tilespmem:$0xE0];
	_ =	sdelay $0x4  }
0xbf: {  	v46 =	vshll.u32 v3, $0x1  }
0xc0: {  	v3 =	vand.u32 $0x7, v3;
	v4 =	vand.u32 $0xFFFFFFF0, v46  }
0xc1: {  	v3 =	vor.u32 v3, v4  }
0xc2: {  	v4 =	vperm.xlane v3, v0;
	_ =	sdelay $0x1  }
0xc3: {  	v3 =	vperm.xlane v3, v2;
	v4 =	vadd.s32 v1, v4;
	_ =	sdelay $0x1  }
0xc4: {  	v3 =	vadd.s32 v1, v3;
	_ =	sdelay $0x1  }
0xc5: {  	s0 =	rddreg [dreg:$0x12]  }
0xc6: {  	[tilespmem:s0], [sflag:$0x2] =	stream.indirect_vreg.gather [hbm4b:s3+s2], $0x80, v4, vm0, $0xb8;
	[tilespmem:$0x18200] =	vst v63  }
0xc7: {  	s24 =	rddreg [dreg:$0x13]  }
0xc8: {  	[tilespmem:s24], [sflag:$0x2] =	stream.indirect_vreg.gather [hbm4b:s3+s2], $0x80, v3, vm0, $0xb8;
	[tilespmem:$0x18200] =	vst v63  }
0xc9: {  	v3 =	vld [tilespmem:$0xF0];
	_ =	sdelay $0x4  }
0xca: {  	v47 =	vshll.u32 v3, $0x1  }
0xcb: {  	v3 =	vand.u32 $0x7, v3;
	v4 =	vand.u32 $0xFFFFFFF0, v47  }
0xcc: {  	v3 =	vor.u32 v3, v4  }
0xcd: {  	v4 =	vperm.xlane v3, v0;
	_ =	sdelay $0x1  }
0xce: {  	v3 =	vperm.xlane v3, v2;
	v4 =	vadd.s32 v1, v4;
	_ =	sdelay $0x1  }
0xcf: {  	v3 =	vadd.s32 v1, v3;
	_ =	sdelay $0x1  }
0xd0: {  	s0 =	rddreg [dreg:$0x14]  }
0xd1: {  	[tilespmem:s0], [sflag:$0x2] =	stream.indirect_vreg.gather [hbm4b:s3+s2], $0x80, v4, vm0, $0xb8;
	[tilespmem:$0x18200] =	vst v63  }
0xd2: {  	s24 =	rddreg [dreg:$0x15]  }
0xd3: {  	[tilespmem:s24], [sflag:$0x2] =	stream.indirect_vreg.gather [hbm4b:s3+s2], $0x80, v3, vm0, $0xb8;
	[tilespmem:$0x18200] =	vst v63  }
0xd4: {  	v3 =	vld [tilespmem:$0x100];
	_ =	sdelay $0x4  }
0xd5: {  	v48 =	vshll.u32 v3, $0x1  }
0xd6: {  	v3 =	vand.u32 $0x7, v3;
	v4 =	vand.u32 $0xFFFFFFF0, v48  }
0xd7: {  	v3 =	vor.u32 v3, v4  }
0xd8: {  	v4 =	vperm.xlane v3, v0;
	_ =	sdelay $0x1  }
0xd9: {  	v3 =	vperm.xlane v3, v2;
	v4 =	vadd.s32 v1, v4;
	_ =	sdelay $0x1  }
0xda: {  	v3 =	vadd.s32 v1, v3;
	_ =	sdelay $0x2  }
0xdb: {  	[tilespmem:s23], [sflag:$0x3] =	stream.indirect_vreg.gather [hbm4b:s3+s2], $0x80, v4, vm0, $0xb8;
	[tilespmem:$0x18200] =	vst v63  }
0xdc: {  	s24 =	rddreg [dreg:$0x16]  }
0xdd: {  	[tilespmem:s24], [sflag:$0x3] =	stream.indirect_vreg.gather [hbm4b:s3+s2], $0x80, v3, vm0, $0xb8;
	[tilespmem:$0x18200] =	vst v63  }
0xde: {  	v3 =	vld [tilespmem:$0x110];
	_ =	sdelay $0x4  }
0xdf: {  	v49 =	vshll.u32 v3, $0x1  }
0xe0: {  	v3 =	vand.u32 $0x7, v3;
	v4 =	vand.u32 $0xFFFFFFF0, v49  }
0xe1: {  	v3 =	vor.u32 v3, v4  }
0xe2: {  	v4 =	vperm.xlane v3, v0;
	_ =	sdelay $0x1  }
0xe3: {  	v3 =	vperm.xlane v3, v2;
	v4 =	vadd.s32 v1, v4;
	_ =	sdelay $0x1  }
0xe4: {  	v3 =	vadd.s32 v1, v3;
	_ =	sdelay $0x1  }
0xe5: {  	s0 =	rddreg [dreg:$0x17]  }
0xe6: {  	[tilespmem:s0], [sflag:$0x3] =	stream.indirect_vreg.gather [hbm4b:s3+s2], $0x80, v4, vm0, $0xb8;
	[tilespmem:$0x18200] =	vst v63  }
0xe7: {  	s24 =	rddreg [dreg:$0x18]  }
0xe8: {  	[tilespmem:s24], [sflag:$0x3] =	stream.indirect_vreg.gather [hbm4b:s3+s2], $0x80, v3, vm0, $0xb8;
	[tilespmem:$0x18200] =	vst v63  }
0xe9: {  	v3 =	vld [tilespmem:$0x120];
	_ =	sdelay $0x4  }
0xea: {  	v50 =	vshll.u32 v3, $0x1  }
0xeb: {  	v3 =	vand.u32 $0x7, v3;
	v4 =	vand.u32 $0xFFFFFFF0, v50  }
0xec: {  	v3 =	vor.u32 v3, v4  }
0xed: {  	v4 =	vperm.xlane v3, v0;
	_ =	sdelay $0x1  }
0xee: {  	v3 =	vperm.xlane v3, v2;
	v4 =	vadd.s32 v1, v4;
	_ =	sdelay $0x1  }
0xef: {  	v3 =	vadd.s32 v1, v3;
	_ =	sdelay $0x1  }
0xf0: {  	s0 =	rddreg [dreg:$0x19]  }
0xf1: {  	[tilespmem:s0], [sflag:$0x3] =	stream.indirect_vreg.gather [hbm4b:s3+s2], $0x80, v4, vm0, $0xb8;
	[tilespmem:$0x18200] =	vst v63  }
0xf2: {  	s24 =	rddreg [dreg:$0x1a]  }
0xf3: {  	[tilespmem:s24], [sflag:$0x3] =	stream.indirect_vreg.gather [hbm4b:s3+s2], $0x80, v3, vm0, $0xb8;
	[tilespmem:$0x18200] =	vst v63  }
0xf4: {  	v3 =	vld [tilespmem:$0x130];
	_ =	sdelay $0x4  }
0xf5: {  	v51 =	vshll.u32 v3, $0x1  }
0xf6: {  	v3 =	vand.u32 $0x7, v3;
	v4 =	vand.u32 $0xFFFFFFF0, v51  }
0xf7: {  	v3 =	vor.u32 v3, v4  }
0xf8: {  	v4 =	vperm.xlane v3, v0;
	_ =	sdelay $0x1  }
0xf9: {  	v3 =	vperm.xlane v3, v2;
	v4 =	vadd.s32 v1, v4;
	_ =	sdelay $0x1  }
0xfa: {  	v3 =	vadd.s32 v1, v3;
	_ =	sdelay $0x1  }
0xfb: {  	s0 =	rddreg [dreg:$0x1b]  }
0xfc: {  	[tilespmem:s0], [sflag:$0x3] =	stream.indirect_vreg.gather [hbm4b:s3+s2], $0x80, v4, vm0, $0xb8;
	[tilespmem:$0x18200] =	vst v63  }
0xfd: {  	s24 =	rddreg [dreg:$0x1c]  }
0xfe: {  	[tilespmem:s24], [sflag:$0x3] =	stream.indirect_vreg.gather [hbm4b:s3+s2], $0x80, v3, vm0, $0xb8;
	[tilespmem:$0x18200] =	vst v63  }
0xff: {  	v3 =	vld [tilespmem:$0x140];
	_ =	sdelay $0x4  }
0x100: {  	v52 =	vshll.u32 v3, $0x1  }
0x101: {  	v3 =	vand.u32 $0x7, v3;
	v4 =	vand.u32 $0xFFFFFFF0, v52  }
0x102: {  	v3 =	vor.u32 v3, v4  }
0x103: {  	v4 =	vperm.xlane v3, v0;
	_ =	sdelay $0x1  }
0x104: {  	v3 =	vperm.xlane v3, v2;
	v4 =	vadd.s32 v1, v4;
	_ =	sdelay $0x1  }
0x105: {  	v3 =	vadd.s32 v1, v3;
	_ =	sdelay $0x1  }
0x106: {  	s0 =	rddreg [dreg:$0x1d]  }
0x107: {  	[tilespmem:s0], [sflag:$0x3] =	stream.indirect_vreg.gather [hbm4b:s3+s2], $0x80, v4, vm0, $0xb8;
	[tilespmem:$0x18200] =	vst v63  }
0x108: {  	s24 =	rddreg [dreg:$0x1e]  }
0x109: {  	[tilespmem:s24], [sflag:$0x3] =	stream.indirect_vreg.gather [hbm4b:s3+s2], $0x80, v3, vm0, $0xb8;
	[tilespmem:$0x18200] =	vst v63  }
0x10a: {  	v3 =	vld [tilespmem:$0x150];
	_ =	sdelay $0x4  }
0x10b: {  	v53 =	vshll.u32 v3, $0x1  }
0x10c: {  	v3 =	vand.u32 $0x7, v3;
	v4 =	vand.u32 $0xFFFFFFF0, v53  }
0x10d: {  	v3 =	vor.u32 v3, v4  }
0x10e: {  	v4 =	vperm.xlane v3, v0;
	_ =	sdelay $0x1  }
0x10f: {  	v3 =	vperm.xlane v3, v2;
	v4 =	vadd.s32 v1, v4;
	_ =	sdelay $0x1  }
0x110: {  	v3 =	vadd.s32 v1, v3  }
0x111: {  	s0 =	rddreg [dreg:$0x1f]  }
0x112: {  	s24 =	sld [smem:$0x7FB]  }
0x113: {  	[tilespmem:s0], [sflag:$0x3] =	stream.indirect_vreg.gather [hbm4b:s3+s2], $0x80, v4, vm0, $0xb8;
	[tilespmem:$0x18200] =	vst v63  }
0x114: {  	_ = 	snop  }
0x115: {  	[tilespmem:s24], [sflag:$0x3] =	stream.indirect_vreg.gather [hbm4b:s3+s2], $0x80, v3, vm0, $0xb8;
	[tilespmem:$0x18200] =	vst v63  }
0x116: {  	v3 =	vld [tilespmem:$0x160];
	_ =	sdelay $0x4  }
0x117: {  	v54 =	vshll.u32 v3, $0x1  }
0x118: {  	v3 =	vand.u32 $0x7, v3;
	v4 =	vand.u32 $0xFFFFFFF0, v54  }
0x119: {  	v3 =	vor.u32 v3, v4  }
0x11a: {  	v4 =	vperm.xlane v3, v0;
	_ =	sdelay $0x1  }
0x11b: {  	v3 =	vperm.xlane v3, v2;
	v4 =	vadd.s32 v1, v4;
	_ =	sdelay $0x1  }
0x11c: {  	s0 =	sld [smem:$0x7FC];
	v3 =	vadd.s32 v1, v3;
	_ =	sdelay $0x1  }
0x11d: {  	s24 =	sld [smem:$0x7FD]  }
0x11e: {  	[tilespmem:s0], [sflag:$0x3] =	stream.indirect_vreg.gather [hbm4b:s3+s2], $0x80, v4, vm0, $0xb8;
	[tilespmem:$0x18200] =	vst v63  }
0x11f: {  	_ = 	snop  }
0x120: {  	[tilespmem:s24], [sflag:$0x3] =	stream.indirect_vreg.gather [hbm4b:s3+s2], $0x80, v3, vm0, $0xb8;
	[tilespmem:$0x18200] =	vst v63  }
0x121: {  	v3 =	vld [tilespmem:$0x170];
	_ =	sdelay $0x4  }
0x122: {  	v55 =	vshll.u32 v3, $0x1  }
0x123: {  	v3 =	vand.u32 $0x7, v3;
	v4 =	vand.u32 $0xFFFFFFF0, v55  }
0x124: {  	v3 =	vor.u32 v3, v4  }
0x125: {  	v4 =	vperm.xlane v3, v0;
	_ =	sdelay $0x1  }
0x126: {  	v3 =	vperm.xlane v3, v2;
	v4 =	vadd.s32 v1, v4;
	_ =	sdelay $0x1  }
0x127: {  	v3 =	vadd.s32 v1, v3;
	_ =	sdelay $0x1  }
0x128: {  	s24 =	simm.s32 $0x17200  }
0x129: {  	[tilespmem:s24], [sflag:$0x3] =	stream.indirect_vreg.gather [hbm4b:s3+s2], $0x80, v4, vm0, $0xb8;
	[tilespmem:$0x18200] =	vst v63  }
0x12a: {  	_ = 	snop  }
0x12b: {  	[tilespmem:s25], [sflag:$0x3] =	stream.indirect_vreg.gather [hbm4b:s3+s2], $0x80, v3, vm0, $0xb8;
	[tilespmem:$0x18200] =	vst v63  }
0x12c: {  	_ =	swait.ge [sflag:s26], $0x8000  }
0x12d: {  	[sflag:s26] =	ssyncset.done $0x0  }
0x12e: {  	s24 =	rddreg [dreg:$0x3];
	[sflag:s26] =	ssyncadd.s32 $0xFFFF8000  }
0x12f: {  	[hbm4b:s24+s2] =	stream.linear.scatter [tilespmem:s6], [sflag:$0x4], $0x8000, $0x38;
	[tilespmem:$0x18200] =	vst v63  }
0x130: {  	_ =	swait.ge [sflag:s28], $0x8000  }
0x131: {  	[sflag:s28] =	ssyncset.done $0x0  }
0x132: {  	[sflag:s28] =	ssyncadd.s32 $0xFFFF8000  }
0x133: {  	v3 =	vld [tilespmem:$0x180];
	_ =	sdelay $0x4  }
0x134: {  	v56 =	vshll.u32 v3, $0x1  }
0x135: {  	v3 =	vand.u32 $0x7, v3;
	v4 =	vand.u32 $0xFFFFFFF0, v56  }
0x136: {  	v3 =	vor.u32 v3, v4  }
0x137: {  	v4 =	vperm.xlane v3, v0;
	_ =	sdelay $0x1  }
0x138: {  	v3 =	vperm.xlane v3, v2;
	v4 =	vadd.s32 v1, v4;
	_ =	sdelay $0x1  }
0x139: {  	v3 =	vadd.s32 v1, v3;
	_ =	sdelay $0x2  }
0x13a: {  	[tilespmem:s6], [sflag:$0x1] =	stream.indirect_vreg.gather [hbm4b:s3+s2], $0x80, v4, vm0, $0xb8;
	[tilespmem:$0x18200] =	vst v63  }
0x13b: {  	_ = 	snop  }
0x13c: {  	[tilespmem:s7], [sflag:$0x1] =	stream.indirect_vreg.gather [hbm4b:s3+s2], $0x80, v3, vm0, $0xb8;
	[tilespmem:$0x18200] =	vst v63  }
0x13d: {  	v3 =	vld [tilespmem:$0x190];
	_ =	sdelay $0x4  }
0x13e: {  	v57 =	vshll.u32 v3, $0x1  }
0x13f: {  	v3 =	vand.u32 $0x7, v3;
	v4 =	vand.u32 $0xFFFFFFF0, v57  }
0x140: {  	v3 =	vor.u32 v3, v4  }
0x141: {  	v4 =	vperm.xlane v3, v0;
	_ =	sdelay $0x1  }
0x142: {  	v3 =	vperm.xlane v3, v2;
	v4 =	vadd.s32 v1, v4;
	_ =	sdelay $0x1  }
0x143: {  	v3 =	vadd.s32 v1, v3;
	_ =	sdelay $0x2  }
0x144: {  	[tilespmem:s8], [sflag:$0x1] =	stream.indirect_vreg.gather [hbm4b:s3+s2], $0x80, v4, vm0, $0xb8;
	[tilespmem:$0x18200] =	vst v63  }
0x145: {  	_ = 	snop  }
0x146: {  	[tilespmem:s9], [sflag:$0x1] =	stream.indirect_vreg.gather [hbm4b:s3+s2], $0x80, v3, vm0, $0xb8;
	[tilespmem:$0x18200] =	vst v63  }
0x147: {  	v3 =	vld [tilespmem:$0x1A0];
	_ =	sdelay $0x4  }
0x148: {  	v58 =	vshll.u32 v3, $0x1  }
0x149: {  	v3 =	vand.u32 $0x7, v3;
	v4 =	vand.u32 $0xFFFFFFF0, v58  }
0x14a: {  	v3 =	vor.u32 v3, v4  }
0x14b: {  	v4 =	vperm.xlane v3, v0;
	_ =	sdelay $0x1  }
0x14c: {  	v3 =	vperm.xlane v3, v2;
	v4 =	vadd.s32 v1, v4;
	_ =	sdelay $0x1  }
0x14d: {  	v3 =	vadd.s32 v1, v3;
	_ =	sdelay $0x2  }
0x14e: {  	[tilespmem:s10], [sflag:$0x1] =	stream.indirect_vreg.gather [hbm4b:s3+s2], $0x80, v4, vm0, $0xb8;
	[tilespmem:$0x18200] =	vst v63  }
0x14f: {  	_ = 	snop  }
0x150: {  	[tilespmem:s11], [sflag:$0x1] =	stream.indirect_vreg.gather [hbm4b:s3+s2], $0x80, v3, vm0, $0xb8;
	[tilespmem:$0x18200] =	vst v63  }
0x151: {  	v3 =	vld [tilespmem:$0x1B0];
	_ =	sdelay $0x4  }
0x152: {  	v59 =	vshll.u32 v3, $0x1  }
0x153: {  	v3 =	vand.u32 $0x7, v3;
	v4 =	vand.u32 $0xFFFFFFF0, v59  }
0x154: {  	v3 =	vor.u32 v3, v4  }
0x155: {  	v4 =	vperm.xlane v3, v0;
	_ =	sdelay $0x1  }
0x156: {  	v3 =	vperm.xlane v3, v2;
	v4 =	vadd.s32 v1, v4;
	_ =	sdelay $0x1  }
0x157: {  	v3 =	vadd.s32 v1, v3;
	_ =	sdelay $0x2  }
0x158: {  	[tilespmem:s12], [sflag:$0x1] =	stream.indirect_vreg.gather [hbm4b:s3+s2], $0x80, v4, vm0, $0xb8;
	[tilespmem:$0x18200] =	vst v63  }
0x159: {  	_ = 	snop  }
0x15a: {  	[tilespmem:s13], [sflag:$0x1] =	stream.indirect_vreg.gather [hbm4b:s3+s2], $0x80, v3, vm0, $0xb8;
	[tilespmem:$0x18200] =	vst v63  }
0x15b: {  	v3 =	vld [tilespmem:$0x1C0];
	_ =	sdelay $0x4  }
0x15c: {  	v60 =	vshll.u32 v3, $0x1  }
0x15d: {  	v3 =	vand.u32 $0x7, v3;
	v4 =	vand.u32 $0xFFFFFFF0, v60  }
0x15e: {  	v3 =	vor.u32 v3, v4  }
0x15f: {  	v4 =	vperm.xlane v3, v0;
	_ =	sdelay $0x1  }
0x160: {  	v3 =	vperm.xlane v3, v2;
	v4 =	vadd.s32 v1, v4;
	_ =	sdelay $0x1  }
0x161: {  	v3 =	vadd.s32 v1, v3;
	_ =	sdelay $0x2  }
0x162: {  	[tilespmem:s14], [sflag:$0x1] =	stream.indirect_vreg.gather [hbm4b:s3+s2], $0x80, v4, vm0, $0xb8;
	[tilespmem:$0x18200] =	vst v63  }
0x163: {  	_ = 	snop  }
0x164: {  	[tilespmem:s15], [sflag:$0x1] =	stream.indirect_vreg.gather [hbm4b:s3+s2], $0x80, v3, vm0, $0xb8;
	[tilespmem:$0x18200] =	vst v63  }
0x165: {  	v3 =	vld [tilespmem:$0x1D0];
	_ =	sdelay $0x4  }
0x166: {  	v61 =	vshll.u32 v3, $0x1  }
0x167: {  	v3 =	vand.u32 $0x7, v3;
	v4 =	vand.u32 $0xFFFFFFF0, v61  }
0x168: {  	v3 =	vor.u32 v3, v4  }
0x169: {  	v4 =	vperm.xlane v3, v0;
	_ =	sdelay $0x1  }
0x16a: {  	v3 =	vperm.xlane v3, v2;
	v4 =	vadd.s32 v1, v4;
	_ =	sdelay $0x1  }
0x16b: {  	v3 =	vadd.s32 v1, v3;
	_ =	sdelay $0x2  }
0x16c: {  	[tilespmem:s16], [sflag:$0x1] =	stream.indirect_vreg.gather [hbm4b:s3+s2], $0x80, v4, vm0, $0xb8;
	[tilespmem:$0x18200] =	vst v63  }
0x16d: {  	_ = 	snop  }
0x16e: {  	[tilespmem:s17], [sflag:$0x1] =	stream.indirect_vreg.gather [hbm4b:s3+s2], $0x80, v3, vm0, $0xb8;
	[tilespmem:$0x18200] =	vst v63  }
0x16f: {  	v3 =	vld [tilespmem:$0x1E0];
	_ =	sdelay $0x4  }
0x170: {  	v62 =	vshll.u32 v3, $0x1  }
0x171: {  	v3 =	vand.u32 $0x7, v3;
	v4 =	vand.u32 $0xFFFFFFF0, v62  }
0x172: {  	v3 =	vor.u32 v3, v4  }
0x173: {  	v4 =	vperm.xlane v3, v0;
	_ =	sdelay $0x1  }
0x174: {  	v3 =	vperm.xlane v3, v2;
	v4 =	vadd.s32 v1, v4;
	_ =	sdelay $0x1  }
0x175: {  	v3 =	vadd.s32 v1, v3;
	_ =	sdelay $0x2  }
0x176: {  	[tilespmem:s18], [sflag:$0x1] =	stream.indirect_vreg.gather [hbm4b:s3+s2], $0x80, v4, vm0, $0xb8;
	[tilespmem:$0x18200] =	vst v63  }
0x177: {  	_ = 	snop  }
0x178: {  	[tilespmem:s19], [sflag:$0x1] =	stream.indirect_vreg.gather [hbm4b:s3+s2], $0x80, v3, vm0, $0xb8;
	[tilespmem:$0x18200] =	vst v63  }
0x179: {  	v3 =	vld [tilespmem:$0x1F0];
	_ =	sdelay $0x4  }
0x17a: {  	v63 =	vshll.u32 v3, $0x1  }
0x17b: {  	v3 =	vand.u32 $0x7, v3;
	v4 =	vand.u32 $0xFFFFFFF0, v63  }
0x17c: {  	v3 =	vor.u32 v3, v4  }
0x17d: {  	v4 =	vperm.xlane v3, v0;
	_ =	sdelay $0x1  }
0x17e: {  	v3 =	vperm.xlane v3, v2;
	v4 =	vadd.s32 v1, v4;
	_ =	sdelay $0x1  }
0x17f: {  	v3 =	vadd.s32 v1, v3;
	_ =	sdelay $0x2  }
0x180: {  	[tilespmem:s20], [sflag:$0x1] =	stream.indirect_vreg.gather [hbm4b:s3+s2], $0x80, v4, vm0, $0xb8;
	[tilespmem:$0x18200] =	vst v63  }
0x181: {  	_ = 	snop  }
0x182: {  	[tilespmem:s21], [sflag:$0x1] =	stream.indirect_vreg.gather [hbm4b:s3+s2], $0x80, v3, vm0, $0xb8;
	[tilespmem:$0x18200] =	vst v63  }
0x183: {  	_ =	swait.ge [sflag:s29], $0x8000  }
0x184: {  	[sflag:s29] =	ssyncset.done $0x0  }
0x185: {  	s24 =	rddreg [dreg:$0x4];
	[sflag:s29] =	ssyncadd.s32 $0xFFFF8000  }
0x186: {  	[hbm4b:s24+s2] =	stream.linear.scatter [tilespmem:s22], [sflag:$0x5], $0x8000, $0x38;
	[tilespmem:$0x18200] =	vst v63  }
0x187: {  	_ =	swait.ge [sflag:s30], $0x8000  }
0x188: {  	[sflag:s30] =	ssyncset.done $0x0  }
0x189: {  	s24 =	rddreg [dreg:$0x5];
	[sflag:s30] =	ssyncadd.s32 $0xFFFF8000  }
0x18a: {  	[hbm4b:s24+s2] =	stream.linear.scatter [tilespmem:s23], [sflag:$0x6], $0x8000, $0x38;
	[tilespmem:$0x18200] =	vst v63  }
0x18b: {  	_ =	swait.ge [sflag:s26], $0x8000  }
0x18c: {  	[sflag:s26] =	ssyncset.done $0x0  }
0x18d: {  	s24 =	rddreg [dreg:$0x6];
	[sflag:s26] =	ssyncadd.s32 $0xFFFF8000  }
0x18e: {  	[hbm4b:s24+s2] =	stream.linear.scatter [tilespmem:s6], [sflag:$0x4], $0x8000, $0x38;
	[tilespmem:$0x18200] =	vst v63  }
0x18f: {  	_ =	swait.ge [sflag:s31], $0x8000  }
0x190: {  	[sflag:s31] =	ssyncset.done $0x0  }
0x191: {  	[sflag:s31] =	ssyncadd.s32 $0xFFFF8000  }
0x192: {  	p0 =	sne.s32 s4, $0x1;
	_ =	swait.ge [sflag:s1], $0x8000  }
.Ltmp0:
0x193: {  	[sflag:s1] =	ssyncset.done $0x0;
	(pc) =	sbr.rel @p0 .LBB2_1-.Ltmp0, $4  }
0x194: {  	[sflag:s1] =	ssyncadd.s32 $0xFFFF8000  }
0x195: {  	_ =	swait.ge [sflag:s28], $0x8000  }
0x196: {  	[sflag:s28] =	ssyncset.done $0x0  }
0x197: {  	s4 =	sadd.s32 $0xFFFFFFFF, s4;
	[sflag:s28] =	ssyncadd.s32 $0xFFFF8000  }
0x198: {  	_ =	sfence.sel $0x180000  }
0x199: {  	[bflag:$0x0] =	sbarrier.arrive $0xFFFF  }
0x19a: {  	_ =	strace $0x90000047  }
0x19b: {  	s0 =	stileid.u32;
	[bflag:$0x2] =	sbarrier.arrive $0xFFFF  }
0x19c: {  	p0 =	sne.s32 s0, $0x0;
	s0 =	rddreg [dreg:$0x1]  }
0x19d: {  	s0 =	sadd.s32 @!p0 $0x100000, s0  }
0x19e: {  	[sflag:s0] =	ssyncadd.tile.s32 @!p0 $0x1;
	_ =	shalt  }
.Lfunc_end2:
_tile_overlayer_lowered:
.L_overlay_start_2:
0x19f: {  	(tag) =	ssettag $0x2  }
0x1a0: {  	s0 =	rddreg [dreg:$0x0];
	s2 =	stileid.u32  }
0x1a1: {  	s1 =	rddreg [dreg:$0x1];
	p0 =	sne.s32 s2, $0x0  }
0x1a2: {  	s3 =	rddreg [dreg:$0x2];
	[bflag:$0x3] =	sbarrier.arrive $0xFFFF;
	s2 =	simm.s32 @!p0 $0x1C07  }
0x1a3: {  	[timem:s3], [sflag:s2] =	dma.local @!p0 [hbm:s0], s1  }
0x1a4: {  	s0 =	simm.s32 @!p0 $0x7  }
0x1a5: {  	_ =	swait.ge @!p0 [sflag:s0], s1  }
0x1a6: {  	s1 =	ssub.s32 @!p0 $0x0, s1;
	[sflag:s0] =	ssyncset.done @!p0 $0x0  }
0x1a7: {  	[sflag:s0] =	ssyncadd.s32 @!p0 s1  }
0x1a8: {  	[bflag:$0x3] =	sbarrier.arrive $0xFFFF  }
0x1a9: {  	_ =	shalt  }

</sc_bundles>
